<compile_context>
chip_gen: v7x
topology: tpu7x:2x2x1
jax: 0.10.2.dev20260603
libtpu: 0.0.44.dev20260713+nightly
codegen_flags: <defaults>
</compile_context>

<pallas_src>
import functools

import jax
import jax.numpy as jnp
from jax import lax
from jax.experimental import pallas as pl
from jax.experimental.pallas import tpu as pltpu
from jax.experimental.pallas import tpu_sc as plsc

NC = 2
NS = 16
NW = NC * NS
L = 16

B = 4096
S = 200
D = 32
V = 1000000
Q = 1 << 18
CBO = 2048
GRID = Q // CBO
QB = Q // CBO
BPW = B // NW
G = 4
GS = G * S
NG = BPW // G
STREAMS = ((0, 128), (128, 128), (256, 128), (384, 128),
           (512, 128), (640, 128), (768, 32))


def _sc_body(tok_hbm, table_hbm, out_hbm, tokf_v, rows0, rows1, out_v,
             sem0, sem1):
    cid = lax.axis_index("c")
    sid = lax.axis_index("s")
    wid = sid * NC + cid

    pltpu.sync_copy(tok_hbm.at[wid], tokf_v)

    rows = (rows0, rows1)
    sems = (sem0, sem1)

    def start_gather(g, b):
        tb = g * GS
        for off, ln in STREAMS:
            pltpu.async_copy(table_hbm.at[tokf_v.at[pl.ds(tb + off, ln)]],
                             rows[b].at[pl.ds(off, ln)], sems[b])

    def wait_gather(b):
        pltpu.make_async_copy(table_hbm.at[pl.ds(0, GS)], rows[b], sems[b]).wait()

    zero = jnp.zeros((L,), jnp.float32)
    lane = lax.iota(jnp.int32, 16)
    one = jnp.ones((L,), jnp.float32)

    def compute(g, b):
        rb = rows[b]

        def body2(r, accs):
            accs = list(accs)
            rr = r * 2
            for u in range(G):
                ub = u * S
                for k in range(2):
                    a = u * 4 + k * 2
                    accs[a] = accs[a] + rb[ub + rr + k, pl.ds(0, L)]
                    accs[a + 1] = accs[a + 1] + rb[ub + rr + k, pl.ds(L, L)]
            return tuple(accs)

        accs = lax.fori_loop(0, S // 2, body2, (zero,) * (4 * G))

        for u in range(G):
            s = g * G + u
            o0 = accs[u * 4] + accs[u * 4 + 2]
            o1 = accs[u * 4 + 1] + accs[u * 4 + 3]

            base = s * S
            cnt = zero
            for k in range(S // L):
                t = tokf_v[pl.ds(base + k * L, L)]
                cnt = cnt + jnp.where(t != 0, 1.0, 0.0)
            t = tokf_v[pl.ds(base + S - L, L)]
            cnt = cnt + jnp.where((t != 0) & (lane >= L - S % L), 1.0, 0.0)

            inv = 1.0 / jnp.maximum(jnp.broadcast_to(jnp.sum(cnt), (L,)), one)
            out_v[s, pl.ds(0, L)] = o0 * inv
            out_v[s, pl.ds(L, L)] = o1 * inv

    start_gather(0, 0)
    start_gather(1, 1)

    def pair(i, _):
        g0 = i * 2
        wait_gather(0)
        compute(g0, 0)

        @pl.when(g0 + 2 < NG)
        def _():
            start_gather(g0 + 2, 0)

        wait_gather(1)
        compute(g0 + 1, 1)

        @pl.when(g0 + 3 < NG)
        def _():
            start_gather(g0 + 3, 1)

        return 0

    lax.fori_loop(0, NG // 2, pair, 0)

    pltpu.sync_copy(out_v, out_hbm.at[pl.ds(wid * BPW, BPW)])


def _format_body(x0, x1, x2, x3, o_ref):
    x = jnp.concatenate([x0[...], x1[...], x2[...], x3[...]], axis=0)
    o_ref[...] = x.T


def _tc_format(table):
    last = V // CBO
    specs = [pl.BlockSpec(
        (D, CBO), lambda g, u=u: (0, jnp.minimum(u * QB + g, last)))
        for u in range(4)]
    lin = pl.pallas_call(
        _format_body,
        grid=(GRID,),
        in_specs=specs,
        out_specs=pl.BlockSpec((CBO, 4 * D), lambda g: (g, 0)),
        out_shape=jax.ShapeDtypeStruct((Q, 4 * D), jnp.float32),
    )(table.T, table.T, table.T, table.T)
    return lin.reshape(4 * Q, D)


@jax.jit
def _sc_call(tok_flat, table):
    mesh = plsc.VectorSubcoreMesh(core_axis_name="c", subcore_axis_name="s")
    return pl.kernel(
        _sc_body,
        out_type=jax.ShapeDtypeStruct((B, D), jnp.float32),
        mesh=mesh,
        compiler_params=pltpu.CompilerParams(
            needs_layout_passes=False, use_tc_tiling_on_sc=False),
        scratch_types=[
            pltpu.VMEM((BPW * S,), jnp.int32),
            pltpu.VMEM((GS, D), jnp.float32),
            pltpu.VMEM((GS, D), jnp.float32),
            pltpu.VMEM((BPW, D), jnp.float32),
            pltpu.SemaphoreType.DMA,
            pltpu.SemaphoreType.DMA,
        ],
    )(tok_flat, table)


def kernel(token_ids, table):
    tok = ((token_ids & (Q - 1)) << 2) | (token_ids >> 18)
    tok_flat = tok.reshape(NW, BPW * S)
    return _sc_call(tok_flat, _tc_format(table))

# --- scband reference (transcript-rebuilt; emitter-appended) ---
"""Pipeline reference for scband-text-encoder-43456479101584 (READ-ONLY COPY).

The authoritative reference and input builder live on the scoring server;
editing this copy changes nothing except your own understanding.
"""

import jax, jax.numpy as jnp
import numpy as np

VOCAB = 1000000
EMBED_DIM = 32
PAD = 0
BATCH = 4096
SEQ = 200


def setup_inputs(seed: int = 0) -> dict:
    key = jax.random.key(seed)
    k1, k2 = jax.random.split(key)
    token_ids = jax.random.randint(k1, (BATCH, SEQ), 0, VOCAB, dtype=jnp.int32)
    table = jax.random.normal(k2, (VOCAB, EMBED_DIM), dtype=jnp.float32)
    # nn.Embedding with padding_idx zero-initializes (and freezes) the padding row
    table = table.at[PAD].set(0.0)
    return {"token_ids": token_ids, "table": table}


def reference(token_ids, table):
    # gather embeddings: (B, L, D)
    emb_per_token = jnp.take(table, token_ids, axis=0)
    # mask of non-padding tokens
    mask = (token_ids != PAD).astype(jnp.float32)
    tokens_per_seq = jnp.clip(jnp.sum(mask, axis=-1), 1.0, None)
    # sum over sequence dim and divide by valid-token count (mean pooling)
    return jnp.sum(emb_per_token, axis=1) / tokens_per_seq[:, None]

if __name__ == "__main__":
    import jax
    _d = setup_inputs()
    print(jax.jit(kernel)(*tuple(_d.values())))

</pallas_src>

<mosaic_0001>
#map = affine_map<(d0, d1) -> (0, 0)>
module attributes {stable_mosaic.version = 14 : i64} {
  func.func @_sc_body(%arg0: i32, %arg1: i32, %arg2: memref<32x25600xi32, #tpu.memory_space<hbm>>, %arg3: memref<1048576x32xf32, #tpu.memory_space<hbm>>, %arg4: memref<4096x32xf32, #tpu.memory_space<hbm>>, %arg5: memref<25600xi32, #tpu.memory_space<vmem>>, %arg6: memref<800x32xf32, #tpu.memory_space<vmem>>, %arg7: memref<800x32xf32, #tpu.memory_space<vmem>>, %arg8: memref<128x32xf32, #tpu.memory_space<vmem>>, %arg9: memref<!tpu.dma_semaphore, #tpu.memory_space<semaphore_mem>>, %arg10: memref<!tpu.dma_semaphore, #tpu.memory_space<semaphore_mem>>) attributes {dimension_semantics = [#tpu.dimension_semantics<core_parallel>, #tpu.dimension_semantics<subcore_parallel>], iteration_bounds = array<i64: 2, 16>, scalar_prefetch = 0 : i64, scratch_operands = 6 : i64, tpu.core_type = #tpu.core_type<sc_vector_subcore>, window_params = [{transform_indices = #map}, {transform_indices = #map}, {transform_indices = #map}]} {
    %mul3A = arith.constant 2 : i32
    %mul3A_0 = arith.muli %arg1, %mul3A : i32
    %add3A = arith.addi %mul3A_0, %arg0 : i32
    "tpu.region"() ({
      %run_scoped3A = tpu.sem_alloc : memref<!tpu.dma_semaphore, #tpu.memory_space<semaphore_mem>>
      %dma_start3A_123 = arith.constant 0 : i32
      %dma_start3A_124 = tpu.memref_slice %arg2[%add3A, %dma_start3A_123] : memref<32x25600xi32, #tpu.memory_space<hbm>> -> memref<1x25600xi32, #tpu.memory_space<hbm>>
      %dma_start3A_125 = tpu.memref_squeeze %dma_start3A_124 : memref<1x25600xi32, #tpu.memory_space<hbm>> -> memref<25600xi32, #tpu.memory_space<hbm>>
      %dma_start3A_126 = arith.constant 0 : i32
      %dma_start3A_127 = tpu.memref_slice %arg2[%add3A, %dma_start3A_126] : memref<32x25600xi32, #tpu.memory_space<hbm>> -> memref<1x25600xi32, #tpu.memory_space<hbm>>
      %dma_start3A_128 = tpu.memref_squeeze %dma_start3A_127 : memref<1x25600xi32, #tpu.memory_space<hbm>> -> memref<25600xi32, #tpu.memory_space<hbm>>
      tpu.enqueue_dma source(%dma_start3A_128 : memref<25600xi32, #tpu.memory_space<hbm>>) target(%arg5 : memref<25600xi32, #tpu.memory_space<vmem>>) target_semaphore(%run_scoped3A : memref<!tpu.dma_semaphore, #tpu.memory_space<semaphore_mem>>)
      %dma_wait3A = arith.constant 0 : i32
      %dma_wait3A_129 = tpu.memref_slice %arg2[%add3A, %dma_wait3A] : memref<32x25600xi32, #tpu.memory_space<hbm>> -> memref<1x25600xi32, #tpu.memory_space<hbm>>
      %dma_wait3A_130 = tpu.memref_squeeze %dma_wait3A_129 : memref<1x25600xi32, #tpu.memory_space<hbm>> -> memref<25600xi32, #tpu.memory_space<hbm>>
      %dma_wait3A_131 = arith.constant 0 : i32
      %dma_wait3A_132 = tpu.memref_slice %arg2[%add3A, %dma_wait3A_131] : memref<32x25600xi32, #tpu.memory_space<hbm>> -> memref<1x25600xi32, #tpu.memory_space<hbm>>
      %dma_wait3A_133 = tpu.memref_squeeze %dma_wait3A_132 : memref<1x25600xi32, #tpu.memory_space<hbm>> -> memref<25600xi32, #tpu.memory_space<hbm>>
      tpu.wait_dma2 semaphore(%run_scoped3A : memref<!tpu.dma_semaphore, #tpu.memory_space<semaphore_mem>>) src(%dma_wait3A_133 : memref<25600xi32, #tpu.memory_space<hbm>>) dst(%arg5 : memref<25600xi32, #tpu.memory_space<vmem>>)
      tpu.yield
    }) : () -> ()
    %broadcast_in_dim3A = arith.constant 0.000000e+00 : f32
    %broadcast_in_dim3A_1 = vector.broadcast %broadcast_in_dim3A : f32 to vector<16xf32>
    %iota3A = tpu.iota {dimensions = array<i32: 0>} : vector<16xi32>
    %broadcast_in_dim3A_2 = arith.constant 1.000000e+00 : f32
    %broadcast_in_dim3A_3 = vector.broadcast %broadcast_in_dim3A_2 : f32 to vector<16xf32>
    %dma_start3A = arith.constant 0 : i32
    %dma_start3A_4 = arith.constant 0 : i32
    %dma_start3A_5 = tpu.memref_slice %arg6[%dma_start3A, %dma_start3A_4] : memref<800x32xf32, #tpu.memory_space<vmem>> -> memref<128x32xf32, #tpu.memory_space<vmem>>
    %dma_start3A_6 = arith.constant 0 : i32
    %dma_start3A_7 = tpu.memref_slice %arg5[%dma_start3A_6] : memref<25600xi32, #tpu.memory_space<vmem>> -> memref<128xi32, #tpu.memory_space<vmem>>
    %dma_start3A_8 = arith.constant 0 : i32
    %dma_start3A_9 = arith.constant 0 : i32
    %dma_start3A_10 = tpu.memref_slice %arg3[%dma_start3A_8, %dma_start3A_9] : memref<1048576x32xf32, #tpu.memory_space<hbm>> -> memref<1048576x32xf32, #tpu.memory_space<hbm>>
    tpu.enqueue_indirect_dma source(%dma_start3A_10 : memref<1048576x32xf32, #tpu.memory_space<hbm>>) target(%dma_start3A_5 : memref<128x32xf32, #tpu.memory_space<vmem>>) offsets(%dma_start3A_7 : memref<128xi32, #tpu.memory_space<vmem>>) semaphore(%arg9 : memref<!tpu.dma_semaphore, #tpu.memory_space<semaphore_mem>>)
    %dma_start3A_11 = arith.constant 128 : i32
    %dma_start3A_12 = arith.constant 0 : i32
    %dma_start3A_13 = tpu.memref_slice %arg6[%dma_start3A_11, %dma_start3A_12] : memref<800x32xf32, #tpu.memory_space<vmem>> -> memref<128x32xf32, #tpu.memory_space<vmem>>
    %dma_start3A_14 = arith.constant 128 : i32
    %dma_start3A_15 = tpu.memref_slice %arg5[%dma_start3A_14] : memref<25600xi32, #tpu.memory_space<vmem>> -> memref<128xi32, #tpu.memory_space<vmem>>
    %dma_start3A_16 = arith.constant 0 : i32
    %dma_start3A_17 = arith.constant 0 : i32
    %dma_start3A_18 = tpu.memref_slice %arg3[%dma_start3A_16, %dma_start3A_17] : memref<1048576x32xf32, #tpu.memory_space<hbm>> -> memref<1048576x32xf32, #tpu.memory_space<hbm>>
    tpu.enqueue_indirect_dma source(%dma_start3A_18 : memref<1048576x32xf32, #tpu.memory_space<hbm>>) target(%dma_start3A_13 : memref<128x32xf32, #tpu.memory_space<vmem>>) offsets(%dma_start3A_15 : memref<128xi32, #tpu.memory_space<vmem>>) semaphore(%arg9 : memref<!tpu.dma_semaphore, #tpu.memory_space<semaphore_mem>>)
    %dma_start3A_19 = arith.constant 256 : i32
    %dma_start3A_20 = arith.constant 0 : i32
    %dma_start3A_21 = tpu.memref_slice %arg6[%dma_start3A_19, %dma_start3A_20] : memref<800x32xf32, #tpu.memory_space<vmem>> -> memref<128x32xf32, #tpu.memory_space<vmem>>
    %dma_start3A_22 = arith.constant 256 : i32
    %dma_start3A_23 = tpu.memref_slice %arg5[%dma_start3A_22] : memref<25600xi32, #tpu.memory_space<vmem>> -> memref<128xi32, #tpu.memory_space<vmem>>
    %dma_start3A_24 = arith.constant 0 : i32
    %dma_start3A_25 = arith.constant 0 : i32
    %dma_start3A_26 = tpu.memref_slice %arg3[%dma_start3A_24, %dma_start3A_25] : memref<1048576x32xf32, #tpu.memory_space<hbm>> -> memref<1048576x32xf32, #tpu.memory_space<hbm>>
    tpu.enqueue_indirect_dma source(%dma_start3A_26 : memref<1048576x32xf32, #tpu.memory_space<hbm>>) target(%dma_start3A_21 : memref<128x32xf32, #tpu.memory_space<vmem>>) offsets(%dma_start3A_23 : memref<128xi32, #tpu.memory_space<vmem>>) semaphore(%arg9 : memref<!tpu.dma_semaphore, #tpu.memory_space<semaphore_mem>>)
    %dma_start3A_27 = arith.constant 384 : i32
    %dma_start3A_28 = arith.constant 0 : i32
    %dma_start3A_29 = tpu.memref_slice %arg6[%dma_start3A_27, %dma_start3A_28] : memref<800x32xf32, #tpu.memory_space<vmem>> -> memref<128x32xf32, #tpu.memory_space<vmem>>
    %dma_start3A_30 = arith.constant 384 : i32
    %dma_start3A_31 = tpu.memref_slice %arg5[%dma_start3A_30] : memref<25600xi32, #tpu.memory_space<vmem>> -> memref<128xi32, #tpu.memory_space<vmem>>
    %dma_start3A_32 = arith.constant 0 : i32
    %dma_start3A_33 = arith.constant 0 : i32
    %dma_start3A_34 = tpu.memref_slice %arg3[%dma_start3A_32, %dma_start3A_33] : memref<1048576x32xf32, #tpu.memory_space<hbm>> -> memref<1048576x32xf32, #tpu.memory_space<hbm>>
    tpu.enqueue_indirect_dma source(%dma_start3A_34 : memref<1048576x32xf32, #tpu.memory_space<hbm>>) target(%dma_start3A_29 : memref<128x32xf32, #tpu.memory_space<vmem>>) offsets(%dma_start3A_31 : memref<128xi32, #tpu.memory_space<vmem>>) semaphore(%arg9 : memref<!tpu.dma_semaphore, #tpu.memory_space<semaphore_mem>>)
    %dma_start3A_35 = arith.constant 512 : i32
    %dma_start3A_36 = arith.constant 0 : i32
    %dma_start3A_37 = tpu.memref_slice %arg6[%dma_start3A_35, %dma_start3A_36] : memref<800x32xf32, #tpu.memory_space<vmem>> -> memref<128x32xf32, #tpu.memory_space<vmem>>
    %dma_start3A_38 = arith.constant 512 : i32
    %dma_start3A_39 = tpu.memref_slice %arg5[%dma_start3A_38] : memref<25600xi32, #tpu.memory_space<vmem>> -> memref<128xi32, #tpu.memory_space<vmem>>
    %dma_start3A_40 = arith.constant 0 : i32
    %dma_start3A_41 = arith.constant 0 : i32
    %dma_start3A_42 = tpu.memref_slice %arg3[%dma_start3A_40, %dma_start3A_41] : memref<1048576x32xf32, #tpu.memory_space<hbm>> -> memref<1048576x32xf32, #tpu.memory_space<hbm>>
    tpu.enqueue_indirect_dma source(%dma_start3A_42 : memref<1048576x32xf32, #tpu.memory_space<hbm>>) target(%dma_start3A_37 : memref<128x32xf32, #tpu.memory_space<vmem>>) offsets(%dma_start3A_39 : memref<128xi32, #tpu.memory_space<vmem>>) semaphore(%arg9 : memref<!tpu.dma_semaphore, #tpu.memory_space<semaphore_mem>>)
    %dma_start3A_43 = arith.constant 640 : i32
    %dma_start3A_44 = arith.constant 0 : i32
    %dma_start3A_45 = tpu.memref_slice %arg6[%dma_start3A_43, %dma_start3A_44] : memref<800x32xf32, #tpu.memory_space<vmem>> -> memref<128x32xf32, #tpu.memory_space<vmem>>
    %dma_start3A_46 = arith.constant 640 : i32
    %dma_start3A_47 = tpu.memref_slice %arg5[%dma_start3A_46] : memref<25600xi32, #tpu.memory_space<vmem>> -> memref<128xi32, #tpu.memory_space<vmem>>
    %dma_start3A_48 = arith.constant 0 : i32
    %dma_start3A_49 = arith.constant 0 : i32
    %dma_start3A_50 = tpu.memref_slice %arg3[%dma_start3A_48, %dma_start3A_49] : memref<1048576x32xf32, #tpu.memory_space<hbm>> -> memref<1048576x32xf32, #tpu.memory_space<hbm>>
    tpu.enqueue_indirect_dma source(%dma_start3A_50 : memref<1048576x32xf32, #tpu.memory_space<hbm>>) target(%dma_start3A_45 : memref<128x32xf32, #tpu.memory_space<vmem>>) offsets(%dma_start3A_47 : memref<128xi32, #tpu.memory_space<vmem>>) semaphore(%arg9 : memref<!tpu.dma_semaphore, #tpu.memory_space<semaphore_mem>>)
    %dma_start3A_51 = arith.constant 768 : i32
    %dma_start3A_52 = arith.constant 0 : i32
    %dma_start3A_53 = tpu.memref_slice %arg6[%dma_start3A_51, %dma_start3A_52] : memref<800x32xf32, #tpu.memory_space<vmem>> -> memref<32x32xf32, #tpu.memory_space<vmem>>
    %dma_start3A_54 = arith.constant 768 : i32
    %dma_start3A_55 = tpu.memref_slice %arg5[%dma_start3A_54] : memref<25600xi32, #tpu.memory_space<vmem>> -> memref<32xi32, #tpu.memory_space<vmem>>
    %dma_start3A_56 = arith.constant 0 : i32
    %dma_start3A_57 = arith.constant 0 : i32
    %dma_start3A_58 = tpu.memref_slice %arg3[%dma_start3A_56, %dma_start3A_57] : memref<1048576x32xf32, #tpu.memory_space<hbm>> -> memref<1048576x32xf32, #tpu.memory_space<hbm>>
    tpu.enqueue_indirect_dma source(%dma_start3A_58 : memref<1048576x32xf32, #tpu.memory_space<hbm>>) target(%dma_start3A_53 : memref<32x32xf32, #tpu.memory_space<vmem>>) offsets(%dma_start3A_55 : memref<32xi32, #tpu.memory_space<vmem>>) semaphore(%arg9 : memref<!tpu.dma_semaphore, #tpu.memory_space<semaphore_mem>>)
    %dma_start3A_59 = arith.constant 0 : i32
    %dma_start3A_60 = arith.constant 0 : i32
    %dma_start3A_61 = tpu.memref_slice %arg7[%dma_start3A_59, %dma_start3A_60] : memref<800x32xf32, #tpu.memory_space<vmem>> -> memref<128x32xf32, #tpu.memory_space<vmem>>
    %dma_start3A_62 = arith.constant 800 : i32
    %dma_start3A_63 = tpu.memref_slice %arg5[%dma_start3A_62] : memref<25600xi32, #tpu.memory_space<vmem>> -> memref<128xi32, #tpu.memory_space<vmem>>
    %dma_start3A_64 = arith.constant 0 : i32
    %dma_start3A_65 = arith.constant 0 : i32
    %dma_start3A_66 = tpu.memref_slice %arg3[%dma_start3A_64, %dma_start3A_65] : memref<1048576x32xf32, #tpu.memory_space<hbm>> -> memref<1048576x32xf32, #tpu.memory_space<hbm>>
    tpu.enqueue_indirect_dma source(%dma_start3A_66 : memref<1048576x32xf32, #tpu.memory_space<hbm>>) target(%dma_start3A_61 : memref<128x32xf32, #tpu.memory_space<vmem>>) offsets(%dma_start3A_63 : memref<128xi32, #tpu.memory_space<vmem>>) semaphore(%arg10 : memref<!tpu.dma_semaphore, #tpu.memory_space<semaphore_mem>>)
    %dma_start3A_67 = arith.constant 128 : i32
    %dma_start3A_68 = arith.constant 0 : i32
    %dma_start3A_69 = tpu.memref_slice %arg7[%dma_start3A_67, %dma_start3A_68] : memref<800x32xf32, #tpu.memory_space<vmem>> -> memref<128x32xf32, #tpu.memory_space<vmem>>
    %dma_start3A_70 = arith.constant 928 : i32
    %dma_start3A_71 = tpu.memref_slice %arg5[%dma_start3A_70] : memref<25600xi32, #tpu.memory_space<vmem>> -> memref<128xi32, #tpu.memory_space<vmem>>
    %dma_start3A_72 = arith.constant 0 : i32
    %dma_start3A_73 = arith.constant 0 : i32
    %dma_start3A_74 = tpu.memref_slice %arg3[%dma_start3A_72, %dma_start3A_73] : memref<1048576x32xf32, #tpu.memory_space<hbm>> -> memref<1048576x32xf32, #tpu.memory_space<hbm>>
    tpu.enqueue_indirect_dma source(%dma_start3A_74 : memref<1048576x32xf32, #tpu.memory_space<hbm>>) target(%dma_start3A_69 : memref<128x32xf32, #tpu.memory_space<vmem>>) offsets(%dma_start3A_71 : memref<128xi32, #tpu.memory_space<vmem>>) semaphore(%arg10 : memref<!tpu.dma_semaphore, #tpu.memory_space<semaphore_mem>>)
    %dma_start3A_75 = arith.constant 256 : i32
    %dma_start3A_76 = arith.constant 0 : i32
    %dma_start3A_77 = tpu.memref_slice %arg7[%dma_start3A_75, %dma_start3A_76] : memref<800x32xf32, #tpu.memory_space<vmem>> -> memref<128x32xf32, #tpu.memory_space<vmem>>
    %dma_start3A_78 = arith.constant 1056 : i32
    %dma_start3A_79 = tpu.memref_slice %arg5[%dma_start3A_78] : memref<25600xi32, #tpu.memory_space<vmem>> -> memref<128xi32, #tpu.memory_space<vmem>>
    %dma_start3A_80 = arith.constant 0 : i32
    %dma_start3A_81 = arith.constant 0 : i32
    %dma_start3A_82 = tpu.memref_slice %arg3[%dma_start3A_80, %dma_start3A_81] : memref<1048576x32xf32, #tpu.memory_space<hbm>> -> memref<1048576x32xf32, #tpu.memory_space<hbm>>
    tpu.enqueue_indirect_dma source(%dma_start3A_82 : memref<1048576x32xf32, #tpu.memory_space<hbm>>) target(%dma_start3A_77 : memref<128x32xf32, #tpu.memory_space<vmem>>) offsets(%dma_start3A_79 : memref<128xi32, #tpu.memory_space<vmem>>) semaphore(%arg10 : memref<!tpu.dma_semaphore, #tpu.memory_space<semaphore_mem>>)
    %dma_start3A_83 = arith.constant 384 : i32
    %dma_start3A_84 = arith.constant 0 : i32
    %dma_start3A_85 = tpu.memref_slice %arg7[%dma_start3A_83, %dma_start3A_84] : memref<800x32xf32, #tpu.memory_space<vmem>> -> memref<128x32xf32, #tpu.memory_space<vmem>>
    %dma_start3A_86 = arith.constant 1184 : i32
    %dma_start3A_87 = tpu.memref_slice %arg5[%dma_start3A_86] : memref<25600xi32, #tpu.memory_space<vmem>> -> memref<128xi32, #tpu.memory_space<vmem>>
    %dma_start3A_88 = arith.constant 0 : i32
    %dma_start3A_89 = arith.constant 0 : i32
    %dma_start3A_90 = tpu.memref_slice %arg3[%dma_start3A_88, %dma_start3A_89] : memref<1048576x32xf32, #tpu.memory_space<hbm>> -> memref<1048576x32xf32, #tpu.memory_space<hbm>>
    tpu.enqueue_indirect_dma source(%dma_start3A_90 : memref<1048576x32xf32, #tpu.memory_space<hbm>>) target(%dma_start3A_85 : memref<128x32xf32, #tpu.memory_space<vmem>>) offsets(%dma_start3A_87 : memref<128xi32, #tpu.memory_space<vmem>>) semaphore(%arg10 : memref<!tpu.dma_semaphore, #tpu.memory_space<semaphore_mem>>)
    %dma_start3A_91 = arith.constant 512 : i32
    %dma_start3A_92 = arith.constant 0 : i32
    %dma_start3A_93 = tpu.memref_slice %arg7[%dma_start3A_91, %dma_start3A_92] : memref<800x32xf32, #tpu.memory_space<vmem>> -> memref<128x32xf32, #tpu.memory_space<vmem>>
    %dma_start3A_94 = arith.constant 1312 : i32
    %dma_start3A_95 = tpu.memref_slice %arg5[%dma_start3A_94] : memref<25600xi32, #tpu.memory_space<vmem>> -> memref<128xi32, #tpu.memory_space<vmem>>
    %dma_start3A_96 = arith.constant 0 : i32
    %dma_start3A_97 = arith.constant 0 : i32
    %dma_start3A_98 = tpu.memref_slice %arg3[%dma_start3A_96, %dma_start3A_97] : memref<1048576x32xf32, #tpu.memory_space<hbm>> -> memref<1048576x32xf32, #tpu.memory_space<hbm>>
    tpu.enqueue_indirect_dma source(%dma_start3A_98 : memref<1048576x32xf32, #tpu.memory_space<hbm>>) target(%dma_start3A_93 : memref<128x32xf32, #tpu.memory_space<vmem>>) offsets(%dma_start3A_95 : memref<128xi32, #tpu.memory_space<vmem>>) semaphore(%arg10 : memref<!tpu.dma_semaphore, #tpu.memory_space<semaphore_mem>>)
    %dma_start3A_99 = arith.constant 640 : i32
    %dma_start3A_100 = arith.constant 0 : i32
    %dma_start3A_101 = tpu.memref_slice %arg7[%dma_start3A_99, %dma_start3A_100] : memref<800x32xf32, #tpu.memory_space<vmem>> -> memref<128x32xf32, #tpu.memory_space<vmem>>
    %dma_start3A_102 = arith.constant 1440 : i32
    %dma_start3A_103 = tpu.memref_slice %arg5[%dma_start3A_102] : memref<25600xi32, #tpu.memory_space<vmem>> -> memref<128xi32, #tpu.memory_space<vmem>>
    %dma_start3A_104 = arith.constant 0 : i32
    %dma_start3A_105 = arith.constant 0 : i32
    %dma_start3A_106 = tpu.memref_slice %arg3[%dma_start3A_104, %dma_start3A_105] : memref<1048576x32xf32, #tpu.memory_space<hbm>> -> memref<1048576x32xf32, #tpu.memory_space<hbm>>
    tpu.enqueue_indirect_dma source(%dma_start3A_106 : memref<1048576x32xf32, #tpu.memory_space<hbm>>) target(%dma_start3A_101 : memref<128x32xf32, #tpu.memory_space<vmem>>) offsets(%dma_start3A_103 : memref<128xi32, #tpu.memory_space<vmem>>) semaphore(%arg10 : memref<!tpu.dma_semaphore, #tpu.memory_space<semaphore_mem>>)
    %dma_start3A_107 = arith.constant 768 : i32
    %dma_start3A_108 = arith.constant 0 : i32
    %dma_start3A_109 = tpu.memref_slice %arg7[%dma_start3A_107, %dma_start3A_108] : memref<800x32xf32, #tpu.memory_space<vmem>> -> memref<32x32xf32, #tpu.memory_space<vmem>>
    %dma_start3A_110 = arith.constant 1568 : i32
    %dma_start3A_111 = tpu.memref_slice %arg5[%dma_start3A_110] : memref<25600xi32, #tpu.memory_space<vmem>> -> memref<32xi32, #tpu.memory_space<vmem>>
    %dma_start3A_112 = arith.constant 0 : i32
    %dma_start3A_113 = arith.constant 0 : i32
    %dma_start3A_114 = tpu.memref_slice %arg3[%dma_start3A_112, %dma_start3A_113] : memref<1048576x32xf32, #tpu.memory_space<hbm>> -> memref<1048576x32xf32, #tpu.memory_space<hbm>>
    tpu.enqueue_indirect_dma source(%dma_start3A_114 : memref<1048576x32xf32, #tpu.memory_space<hbm>>) target(%dma_start3A_109 : memref<32x32xf32, #tpu.memory_space<vmem>>) offsets(%dma_start3A_111 : memref<32xi32, #tpu.memory_space<vmem>>) semaphore(%arg10 : memref<!tpu.dma_semaphore, #tpu.memory_space<semaphore_mem>>)
    %scan3A = arith.constant 0 : i32
    %scan3A_115 = arith.constant 0 : i32
    %scan3A_116 = arith.constant 16 : i32
    %scan3A_117 = arith.addi %scan3A_115, %scan3A_116 : i32
    %scan3A_118 = arith.constant 1 : i32
    %scan3A_119 = scf.for %scan3A_123 = %scan3A_115 to %scan3A_117 step %scan3A_118 iter_args(%scan3A_124 = %scan3A) -> (i32)  : i32 {
      %mul3A_125 = arith.constant 2 : i32
      %mul3A_126 = arith.muli %scan3A_123, %mul3A_125 : i32
      %dma_wait3A = arith.constant 0 : i32
      %dma_wait3A_127 = arith.constant 0 : i32
      %dma_wait3A_128 = tpu.memref_slice %arg3[%dma_wait3A, %dma_wait3A_127] : memref<1048576x32xf32, #tpu.memory_space<hbm>> -> memref<800x32xf32, #tpu.memory_space<hbm>>
      %dma_wait3A_129 = arith.constant 0 : i32
      %dma_wait3A_130 = arith.constant 0 : i32
      %dma_wait3A_131 = tpu.memref_slice %arg3[%dma_wait3A_129, %dma_wait3A_130] : memref<1048576x32xf32, #tpu.memory_space<hbm>> -> memref<800x32xf32, #tpu.memory_space<hbm>>
      tpu.wait_dma2 semaphore(%arg9 : memref<!tpu.dma_semaphore, #tpu.memory_space<semaphore_mem>>) src(%dma_wait3A_131 : memref<800x32xf32, #tpu.memory_space<hbm>>) dst(%arg6 : memref<800x32xf32, #tpu.memory_space<vmem>>)
      %scan3A_132 = arith.constant 0 : i32
      %scan3A_133 = arith.constant 100 : i32
      %scan3A_134 = arith.addi %scan3A_132, %scan3A_133 : i32
      %scan3A_135 = arith.constant 1 : i32
      %scan3A_136:16 = scf.for %scan3A_1753 = %scan3A_132 to %scan3A_134 step %scan3A_135 iter_args(%scan3A_1754 = %broadcast_in_dim3A_1, %scan3A_1755 = %broadcast_in_dim3A_1, %scan3A_1756 = %broadcast_in_dim3A_1, %scan3A_1757 = %broadcast_in_dim3A_1, %scan3A_1758 = %broadcast_in_dim3A_1, %scan3A_1759 = %broadcast_in_dim3A_1, %scan3A_1760 = %broadcast_in_dim3A_1, %scan3A_1761 = %broadcast_in_dim3A_1, %scan3A_1762 = %broadcast_in_dim3A_1, %scan3A_1763 = %broadcast_in_dim3A_1, %scan3A_1764 = %broadcast_in_dim3A_1, %scan3A_1765 = %broadcast_in_dim3A_1, %scan3A_1766 = %broadcast_in_dim3A_1, %scan3A_1767 = %broadcast_in_dim3A_1, %scan3A_1768 = %broadcast_in_dim3A_1, %scan3A_1769 = %broadcast_in_dim3A_1) -> (vector<16xf32>, vector<16xf32>, vector<16xf32>, vector<16xf32>, vector<16xf32>, vector<16xf32>, vector<16xf32>, vector<16xf32>, vector<16xf32>, vector<16xf32>, vector<16xf32>, vector<16xf32>, vector<16xf32>, vector<16xf32>, vector<16xf32>, vector<16xf32>)  : i32 {
        %mul3A_1770 = arith.constant 2 : i32
        %mul3A_1771 = arith.muli %scan3A_1753, %mul3A_1770 : i32
        %add3A_1772 = arith.constant 0 : i32
        %add3A_1773 = arith.addi %add3A_1772, %mul3A_1771 : i32
        %add3A_1774 = arith.constant 0 : i32
        %add3A_1775 = arith.addi %add3A_1773, %add3A_1774 : i32
        %get3A_1776 = arith.index_cast %add3A_1775 : i32 to index
        %get3A_1777 = arith.constant 0 : index
        %get3A_1778 = tpu.vector_load %arg6[%get3A_1776, %get3A_1777] {strides = array<i32>} : memref<800x32xf32, #tpu.memory_space<vmem>>, vector<16xf32>,
        %add3A_1779 = arith.addf %scan3A_1754, %get3A_1778 : vector<16xf32>
        %add3A_1780 = arith.constant 0 : i32
        %add3A_1781 = arith.addi %add3A_1780, %mul3A_1771 : i32
        %add3A_1782 = arith.constant 0 : i32
        %add3A_1783 = arith.addi %add3A_1781, %add3A_1782 : i32
        %get3A_1784 = arith.index_cast %add3A_1783 : i32 to index
        %get3A_1785 = arith.constant 16 : index
        %get3A_1786 = tpu.vector_load %arg6[%get3A_1784, %get3A_1785] {strides = array<i32>} : memref<800x32xf32, #tpu.memory_space<vmem>>, vector<16xf32>,
        %add3A_1787 = arith.addf %scan3A_1755, %get3A_1786 : vector<16xf32>
        %add3A_1788 = arith.constant 0 : i32
        %add3A_1789 = arith.addi %add3A_1788, %mul3A_1771 : i32
        %add3A_1790 = arith.constant 1 : i32
        %add3A_1791 = arith.addi %add3A_1789, %add3A_1790 : i32
        %get3A_1792 = arith.index_cast %add3A_1791 : i32 to index
        %get3A_1793 = arith.constant 0 : index
        %get3A_1794 = tpu.vector_load %arg6[%get3A_1792, %get3A_1793] {strides = array<i32>} : memref<800x32xf32, #tpu.memory_space<vmem>>, vector<16xf32>,
        %add3A_1795 = arith.addf %scan3A_1756, %get3A_1794 : vector<16xf32>
        %add3A_1796 = arith.constant 0 : i32
        %add3A_1797 = arith.addi %add3A_1796, %mul3A_1771 : i32
        %add3A_1798 = arith.constant 1 : i32
        %add3A_1799 = arith.addi %add3A_1797, %add3A_1798 : i32
        %get3A_1800 = arith.index_cast %add3A_1799 : i32 to index
        %get3A_1801 = arith.constant 16 : index
        %get3A_1802 = tpu.vector_load %arg6[%get3A_1800, %get3A_1801] {strides = array<i32>} : memref<800x32xf32, #tpu.memory_space<vmem>>, vector<16xf32>,
        %add3A_1803 = arith.addf %scan3A_1757, %get3A_1802 : vector<16xf32>
        %add3A_1804 = arith.constant 200 : i32
        %add3A_1805 = arith.addi %add3A_1804, %mul3A_1771 : i32
        %add3A_1806 = arith.constant 0 : i32
        %add3A_1807 = arith.addi %add3A_1805, %add3A_1806 : i32
        %get3A_1808 = arith.index_cast %add3A_1807 : i32 to index
        %get3A_1809 = arith.constant 0 : index
        %get3A_1810 = tpu.vector_load %arg6[%get3A_1808, %get3A_1809] {strides = array<i32>} : memref<800x32xf32, #tpu.memory_space<vmem>>, vector<16xf32>,
        %add3A_1811 = arith.addf %scan3A_1758, %get3A_1810 : vector<16xf32>
        %add3A_1812 = arith.constant 200 : i32
        %add3A_1813 = arith.addi %add3A_1812, %mul3A_1771 : i32
        %add3A_1814 = arith.constant 0 : i32
        %add3A_1815 = arith.addi %add3A_1813, %add3A_1814 : i32
        %get3A_1816 = arith.index_cast %add3A_1815 : i32 to index
        %get3A_1817 = arith.constant 16 : index
        %get3A_1818 = tpu.vector_load %arg6[%get3A_1816, %get3A_1817] {strides = array<i32>} : memref<800x32xf32, #tpu.memory_space<vmem>>, vector<16xf32>,
        %add3A_1819 = arith.addf %scan3A_1759, %get3A_1818 : vector<16xf32>
        %add3A_1820 = arith.constant 200 : i32
        %add3A_1821 = arith.addi %add3A_1820, %mul3A_1771 : i32
        %add3A_1822 = arith.constant 1 : i32
        %add3A_1823 = arith.addi %add3A_1821, %add3A_1822 : i32
        %get3A_1824 = arith.index_cast %add3A_1823 : i32 to index
        %get3A_1825 = arith.constant 0 : index
        %get3A_1826 = tpu.vector_load %arg6[%get3A_1824, %get3A_1825] {strides = array<i32>} : memref<800x32xf32, #tpu.memory_space<vmem>>, vector<16xf32>,
        %add3A_1827 = arith.addf %scan3A_1760, %get3A_1826 : vector<16xf32>
        %add3A_1828 = arith.constant 200 : i32
        %add3A_1829 = arith.addi %add3A_1828, %mul3A_1771 : i32
        %add3A_1830 = arith.constant 1 : i32
        %add3A_1831 = arith.addi %add3A_1829, %add3A_1830 : i32
        %get3A_1832 = arith.index_cast %add3A_1831 : i32 to index
        %get3A_1833 = arith.constant 16 : index
        %get3A_1834 = tpu.vector_load %arg6[%get3A_1832, %get3A_1833] {strides = array<i32>} : memref<800x32xf32, #tpu.memory_space<vmem>>, vector<16xf32>,
        %add3A_1835 = arith.addf %scan3A_1761, %get3A_1834 : vector<16xf32>
        %add3A_1836 = arith.constant 400 : i32
        %add3A_1837 = arith.addi %add3A_1836, %mul3A_1771 : i32
        %add3A_1838 = arith.constant 0 : i32
        %add3A_1839 = arith.addi %add3A_1837, %add3A_1838 : i32
        %get3A_1840 = arith.index_cast %add3A_1839 : i32 to index
        %get3A_1841 = arith.constant 0 : index
        %get3A_1842 = tpu.vector_load %arg6[%get3A_1840, %get3A_1841] {strides = array<i32>} : memref<800x32xf32, #tpu.memory_space<vmem>>, vector<16xf32>,
        %add3A_1843 = arith.addf %scan3A_1762, %get3A_1842 : vector<16xf32>
        %add3A_1844 = arith.constant 400 : i32
        %add3A_1845 = arith.addi %add3A_1844, %mul3A_1771 : i32
        %add3A_1846 = arith.constant 0 : i32
        %add3A_1847 = arith.addi %add3A_1845, %add3A_1846 : i32
        %get3A_1848 = arith.index_cast %add3A_1847 : i32 to index
        %get3A_1849 = arith.constant 16 : index
        %get3A_1850 = tpu.vector_load %arg6[%get3A_1848, %get3A_1849] {strides = array<i32>} : memref<800x32xf32, #tpu.memory_space<vmem>>, vector<16xf32>,
        %add3A_1851 = arith.addf %scan3A_1763, %get3A_1850 : vector<16xf32>
        %add3A_1852 = arith.constant 400 : i32
        %add3A_1853 = arith.addi %add3A_1852, %mul3A_1771 : i32
        %add3A_1854 = arith.constant 1 : i32
        %add3A_1855 = arith.addi %add3A_1853, %add3A_1854 : i32
        %get3A_1856 = arith.index_cast %add3A_1855 : i32 to index
        %get3A_1857 = arith.constant 0 : index
        %get3A_1858 = tpu.vector_load %arg6[%get3A_1856, %get3A_1857] {strides = array<i32>} : memref<800x32xf32, #tpu.memory_space<vmem>>, vector<16xf32>,
        %add3A_1859 = arith.addf %scan3A_1764, %get3A_1858 : vector<16xf32>
        %add3A_1860 = arith.constant 400 : i32
        %add3A_1861 = arith.addi %add3A_1860, %mul3A_1771 : i32
        %add3A_1862 = arith.constant 1 : i32
        %add3A_1863 = arith.addi %add3A_1861, %add3A_1862 : i32
        %get3A_1864 = arith.index_cast %add3A_1863 : i32 to index
        %get3A_1865 = arith.constant 16 : index
        %get3A_1866 = tpu.vector_load %arg6[%get3A_1864, %get3A_1865] {strides = array<i32>} : memref<800x32xf32, #tpu.memory_space<vmem>>, vector<16xf32>,
        %add3A_1867 = arith.addf %scan3A_1765, %get3A_1866 : vector<16xf32>
        %add3A_1868 = arith.constant 600 : i32
        %add3A_1869 = arith.addi %add3A_1868, %mul3A_1771 : i32
        %add3A_1870 = arith.constant 0 : i32
        %add3A_1871 = arith.addi %add3A_1869, %add3A_1870 : i32
        %get3A_1872 = arith.index_cast %add3A_1871 : i32 to index
        %get3A_1873 = arith.constant 0 : index
        %get3A_1874 = tpu.vector_load %arg6[%get3A_1872, %get3A_1873] {strides = array<i32>} : memref<800x32xf32, #tpu.memory_space<vmem>>, vector<16xf32>,
        %add3A_1875 = arith.addf %scan3A_1766, %get3A_1874 : vector<16xf32>
        %add3A_1876 = arith.constant 600 : i32
        %add3A_1877 = arith.addi %add3A_1876, %mul3A_1771 : i32
        %add3A_1878 = arith.constant 0 : i32
        %add3A_1879 = arith.addi %add3A_1877, %add3A_1878 : i32
        %get3A_1880 = arith.index_cast %add3A_1879 : i32 to index
        %get3A_1881 = arith.constant 16 : index
        %get3A_1882 = tpu.vector_load %arg6[%get3A_1880, %get3A_1881] {strides = array<i32>} : memref<800x32xf32, #tpu.memory_space<vmem>>, vector<16xf32>,
        %add3A_1883 = arith.addf %scan3A_1767, %get3A_1882 : vector<16xf32>
        %add3A_1884 = arith.constant 600 : i32
        %add3A_1885 = arith.addi %add3A_1884, %mul3A_1771 : i32
        %add3A_1886 = arith.constant 1 : i32
        %add3A_1887 = arith.addi %add3A_1885, %add3A_1886 : i32
        %get3A_1888 = arith.index_cast %add3A_1887 : i32 to index
        %get3A_1889 = arith.constant 0 : index
        %get3A_1890 = tpu.vector_load %arg6[%get3A_1888, %get3A_1889] {strides = array<i32>} : memref<800x32xf32, #tpu.memory_space<vmem>>, vector<16xf32>,
        %add3A_1891 = arith.addf %scan3A_1768, %get3A_1890 : vector<16xf32>
        %add3A_1892 = arith.constant 600 : i32
        %add3A_1893 = arith.addi %add3A_1892, %mul3A_1771 : i32
        %add3A_1894 = arith.constant 1 : i32
        %add3A_1895 = arith.addi %add3A_1893, %add3A_1894 : i32
        %get3A_1896 = arith.index_cast %add3A_1895 : i32 to index
        %get3A_1897 = arith.constant 16 : index
        %get3A_1898 = tpu.vector_load %arg6[%get3A_1896, %get3A_1897] {strides = array<i32>} : memref<800x32xf32, #tpu.memory_space<vmem>>, vector<16xf32>,
        %add3A_1899 = arith.addf %scan3A_1769, %get3A_1898 : vector<16xf32>
        scf.yield %add3A_1779, %add3A_1787, %add3A_1795, %add3A_1803, %add3A_1811, %add3A_1819, %add3A_1827, %add3A_1835, %add3A_1843, %add3A_1851, %add3A_1859, %add3A_1867, %add3A_1875, %add3A_1883, %add3A_1891, %add3A_1899 : vector<16xf32>, vector<16xf32>, vector<16xf32>, vector<16xf32>, vector<16xf32>, vector<16xf32>, vector<16xf32>, vector<16xf32>, vector<16xf32>, vector<16xf32>, vector<16xf32>, vector<16xf32>, vector<16xf32>, vector<16xf32>, vector<16xf32>, vector<16xf32>
      }
      %scan3A_137 = arith.constant 100 : i32
      %mul3A_138 = arith.constant 4 : i32
      %mul3A_139 = arith.muli %mul3A_126, %mul3A_138 : i32
      %add3A_140 = arith.constant 0 : i32
      %add3A_141 = arith.addi %mul3A_139, %add3A_140 : i32
      %add3A_142 = arith.addf %scan3A_136#0, %scan3A_136#2 : vector<16xf32>
      %add3A_143 = arith.addf %scan3A_136#1, %scan3A_136#3 : vector<16xf32>
      %mul3A_144 = arith.constant 200 : i32
      %mul3A_145 = arith.muli %add3A_141, %mul3A_144 : i32
      %add3A_146 = arith.constant 0 : i32
      %add3A_147 = arith.addi %mul3A_145, %add3A_146 : i32
      %get3A = arith.index_cast %add3A_147 : i32 to index
      %get3A_148 = tpu.vector_load %arg5[%get3A] {strides = array<i32>} : memref<25600xi32, #tpu.memory_space<vmem>>, vector<16xi32>,
      %ne3A = arith.constant 0 : i32
      %ne3A_149 = vector.broadcast %ne3A : i32 to vector<16xi32>
      %ne3A_150 = arith.cmpi ne, %get3A_148, %ne3A_149 : vector<16xi32>
      %jit3A = arith.constant 1.000000e+00 : f32
      %jit3A_151 = arith.constant 0.000000e+00 : f32
      %broadcast_in_dim3A_152 = vector.broadcast %jit3A : f32 to vector<16xf32>
      %broadcast_in_dim3A_153 = vector.broadcast %jit3A_151 : f32 to vector<16xf32>
      %select_n3A = arith.select %ne3A_150, %broadcast_in_dim3A_152, %broadcast_in_dim3A_153 : vector<16xi1>, vector<16xf32>
      %add3A_154 = arith.addf %broadcast_in_dim3A_1, %select_n3A : vector<16xf32>
      %add3A_155 = arith.constant 16 : i32
      %add3A_156 = arith.addi %mul3A_145, %add3A_155 : i32
      %get3A_157 = arith.index_cast %add3A_156 : i32 to index
      %get3A_158 = tpu.vector_load %arg5[%get3A_157] {strides = array<i32>} : memref<25600xi32, #tpu.memory_space<vmem>>, vector<16xi32>,
      %ne3A_159 = arith.constant 0 : i32
      %ne3A_160 = vector.broadcast %ne3A_159 : i32 to vector<16xi32>
      %ne3A_161 = arith.cmpi ne, %get3A_158, %ne3A_160 : vector<16xi32>
      %jit3A_162 = arith.constant 1.000000e+00 : f32
      %jit3A_163 = arith.constant 0.000000e+00 : f32
      %broadcast_in_dim3A_164 = vector.broadcast %jit3A_162 : f32 to vector<16xf32>
      %broadcast_in_dim3A_165 = vector.broadcast %jit3A_163 : f32 to vector<16xf32>
      %select_n3A_166 = arith.select %ne3A_161, %broadcast_in_dim3A_164, %broadcast_in_dim3A_165 : vector<16xi1>, vector<16xf32>
      %add3A_167 = arith.addf %add3A_154, %select_n3A_166 : vector<16xf32>
      %add3A_168 = arith.constant 32 : i32
      %add3A_169 = arith.addi %mul3A_145, %add3A_168 : i32
      %get3A_170 = arith.index_cast %add3A_169 : i32 to index
      %get3A_171 = tpu.vector_load %arg5[%get3A_170] {strides = array<i32>} : memref<25600xi32, #tpu.memory_space<vmem>>, vector<16xi32>,
      %ne3A_172 = arith.constant 0 : i32
      %ne3A_173 = vector.broadcast %ne3A_172 : i32 to vector<16xi32>
      %ne3A_174 = arith.cmpi ne, %get3A_171, %ne3A_173 : vector<16xi32>
      %jit3A_175 = arith.constant 1.000000e+00 : f32
      %jit3A_176 = arith.constant 0.000000e+00 : f32
      %broadcast_in_dim3A_177 = vector.broadcast %jit3A_175 : f32 to vector<16xf32>
      %broadcast_in_dim3A_178 = vector.broadcast %jit3A_176 : f32 to vector<16xf32>
      %select_n3A_179 = arith.select %ne3A_174, %broadcast_in_dim3A_177, %broadcast_in_dim3A_178 : vector<16xi1>, vector<16xf32>
      %add3A_180 = arith.addf %add3A_167, %select_n3A_179 : vector<16xf32>
      %add3A_181 = arith.constant 48 : i32
      %add3A_182 = arith.addi %mul3A_145, %add3A_181 : i32
      %get3A_183 = arith.index_cast %add3A_182 : i32 to index
      %get3A_184 = tpu.vector_load %arg5[%get3A_183] {strides = array<i32>} : memref<25600xi32, #tpu.memory_space<vmem>>, vector<16xi32>,
      %ne3A_185 = arith.constant 0 : i32
      %ne3A_186 = vector.broadcast %ne3A_185 : i32 to vector<16xi32>
      %ne3A_187 = arith.cmpi ne, %get3A_184, %ne3A_186 : vector<16xi32>
      %jit3A_188 = arith.constant 1.000000e+00 : f32
      %jit3A_189 = arith.constant 0.000000e+00 : f32
      %broadcast_in_dim3A_190 = vector.broadcast %jit3A_188 : f32 to vector<16xf32>
      %broadcast_in_dim3A_191 = vector.broadcast %jit3A_189 : f32 to vector<16xf32>
      %select_n3A_192 = arith.select %ne3A_187, %broadcast_in_dim3A_190, %broadcast_in_dim3A_191 : vector<16xi1>, vector<16xf32>
      %add3A_193 = arith.addf %add3A_180, %select_n3A_192 : vector<16xf32>
      %add3A_194 = arith.constant 64 : i32
      %add3A_195 = arith.addi %mul3A_145, %add3A_194 : i32
      %get3A_196 = arith.index_cast %add3A_195 : i32 to index
      %get3A_197 = tpu.vector_load %arg5[%get3A_196] {strides = array<i32>} : memref<25600xi32, #tpu.memory_space<vmem>>, vector<16xi32>,
      %ne3A_198 = arith.constant 0 : i32
      %ne3A_199 = vector.broadcast %ne3A_198 : i32 to vector<16xi32>
      %ne3A_200 = arith.cmpi ne, %get3A_197, %ne3A_199 : vector<16xi32>
      %jit3A_201 = arith.constant 1.000000e+00 : f32
      %jit3A_202 = arith.constant 0.000000e+00 : f32
      %broadcast_in_dim3A_203 = vector.broadcast %jit3A_201 : f32 to vector<16xf32>
      %broadcast_in_dim3A_204 = vector.broadcast %jit3A_202 : f32 to vector<16xf32>
      %select_n3A_205 = arith.select %ne3A_200, %broadcast_in_dim3A_203, %broadcast_in_dim3A_204 : vector<16xi1>, vector<16xf32>
      %add3A_206 = arith.addf %add3A_193, %select_n3A_205 : vector<16xf32>
      %add3A_207 = arith.constant 80 : i32
      %add3A_208 = arith.addi %mul3A_145, %add3A_207 : i32
      %get3A_209 = arith.index_cast %add3A_208 : i32 to index
      %get3A_210 = tpu.vector_load %arg5[%get3A_209] {strides = array<i32>} : memref<25600xi32, #tpu.memory_space<vmem>>, vector<16xi32>,
      %ne3A_211 = arith.constant 0 : i32
      %ne3A_212 = vector.broadcast %ne3A_211 : i32 to vector<16xi32>
      %ne3A_213 = arith.cmpi ne, %get3A_210, %ne3A_212 : vector<16xi32>
      %jit3A_214 = arith.constant 1.000000e+00 : f32
      %jit3A_215 = arith.constant 0.000000e+00 : f32
      %broadcast_in_dim3A_216 = vector.broadcast %jit3A_214 : f32 to vector<16xf32>
      %broadcast_in_dim3A_217 = vector.broadcast %jit3A_215 : f32 to vector<16xf32>
      %select_n3A_218 = arith.select %ne3A_213, %broadcast_in_dim3A_216, %broadcast_in_dim3A_217 : vector<16xi1>, vector<16xf32>
      %add3A_219 = arith.addf %add3A_206, %select_n3A_218 : vector<16xf32>
      %add3A_220 = arith.constant 96 : i32
      %add3A_221 = arith.addi %mul3A_145, %add3A_220 : i32
      %get3A_222 = arith.index_cast %add3A_221 : i32 to index
      %get3A_223 = tpu.vector_load %arg5[%get3A_222] {strides = array<i32>} : memref<25600xi32, #tpu.memory_space<vmem>>, vector<16xi32>,
      %ne3A_224 = arith.constant 0 : i32
      %ne3A_225 = vector.broadcast %ne3A_224 : i32 to vector<16xi32>
      %ne3A_226 = arith.cmpi ne, %get3A_223, %ne3A_225 : vector<16xi32>
      %jit3A_227 = arith.constant 1.000000e+00 : f32
      %jit3A_228 = arith.constant 0.000000e+00 : f32
      %broadcast_in_dim3A_229 = vector.broadcast %jit3A_227 : f32 to vector<16xf32>
      %broadcast_in_dim3A_230 = vector.broadcast %jit3A_228 : f32 to vector<16xf32>
      %select_n3A_231 = arith.select %ne3A_226, %broadcast_in_dim3A_229, %broadcast_in_dim3A_230 : vector<16xi1>, vector<16xf32>
      %add3A_232 = arith.addf %add3A_219, %select_n3A_231 : vector<16xf32>
      %add3A_233 = arith.constant 112 : i32
      %add3A_234 = arith.addi %mul3A_145, %add3A_233 : i32
      %get3A_235 = arith.index_cast %add3A_234 : i32 to index
      %get3A_236 = tpu.vector_load %arg5[%get3A_235] {strides = array<i32>} : memref<25600xi32, #tpu.memory_space<vmem>>, vector<16xi32>,
      %ne3A_237 = arith.constant 0 : i32
      %ne3A_238 = vector.broadcast %ne3A_237 : i32 to vector<16xi32>
      %ne3A_239 = arith.cmpi ne, %get3A_236, %ne3A_238 : vector<16xi32>
      %jit3A_240 = arith.constant 1.000000e+00 : f32
      %jit3A_241 = arith.constant 0.000000e+00 : f32
      %broadcast_in_dim3A_242 = vector.broadcast %jit3A_240 : f32 to vector<16xf32>
      %broadcast_in_dim3A_243 = vector.broadcast %jit3A_241 : f32 to vector<16xf32>
      %select_n3A_244 = arith.select %ne3A_239, %broadcast_in_dim3A_242, %broadcast_in_dim3A_243 : vector<16xi1>, vector<16xf32>
      %add3A_245 = arith.addf %add3A_232, %select_n3A_244 : vector<16xf32>
      %add3A_246 = arith.constant 128 : i32
      %add3A_247 = arith.addi %mul3A_145, %add3A_246 : i32
      %get3A_248 = arith.index_cast %add3A_247 : i32 to index
      %get3A_249 = tpu.vector_load %arg5[%get3A_248] {strides = array<i32>} : memref<25600xi32, #tpu.memory_space<vmem>>, vector<16xi32>,
      %ne3A_250 = arith.constant 0 : i32
      %ne3A_251 = vector.broadcast %ne3A_250 : i32 to vector<16xi32>
      %ne3A_252 = arith.cmpi ne, %get3A_249, %ne3A_251 : vector<16xi32>
      %jit3A_253 = arith.constant 1.000000e+00 : f32
      %jit3A_254 = arith.constant 0.000000e+00 : f32
      %broadcast_in_dim3A_255 = vector.broadcast %jit3A_253 : f32 to vector<16xf32>
      %broadcast_in_dim3A_256 = vector.broadcast %jit3A_254 : f32 to vector<16xf32>
      %select_n3A_257 = arith.select %ne3A_252, %broadcast_in_dim3A_255, %broadcast_in_dim3A_256 : vector<16xi1>, vector<16xf32>
      %add3A_258 = arith.addf %add3A_245, %select_n3A_257 : vector<16xf32>
      %add3A_259 = arith.constant 144 : i32
      %add3A_260 = arith.addi %mul3A_145, %add3A_259 : i32
      %get3A_261 = arith.index_cast %add3A_260 : i32 to index
      %get3A_262 = tpu.vector_load %arg5[%get3A_261] {strides = array<i32>} : memref<25600xi32, #tpu.memory_space<vmem>>, vector<16xi32>,
      %ne3A_263 = arith.constant 0 : i32
      %ne3A_264 = vector.broadcast %ne3A_263 : i32 to vector<16xi32>
      %ne3A_265 = arith.cmpi ne, %get3A_262, %ne3A_264 : vector<16xi32>
      %jit3A_266 = arith.constant 1.000000e+00 : f32
      %jit3A_267 = arith.constant 0.000000e+00 : f32
      %broadcast_in_dim3A_268 = vector.broadcast %jit3A_266 : f32 to vector<16xf32>
      %broadcast_in_dim3A_269 = vector.broadcast %jit3A_267 : f32 to vector<16xf32>
      %select_n3A_270 = arith.select %ne3A_265, %broadcast_in_dim3A_268, %broadcast_in_dim3A_269 : vector<16xi1>, vector<16xf32>
      %add3A_271 = arith.addf %add3A_258, %select_n3A_270 : vector<16xf32>
      %add3A_272 = arith.constant 160 : i32
      %add3A_273 = arith.addi %mul3A_145, %add3A_272 : i32
      %get3A_274 = arith.index_cast %add3A_273 : i32 to index
      %get3A_275 = tpu.vector_load %arg5[%get3A_274] {strides = array<i32>} : memref<25600xi32, #tpu.memory_space<vmem>>, vector<16xi32>,
      %ne3A_276 = arith.constant 0 : i32
      %ne3A_277 = vector.broadcast %ne3A_276 : i32 to vector<16xi32>
      %ne3A_278 = arith.cmpi ne, %get3A_275, %ne3A_277 : vector<16xi32>
      %jit3A_279 = arith.constant 1.000000e+00 : f32
      %jit3A_280 = arith.constant 0.000000e+00 : f32
      %broadcast_in_dim3A_281 = vector.broadcast %jit3A_279 : f32 to vector<16xf32>
      %broadcast_in_dim3A_282 = vector.broadcast %jit3A_280 : f32 to vector<16xf32>
      %select_n3A_283 = arith.select %ne3A_278, %broadcast_in_dim3A_281, %broadcast_in_dim3A_282 : vector<16xi1>, vector<16xf32>
      %add3A_284 = arith.addf %add3A_271, %select_n3A_283 : vector<16xf32>
      %add3A_285 = arith.constant 176 : i32
      %add3A_286 = arith.addi %mul3A_145, %add3A_285 : i32
      %get3A_287 = arith.index_cast %add3A_286 : i32 to index
      %get3A_288 = tpu.vector_load %arg5[%get3A_287] {strides = array<i32>} : memref<25600xi32, #tpu.memory_space<vmem>>, vector<16xi32>,
      %ne3A_289 = arith.constant 0 : i32
      %ne3A_290 = vector.broadcast %ne3A_289 : i32 to vector<16xi32>
      %ne3A_291 = arith.cmpi ne, %get3A_288, %ne3A_290 : vector<16xi32>
      %jit3A_292 = arith.constant 1.000000e+00 : f32
      %jit3A_293 = arith.constant 0.000000e+00 : f32
      %broadcast_in_dim3A_294 = vector.broadcast %jit3A_292 : f32 to vector<16xf32>
      %broadcast_in_dim3A_295 = vector.broadcast %jit3A_293 : f32 to vector<16xf32>
      %select_n3A_296 = arith.select %ne3A_291, %broadcast_in_dim3A_294, %broadcast_in_dim3A_295 : vector<16xi1>, vector<16xf32>
      %add3A_297 = arith.addf %add3A_284, %select_n3A_296 : vector<16xf32>
      %add3A_298 = arith.constant 200 : i32
      %add3A_299 = arith.addi %mul3A_145, %add3A_298 : i32
      %sub3A = arith.constant 16 : i32
      %sub3A_300 = arith.subi %add3A_299, %sub3A : i32
      %get3A_301 = arith.index_cast %sub3A_300 : i32 to index
      %get3A_302 = tpu.vector_load %arg5[%get3A_301] {strides = array<i32>} : memref<25600xi32, #tpu.memory_space<vmem>>, vector<16xi32>,
      %ne3A_303 = arith.constant 0 : i32
      %ne3A_304 = vector.broadcast %ne3A_303 : i32 to vector<16xi32>
      %ne3A_305 = arith.cmpi ne, %get3A_302, %ne3A_304 : vector<16xi32>
      %ge3A = arith.constant 8 : i32
      %ge3A_306 = vector.broadcast %ge3A : i32 to vector<16xi32>
      %ge3A_307 = arith.cmpi sge, %iota3A, %ge3A_306 : vector<16xi32>
      %and3A = arith.andi %ne3A_305, %ge3A_307 : vector<16xi1>
      %jit3A_308 = arith.constant 1.000000e+00 : f32
      %jit3A_309 = arith.constant 0.000000e+00 : f32
      %broadcast_in_dim3A_310 = vector.broadcast %jit3A_308 : f32 to vector<16xf32>
      %broadcast_in_dim3A_311 = vector.broadcast %jit3A_309 : f32 to vector<16xf32>
      %select_n3A_312 = arith.select %and3A, %broadcast_in_dim3A_310, %broadcast_in_dim3A_311 : vector<16xi1>, vector<16xf32>
      %add3A_313 = arith.addf %add3A_297, %select_n3A_312 : vector<16xf32>
      %reduce_sum3A = arith.constant true
      %reduce_sum3A_314 = vector.broadcast %reduce_sum3A : i1 to vector<16xi1>
      %reduce_sum3A_315 = tpu.scan <sum>, %add3A_313 masked %reduce_sum3A_314 : vector<16xf32>, vector<16xi1> -> vector<16xf32>
      %reduce_sum3A_316 = vector.extract %reduce_sum3A_315[15] : f32 from vector<16xf32>
      %broadcast_in_dim3A_317 = vector.broadcast %reduce_sum3A_316 : f32 to vector<16xf32>
      %max3A = arith.maximumf %broadcast_in_dim3A_317, %broadcast_in_dim3A_3 : vector<16xf32>
      %div3A = arith.constant 1.000000e+00 : f32
      %div3A_318 = vector.broadcast %div3A : f32 to vector<16xf32>
      %div3A_319 = arith.divf %div3A_318, %max3A : vector<16xf32>
      %mul3A_320 = arith.mulf %add3A_142, %div3A_319 : vector<16xf32>
      %swap3A = arith.index_cast %add3A_141 : i32 to index
      %swap3A_321 = arith.constant 0 : index
      %swap3A_322 = tpu.vector_load %arg8[%swap3A, %swap3A_321] {strides = array<i32>} : memref<128x32xf32, #tpu.memory_space<vmem>>, vector<16xf32>,
      tpu.vector_store %arg8[%swap3A, %swap3A_321], %mul3A_320 {strides = array<i32>} : memref<128x32xf32, #tpu.memory_space<vmem>>, vector<16xf32>,
      %mul3A_323 = arith.mulf %add3A_143, %div3A_319 : vector<16xf32>
      %swap3A_324 = arith.index_cast %add3A_141 : i32 to index
      %swap3A_325 = arith.constant 16 : index
      %swap3A_326 = tpu.vector_load %arg8[%swap3A_324, %swap3A_325] {strides = array<i32>} : memref<128x32xf32, #tpu.memory_space<vmem>>, vector<16xf32>,
      tpu.vector_store %arg8[%swap3A_324, %swap3A_325], %mul3A_323 {strides = array<i32>} : memref<128x32xf32, #tpu.memory_space<vmem>>, vector<16xf32>,
      %mul3A_327 = arith.constant 4 : i32
      %mul3A_328 = arith.muli %mul3A_126, %mul3A_327 : i32
      %add3A_329 = arith.constant 1 : i32
      %add3A_330 = arith.addi %mul3A_328, %add3A_329 : i32
      %add3A_331 = arith.addf %scan3A_136#4, %scan3A_136#6 : vector<16xf32>
      %add3A_332 = arith.addf %scan3A_136#5, %scan3A_136#7 : vector<16xf32>
      %mul3A_333 = arith.constant 200 : i32
      %mul3A_334 = arith.muli %add3A_330, %mul3A_333 : i32
      %add3A_335 = arith.constant 0 : i32
      %add3A_336 = arith.addi %mul3A_334, %add3A_335 : i32
      %get3A_337 = arith.index_cast %add3A_336 : i32 to index
      %get3A_338 = tpu.vector_load %arg5[%get3A_337] {strides = array<i32>} : memref<25600xi32, #tpu.memory_space<vmem>>, vector<16xi32>,
      %ne3A_339 = arith.constant 0 : i32
      %ne3A_340 = vector.broadcast %ne3A_339 : i32 to vector<16xi32>
      %ne3A_341 = arith.cmpi ne, %get3A_338, %ne3A_340 : vector<16xi32>
      %jit3A_342 = arith.constant 1.000000e+00 : f32
      %jit3A_343 = arith.constant 0.000000e+00 : f32
      %broadcast_in_dim3A_344 = vector.broadcast %jit3A_342 : f32 to vector<16xf32>
      %broadcast_in_dim3A_345 = vector.broadcast %jit3A_343 : f32 to vector<16xf32>
      %select_n3A_346 = arith.select %ne3A_341, %broadcast_in_dim3A_344, %broadcast_in_dim3A_345 : vector<16xi1>, vector<16xf32>
      %add3A_347 = arith.addf %broadcast_in_dim3A_1, %select_n3A_346 : vector<16xf32>
      %add3A_348 = arith.constant 16 : i32
      %add3A_349 = arith.addi %mul3A_334, %add3A_348 : i32
      %get3A_350 = arith.index_cast %add3A_349 : i32 to index
      %get3A_351 = tpu.vector_load %arg5[%get3A_350] {strides = array<i32>} : memref<25600xi32, #tpu.memory_space<vmem>>, vector<16xi32>,
      %ne3A_352 = arith.constant 0 : i32
      %ne3A_353 = vector.broadcast %ne3A_352 : i32 to vector<16xi32>
      %ne3A_354 = arith.cmpi ne, %get3A_351, %ne3A_353 : vector<16xi32>
      %jit3A_355 = arith.constant 1.000000e+00 : f32
      %jit3A_356 = arith.constant 0.000000e+00 : f32
      %broadcast_in_dim3A_357 = vector.broadcast %jit3A_355 : f32 to vector<16xf32>
      %broadcast_in_dim3A_358 = vector.broadcast %jit3A_356 : f32 to vector<16xf32>
      %select_n3A_359 = arith.select %ne3A_354, %broadcast_in_dim3A_357, %broadcast_in_dim3A_358 : vector<16xi1>, vector<16xf32>
      %add3A_360 = arith.addf %add3A_347, %select_n3A_359 : vector<16xf32>
      %add3A_361 = arith.constant 32 : i32
      %add3A_362 = arith.addi %mul3A_334, %add3A_361 : i32
      %get3A_363 = arith.index_cast %add3A_362 : i32 to index
      %get3A_364 = tpu.vector_load %arg5[%get3A_363] {strides = array<i32>} : memref<25600xi32, #tpu.memory_space<vmem>>, vector<16xi32>,
      %ne3A_365 = arith.constant 0 : i32
      %ne3A_366 = vector.broadcast %ne3A_365 : i32 to vector<16xi32>
      %ne3A_367 = arith.cmpi ne, %get3A_364, %ne3A_366 : vector<16xi32>
      %jit3A_368 = arith.constant 1.000000e+00 : f32
      %jit3A_369 = arith.constant 0.000000e+00 : f32
      %broadcast_in_dim3A_370 = vector.broadcast %jit3A_368 : f32 to vector<16xf32>
      %broadcast_in_dim3A_371 = vector.broadcast %jit3A_369 : f32 to vector<16xf32>
      %select_n3A_372 = arith.select %ne3A_367, %broadcast_in_dim3A_370, %broadcast_in_dim3A_371 : vector<16xi1>, vector<16xf32>
      %add3A_373 = arith.addf %add3A_360, %select_n3A_372 : vector<16xf32>
      %add3A_374 = arith.constant 48 : i32
      %add3A_375 = arith.addi %mul3A_334, %add3A_374 : i32
      %get3A_376 = arith.index_cast %add3A_375 : i32 to index
      %get3A_377 = tpu.vector_load %arg5[%get3A_376] {strides = array<i32>} : memref<25600xi32, #tpu.memory_space<vmem>>, vector<16xi32>,
      %ne3A_378 = arith.constant 0 : i32
      %ne3A_379 = vector.broadcast %ne3A_378 : i32 to vector<16xi32>
      %ne3A_380 = arith.cmpi ne, %get3A_377, %ne3A_379 : vector<16xi32>
      %jit3A_381 = arith.constant 1.000000e+00 : f32
      %jit3A_382 = arith.constant 0.000000e+00 : f32
      %broadcast_in_dim3A_383 = vector.broadcast %jit3A_381 : f32 to vector<16xf32>
      %broadcast_in_dim3A_384 = vector.broadcast %jit3A_382 : f32 to vector<16xf32>
      %select_n3A_385 = arith.select %ne3A_380, %broadcast_in_dim3A_383, %broadcast_in_dim3A_384 : vector<16xi1>, vector<16xf32>
      %add3A_386 = arith.addf %add3A_373, %select_n3A_385 : vector<16xf32>
      %add3A_387 = arith.constant 64 : i32
      %add3A_388 = arith.addi %mul3A_334, %add3A_387 : i32
      %get3A_389 = arith.index_cast %add3A_388 : i32 to index
      %get3A_390 = tpu.vector_load %arg5[%get3A_389] {strides = array<i32>} : memref<25600xi32, #tpu.memory_space<vmem>>, vector<16xi32>,
      %ne3A_391 = arith.constant 0 : i32
      %ne3A_392 = vector.broadcast %ne3A_391 : i32 to vector<16xi32>
      %ne3A_393 = arith.cmpi ne, %get3A_390, %ne3A_392 : vector<16xi32>
      %jit3A_394 = arith.constant 1.000000e+00 : f32
      %jit3A_395 = arith.constant 0.000000e+00 : f32
      %broadcast_in_dim3A_396 = vector.broadcast %jit3A_394 : f32 to vector<16xf32>
      %broadcast_in_dim3A_397 = vector.broadcast %jit3A_395 : f32 to vector<16xf32>
      %select_n3A_398 = arith.select %ne3A_393, %broadcast_in_dim3A_396, %broadcast_in_dim3A_397 : vector<16xi1>, vector<16xf32>
      %add3A_399 = arith.addf %add3A_386, %select_n3A_398 : vector<16xf32>
      %add3A_400 = arith.constant 80 : i32
      %add3A_401 = arith.addi %mul3A_334, %add3A_400 : i32
      %get3A_402 = arith.index_cast %add3A_401 : i32 to index
      %get3A_403 = tpu.vector_load %arg5[%get3A_402] {strides = array<i32>} : memref<25600xi32, #tpu.memory_space<vmem>>, vector<16xi32>,
      %ne3A_404 = arith.constant 0 : i32
      %ne3A_405 = vector.broadcast %ne3A_404 : i32 to vector<16xi32>
      %ne3A_406 = arith.cmpi ne, %get3A_403, %ne3A_405 : vector<16xi32>
      %jit3A_407 = arith.constant 1.000000e+00 : f32
      %jit3A_408 = arith.constant 0.000000e+00 : f32
      %broadcast_in_dim3A_409 = vector.broadcast %jit3A_407 : f32 to vector<16xf32>
      %broadcast_in_dim3A_410 = vector.broadcast %jit3A_408 : f32 to vector<16xf32>
      %select_n3A_411 = arith.select %ne3A_406, %broadcast_in_dim3A_409, %broadcast_in_dim3A_410 : vector<16xi1>, vector<16xf32>
      %add3A_412 = arith.addf %add3A_399, %select_n3A_411 : vector<16xf32>
      %add3A_413 = arith.constant 96 : i32
      %add3A_414 = arith.addi %mul3A_334, %add3A_413 : i32
      %get3A_415 = arith.index_cast %add3A_414 : i32 to index
      %get3A_416 = tpu.vector_load %arg5[%get3A_415] {strides = array<i32>} : memref<25600xi32, #tpu.memory_space<vmem>>, vector<16xi32>,
      %ne3A_417 = arith.constant 0 : i32
      %ne3A_418 = vector.broadcast %ne3A_417 : i32 to vector<16xi32>
      %ne3A_419 = arith.cmpi ne, %get3A_416, %ne3A_418 : vector<16xi32>
      %jit3A_420 = arith.constant 1.000000e+00 : f32
      %jit3A_421 = arith.constant 0.000000e+00 : f32
      %broadcast_in_dim3A_422 = vector.broadcast %jit3A_420 : f32 to vector<16xf32>
      %broadcast_in_dim3A_423 = vector.broadcast %jit3A_421 : f32 to vector<16xf32>
      %select_n3A_424 = arith.select %ne3A_419, %broadcast_in_dim3A_422, %broadcast_in_dim3A_423 : vector<16xi1>, vector<16xf32>
      %add3A_425 = arith.addf %add3A_412, %select_n3A_424 : vector<16xf32>
      %add3A_426 = arith.constant 112 : i32
      %add3A_427 = arith.addi %mul3A_334, %add3A_426 : i32
      %get3A_428 = arith.index_cast %add3A_427 : i32 to index
      %get3A_429 = tpu.vector_load %arg5[%get3A_428] {strides = array<i32>} : memref<25600xi32, #tpu.memory_space<vmem>>, vector<16xi32>,
      %ne3A_430 = arith.constant 0 : i32
      %ne3A_431 = vector.broadcast %ne3A_430 : i32 to vector<16xi32>
      %ne3A_432 = arith.cmpi ne, %get3A_429, %ne3A_431 : vector<16xi32>
      %jit3A_433 = arith.constant 1.000000e+00 : f32
      %jit3A_434 = arith.constant 0.000000e+00 : f32
      %broadcast_in_dim3A_435 = vector.broadcast %jit3A_433 : f32 to vector<16xf32>
      %broadcast_in_dim3A_436 = vector.broadcast %jit3A_434 : f32 to vector<16xf32>
      %select_n3A_437 = arith.select %ne3A_432, %broadcast_in_dim3A_435, %broadcast_in_dim3A_436 : vector<16xi1>, vector<16xf32>
      %add3A_438 = arith.addf %add3A_425, %select_n3A_437 : vector<16xf32>
      %add3A_439 = arith.constant 128 : i32
      %add3A_440 = arith.addi %mul3A_334, %add3A_439 : i32
      %get3A_441 = arith.index_cast %add3A_440 : i32 to index
      %get3A_442 = tpu.vector_load %arg5[%get3A_441] {strides = array<i32>} : memref<25600xi32, #tpu.memory_space<vmem>>, vector<16xi32>,
      %ne3A_443 = arith.constant 0 : i32
      %ne3A_444 = vector.broadcast %ne3A_443 : i32 to vector<16xi32>
      %ne3A_445 = arith.cmpi ne, %get3A_442, %ne3A_444 : vector<16xi32>
      %jit3A_446 = arith.constant 1.000000e+00 : f32
      %jit3A_447 = arith.constant 0.000000e+00 : f32
      %broadcast_in_dim3A_448 = vector.broadcast %jit3A_446 : f32 to vector<16xf32>
      %broadcast_in_dim3A_449 = vector.broadcast %jit3A_447 : f32 to vector<16xf32>
      %select_n3A_450 = arith.select %ne3A_445, %broadcast_in_dim3A_448, %broadcast_in_dim3A_449 : vector<16xi1>, vector<16xf32>
      %add3A_451 = arith.addf %add3A_438, %select_n3A_450 : vector<16xf32>
      %add3A_452 = arith.constant 144 : i32
      %add3A_453 = arith.addi %mul3A_334, %add3A_452 : i32
      %get3A_454 = arith.index_cast %add3A_453 : i32 to index
      %get3A_455 = tpu.vector_load %arg5[%get3A_454] {strides = array<i32>} : memref<25600xi32, #tpu.memory_space<vmem>>, vector<16xi32>,
      %ne3A_456 = arith.constant 0 : i32
      %ne3A_457 = vector.broadcast %ne3A_456 : i32 to vector<16xi32>
      %ne3A_458 = arith.cmpi ne, %get3A_455, %ne3A_457 : vector<16xi32>
      %jit3A_459 = arith.constant 1.000000e+00 : f32
      %jit3A_460 = arith.constant 0.000000e+00 : f32
      %broadcast_in_dim3A_461 = vector.broadcast %jit3A_459 : f32 to vector<16xf32>
      %broadcast_in_dim3A_462 = vector.broadcast %jit3A_460 : f32 to vector<16xf32>
      %select_n3A_463 = arith.select %ne3A_458, %broadcast_in_dim3A_461, %broadcast_in_dim3A_462 : vector<16xi1>, vector<16xf32>
      %add3A_464 = arith.addf %add3A_451, %select_n3A_463 : vector<16xf32>
      %add3A_465 = arith.constant 160 : i32
      %add3A_466 = arith.addi %mul3A_334, %add3A_465 : i32
      %get3A_467 = arith.index_cast %add3A_466 : i32 to index
      %get3A_468 = tpu.vector_load %arg5[%get3A_467] {strides = array<i32>} : memref<25600xi32, #tpu.memory_space<vmem>>, vector<16xi32>,
      %ne3A_469 = arith.constant 0 : i32
      %ne3A_470 = vector.broadcast %ne3A_469 : i32 to vector<16xi32>
      %ne3A_471 = arith.cmpi ne, %get3A_468, %ne3A_470 : vector<16xi32>
      %jit3A_472 = arith.constant 1.000000e+00 : f32
      %jit3A_473 = arith.constant 0.000000e+00 : f32
      %broadcast_in_dim3A_474 = vector.broadcast %jit3A_472 : f32 to vector<16xf32>
      %broadcast_in_dim3A_475 = vector.broadcast %jit3A_473 : f32 to vector<16xf32>
      %select_n3A_476 = arith.select %ne3A_471, %broadcast_in_dim3A_474, %broadcast_in_dim3A_475 : vector<16xi1>, vector<16xf32>
      %add3A_477 = arith.addf %add3A_464, %select_n3A_476 : vector<16xf32>
      %add3A_478 = arith.constant 176 : i32
      %add3A_479 = arith.addi %mul3A_334, %add3A_478 : i32
      %get3A_480 = arith.index_cast %add3A_479 : i32 to index
      %get3A_481 = tpu.vector_load %arg5[%get3A_480] {strides = array<i32>} : memref<25600xi32, #tpu.memory_space<vmem>>, vector<16xi32>,
      %ne3A_482 = arith.constant 0 : i32
      %ne3A_483 = vector.broadcast %ne3A_482 : i32 to vector<16xi32>
      %ne3A_484 = arith.cmpi ne, %get3A_481, %ne3A_483 : vector<16xi32>
      %jit3A_485 = arith.constant 1.000000e+00 : f32
      %jit3A_486 = arith.constant 0.000000e+00 : f32
      %broadcast_in_dim3A_487 = vector.broadcast %jit3A_485 : f32 to vector<16xf32>
      %broadcast_in_dim3A_488 = vector.broadcast %jit3A_486 : f32 to vector<16xf32>
      %select_n3A_489 = arith.select %ne3A_484, %broadcast_in_dim3A_487, %broadcast_in_dim3A_488 : vector<16xi1>, vector<16xf32>
      %add3A_490 = arith.addf %add3A_477, %select_n3A_489 : vector<16xf32>
      %add3A_491 = arith.constant 200 : i32
      %add3A_492 = arith.addi %mul3A_334, %add3A_491 : i32
      %sub3A_493 = arith.constant 16 : i32
      %sub3A_494 = arith.subi %add3A_492, %sub3A_493 : i32
      %get3A_495 = arith.index_cast %sub3A_494 : i32 to index
      %get3A_496 = tpu.vector_load %arg5[%get3A_495] {strides = array<i32>} : memref<25600xi32, #tpu.memory_space<vmem>>, vector<16xi32>,
      %ne3A_497 = arith.constant 0 : i32
      %ne3A_498 = vector.broadcast %ne3A_497 : i32 to vector<16xi32>
      %ne3A_499 = arith.cmpi ne, %get3A_496, %ne3A_498 : vector<16xi32>
      %ge3A_500 = arith.constant 8 : i32
      %ge3A_501 = vector.broadcast %ge3A_500 : i32 to vector<16xi32>
      %ge3A_502 = arith.cmpi sge, %iota3A, %ge3A_501 : vector<16xi32>
      %and3A_503 = arith.andi %ne3A_499, %ge3A_502 : vector<16xi1>
      %jit3A_504 = arith.constant 1.000000e+00 : f32
      %jit3A_505 = arith.constant 0.000000e+00 : f32
      %broadcast_in_dim3A_506 = vector.broadcast %jit3A_504 : f32 to vector<16xf32>
      %broadcast_in_dim3A_507 = vector.broadcast %jit3A_505 : f32 to vector<16xf32>
      %select_n3A_508 = arith.select %and3A_503, %broadcast_in_dim3A_506, %broadcast_in_dim3A_507 : vector<16xi1>, vector<16xf32>
      %add3A_509 = arith.addf %add3A_490, %select_n3A_508 : vector<16xf32>
      %reduce_sum3A_510 = arith.constant true
      %reduce_sum3A_511 = vector.broadcast %reduce_sum3A_510 : i1 to vector<16xi1>
      %reduce_sum3A_512 = tpu.scan <sum>, %add3A_509 masked %reduce_sum3A_511 : vector<16xf32>, vector<16xi1> -> vector<16xf32>
      %reduce_sum3A_513 = vector.extract %reduce_sum3A_512[15] : f32 from vector<16xf32>
      %broadcast_in_dim3A_514 = vector.broadcast %reduce_sum3A_513 : f32 to vector<16xf32>
      %max3A_515 = arith.maximumf %broadcast_in_dim3A_514, %broadcast_in_dim3A_3 : vector<16xf32>
      %div3A_516 = arith.constant 1.000000e+00 : f32
      %div3A_517 = vector.broadcast %div3A_516 : f32 to vector<16xf32>
      %div3A_518 = arith.divf %div3A_517, %max3A_515 : vector<16xf32>
      %mul3A_519 = arith.mulf %add3A_331, %div3A_518 : vector<16xf32>
      %swap3A_520 = arith.index_cast %add3A_330 : i32 to index
      %swap3A_521 = arith.constant 0 : index
      %swap3A_522 = tpu.vector_load %arg8[%swap3A_520, %swap3A_521] {strides = array<i32>} : memref<128x32xf32, #tpu.memory_space<vmem>>, vector<16xf32>,
      tpu.vector_store %arg8[%swap3A_520, %swap3A_521], %mul3A_519 {strides = array<i32>} : memref<128x32xf32, #tpu.memory_space<vmem>>, vector<16xf32>,
      %mul3A_523 = arith.mulf %add3A_332, %div3A_518 : vector<16xf32>
      %swap3A_524 = arith.index_cast %add3A_330 : i32 to index
      %swap3A_525 = arith.constant 16 : index
      %swap3A_526 = tpu.vector_load %arg8[%swap3A_524, %swap3A_525] {strides = array<i32>} : memref<128x32xf32, #tpu.memory_space<vmem>>, vector<16xf32>,
      tpu.vector_store %arg8[%swap3A_524, %swap3A_525], %mul3A_523 {strides = array<i32>} : memref<128x32xf32, #tpu.memory_space<vmem>>, vector<16xf32>,
      %mul3A_527 = arith.constant 4 : i32
      %mul3A_528 = arith.muli %mul3A_126, %mul3A_527 : i32
      %add3A_529 = arith.constant 2 : i32
      %add3A_530 = arith.addi %mul3A_528, %add3A_529 : i32
      %add3A_531 = arith.addf %scan3A_136#8, %scan3A_136#10 : vector<16xf32>
      %add3A_532 = arith.addf %scan3A_136#9, %scan3A_136#11 : vector<16xf32>
      %mul3A_533 = arith.constant 200 : i32
      %mul3A_534 = arith.muli %add3A_530, %mul3A_533 : i32
      %add3A_535 = arith.constant 0 : i32
      %add3A_536 = arith.addi %mul3A_534, %add3A_535 : i32
      %get3A_537 = arith.index_cast %add3A_536 : i32 to index
      %get3A_538 = tpu.vector_load %arg5[%get3A_537] {strides = array<i32>} : memref<25600xi32, #tpu.memory_space<vmem>>, vector<16xi32>,
      %ne3A_539 = arith.constant 0 : i32
      %ne3A_540 = vector.broadcast %ne3A_539 : i32 to vector<16xi32>
      %ne3A_541 = arith.cmpi ne, %get3A_538, %ne3A_540 : vector<16xi32>
      %jit3A_542 = arith.constant 1.000000e+00 : f32
      %jit3A_543 = arith.constant 0.000000e+00 : f32
      %broadcast_in_dim3A_544 = vector.broadcast %jit3A_542 : f32 to vector<16xf32>
      %broadcast_in_dim3A_545 = vector.broadcast %jit3A_543 : f32 to vector<16xf32>
      %select_n3A_546 = arith.select %ne3A_541, %broadcast_in_dim3A_544, %broadcast_in_dim3A_545 : vector<16xi1>, vector<16xf32>
      %add3A_547 = arith.addf %broadcast_in_dim3A_1, %select_n3A_546 : vector<16xf32>
      %add3A_548 = arith.constant 16 : i32
      %add3A_549 = arith.addi %mul3A_534, %add3A_548 : i32
      %get3A_550 = arith.index_cast %add3A_549 : i32 to index
      %get3A_551 = tpu.vector_load %arg5[%get3A_550] {strides = array<i32>} : memref<25600xi32, #tpu.memory_space<vmem>>, vector<16xi32>,
      %ne3A_552 = arith.constant 0 : i32
      %ne3A_553 = vector.broadcast %ne3A_552 : i32 to vector<16xi32>
      %ne3A_554 = arith.cmpi ne, %get3A_551, %ne3A_553 : vector<16xi32>
      %jit3A_555 = arith.constant 1.000000e+00 : f32
      %jit3A_556 = arith.constant 0.000000e+00 : f32
      %broadcast_in_dim3A_557 = vector.broadcast %jit3A_555 : f32 to vector<16xf32>
      %broadcast_in_dim3A_558 = vector.broadcast %jit3A_556 : f32 to vector<16xf32>
      %select_n3A_559 = arith.select %ne3A_554, %broadcast_in_dim3A_557, %broadcast_in_dim3A_558 : vector<16xi1>, vector<16xf32>
      %add3A_560 = arith.addf %add3A_547, %select_n3A_559 : vector<16xf32>
      %add3A_561 = arith.constant 32 : i32
      %add3A_562 = arith.addi %mul3A_534, %add3A_561 : i32
      %get3A_563 = arith.index_cast %add3A_562 : i32 to index
      %get3A_564 = tpu.vector_load %arg5[%get3A_563] {strides = array<i32>} : memref<25600xi32, #tpu.memory_space<vmem>>, vector<16xi32>,
      %ne3A_565 = arith.constant 0 : i32
      %ne3A_566 = vector.broadcast %ne3A_565 : i32 to vector<16xi32>
      %ne3A_567 = arith.cmpi ne, %get3A_564, %ne3A_566 : vector<16xi32>
      %jit3A_568 = arith.constant 1.000000e+00 : f32
      %jit3A_569 = arith.constant 0.000000e+00 : f32
      %broadcast_in_dim3A_570 = vector.broadcast %jit3A_568 : f32 to vector<16xf32>
      %broadcast_in_dim3A_571 = vector.broadcast %jit3A_569 : f32 to vector<16xf32>
      %select_n3A_572 = arith.select %ne3A_567, %broadcast_in_dim3A_570, %broadcast_in_dim3A_571 : vector<16xi1>, vector<16xf32>
      %add3A_573 = arith.addf %add3A_560, %select_n3A_572 : vector<16xf32>
      %add3A_574 = arith.constant 48 : i32
      %add3A_575 = arith.addi %mul3A_534, %add3A_574 : i32
      %get3A_576 = arith.index_cast %add3A_575 : i32 to index
      %get3A_577 = tpu.vector_load %arg5[%get3A_576] {strides = array<i32>} : memref<25600xi32, #tpu.memory_space<vmem>>, vector<16xi32>,
      %ne3A_578 = arith.constant 0 : i32
      %ne3A_579 = vector.broadcast %ne3A_578 : i32 to vector<16xi32>
      %ne3A_580 = arith.cmpi ne, %get3A_577, %ne3A_579 : vector<16xi32>
      %jit3A_581 = arith.constant 1.000000e+00 : f32
      %jit3A_582 = arith.constant 0.000000e+00 : f32
      %broadcast_in_dim3A_583 = vector.broadcast %jit3A_581 : f32 to vector<16xf32>
      %broadcast_in_dim3A_584 = vector.broadcast %jit3A_582 : f32 to vector<16xf32>
      %select_n3A_585 = arith.select %ne3A_580, %broadcast_in_dim3A_583, %broadcast_in_dim3A_584 : vector<16xi1>, vector<16xf32>
      %add3A_586 = arith.addf %add3A_573, %select_n3A_585 : vector<16xf32>
      %add3A_587 = arith.constant 64 : i32
      %add3A_588 = arith.addi %mul3A_534, %add3A_587 : i32
      %get3A_589 = arith.index_cast %add3A_588 : i32 to index
      %get3A_590 = tpu.vector_load %arg5[%get3A_589] {strides = array<i32>} : memref<25600xi32, #tpu.memory_space<vmem>>, vector<16xi32>,
      %ne3A_591 = arith.constant 0 : i32
      %ne3A_592 = vector.broadcast %ne3A_591 : i32 to vector<16xi32>
      %ne3A_593 = arith.cmpi ne, %get3A_590, %ne3A_592 : vector<16xi32>
      %jit3A_594 = arith.constant 1.000000e+00 : f32
      %jit3A_595 = arith.constant 0.000000e+00 : f32
      %broadcast_in_dim3A_596 = vector.broadcast %jit3A_594 : f32 to vector<16xf32>
      %broadcast_in_dim3A_597 = vector.broadcast %jit3A_595 : f32 to vector<16xf32>
      %select_n3A_598 = arith.select %ne3A_593, %broadcast_in_dim3A_596, %broadcast_in_dim3A_597 : vector<16xi1>, vector<16xf32>
      %add3A_599 = arith.addf %add3A_586, %select_n3A_598 : vector<16xf32>
      %add3A_600 = arith.constant 80 : i32
      %add3A_601 = arith.addi %mul3A_534, %add3A_600 : i32
      %get3A_602 = arith.index_cast %add3A_601 : i32 to index
      %get3A_603 = tpu.vector_load %arg5[%get3A_602] {strides = array<i32>} : memref<25600xi32, #tpu.memory_space<vmem>>, vector<16xi32>,
      %ne3A_604 = arith.constant 0 : i32
      %ne3A_605 = vector.broadcast %ne3A_604 : i32 to vector<16xi32>
      %ne3A_606 = arith.cmpi ne, %get3A_603, %ne3A_605 : vector<16xi32>
      %jit3A_607 = arith.constant 1.000000e+00 : f32
      %jit3A_608 = arith.constant 0.000000e+00 : f32
      %broadcast_in_dim3A_609 = vector.broadcast %jit3A_607 : f32 to vector<16xf32>
      %broadcast_in_dim3A_610 = vector.broadcast %jit3A_608 : f32 to vector<16xf32>
      %select_n3A_611 = arith.select %ne3A_606, %broadcast_in_dim3A_609, %broadcast_in_dim3A_610 : vector<16xi1>, vector<16xf32>
      %add3A_612 = arith.addf %add3A_599, %select_n3A_611 : vector<16xf32>
      %add3A_613 = arith.constant 96 : i32
      %add3A_614 = arith.addi %mul3A_534, %add3A_613 : i32
      %get3A_615 = arith.index_cast %add3A_614 : i32 to index
      %get3A_616 = tpu.vector_load %arg5[%get3A_615] {strides = array<i32>} : memref<25600xi32, #tpu.memory_space<vmem>>, vector<16xi32>,
      %ne3A_617 = arith.constant 0 : i32
      %ne3A_618 = vector.broadcast %ne3A_617 : i32 to vector<16xi32>
      %ne3A_619 = arith.cmpi ne, %get3A_616, %ne3A_618 : vector<16xi32>
      %jit3A_620 = arith.constant 1.000000e+00 : f32
      %jit3A_621 = arith.constant 0.000000e+00 : f32
      %broadcast_in_dim3A_622 = vector.broadcast %jit3A_620 : f32 to vector<16xf32>
      %broadcast_in_dim3A_623 = vector.broadcast %jit3A_621 : f32 to vector<16xf32>
      %select_n3A_624 = arith.select %ne3A_619, %broadcast_in_dim3A_622, %broadcast_in_dim3A_623 : vector<16xi1>, vector<16xf32>
      %add3A_625 = arith.addf %add3A_612, %select_n3A_624 : vector<16xf32>
      %add3A_626 = arith.constant 112 : i32
      %add3A_627 = arith.addi %mul3A_534, %add3A_626 : i32
      %get3A_628 = arith.index_cast %add3A_627 : i32 to index
      %get3A_629 = tpu.vector_load %arg5[%get3A_628] {strides = array<i32>} : memref<25600xi32, #tpu.memory_space<vmem>>, vector<16xi32>,
      %ne3A_630 = arith.constant 0 : i32
      %ne3A_631 = vector.broadcast %ne3A_630 : i32 to vector<16xi32>
      %ne3A_632 = arith.cmpi ne, %get3A_629, %ne3A_631 : vector<16xi32>
      %jit3A_633 = arith.constant 1.000000e+00 : f32
      %jit3A_634 = arith.constant 0.000000e+00 : f32
      %broadcast_in_dim3A_635 = vector.broadcast %jit3A_633 : f32 to vector<16xf32>
      %broadcast_in_dim3A_636 = vector.broadcast %jit3A_634 : f32 to vector<16xf32>
      %select_n3A_637 = arith.select %ne3A_632, %broadcast_in_dim3A_635, %broadcast_in_dim3A_636 : vector<16xi1>, vector<16xf32>
      %add3A_638 = arith.addf %add3A_625, %select_n3A_637 : vector<16xf32>
      %add3A_639 = arith.constant 128 : i32
      %add3A_640 = arith.addi %mul3A_534, %add3A_639 : i32
      %get3A_641 = arith.index_cast %add3A_640 : i32 to index
      %get3A_642 = tpu.vector_load %arg5[%get3A_641] {strides = array<i32>} : memref<25600xi32, #tpu.memory_space<vmem>>, vector<16xi32>,
      %ne3A_643 = arith.constant 0 : i32
      %ne3A_644 = vector.broadcast %ne3A_643 : i32 to vector<16xi32>
      %ne3A_645 = arith.cmpi ne, %get3A_642, %ne3A_644 : vector<16xi32>
      %jit3A_646 = arith.constant 1.000000e+00 : f32
      %jit3A_647 = arith.constant 0.000000e+00 : f32
      %broadcast_in_dim3A_648 = vector.broadcast %jit3A_646 : f32 to vector<16xf32>
      %broadcast_in_dim3A_649 = vector.broadcast %jit3A_647 : f32 to vector<16xf32>
      %select_n3A_650 = arith.select %ne3A_645, %broadcast_in_dim3A_648, %broadcast_in_dim3A_649 : vector<16xi1>, vector<16xf32>
      %add3A_651 = arith.addf %add3A_638, %select_n3A_650 : vector<16xf32>
      %add3A_652 = arith.constant 144 : i32
      %add3A_653 = arith.addi %mul3A_534, %add3A_652 : i32
      %get3A_654 = arith.index_cast %add3A_653 : i32 to index
      %get3A_655 = tpu.vector_load %arg5[%get3A_654] {strides = array<i32>} : memref<25600xi32, #tpu.memory_space<vmem>>, vector<16xi32>,
      %ne3A_656 = arith.constant 0 : i32
      %ne3A_657 = vector.broadcast %ne3A_656 : i32 to vector<16xi32>
      %ne3A_658 = arith.cmpi ne, %get3A_655, %ne3A_657 : vector<16xi32>
      %jit3A_659 = arith.constant 1.000000e+00 : f32
      %jit3A_660 = arith.constant 0.000000e+00 : f32
      %broadcast_in_dim3A_661 = vector.broadcast %jit3A_659 : f32 to vector<16xf32>
      %broadcast_in_dim3A_662 = vector.broadcast %jit3A_660 : f32 to vector<16xf32>
      %select_n3A_663 = arith.select %ne3A_658, %broadcast_in_dim3A_661, %broadcast_in_dim3A_662 : vector<16xi1>, vector<16xf32>
      %add3A_664 = arith.addf %add3A_651, %select_n3A_663 : vector<16xf32>
      %add3A_665 = arith.constant 160 : i32
      %add3A_666 = arith.addi %mul3A_534, %add3A_665 : i32
      %get3A_667 = arith.index_cast %add3A_666 : i32 to index
      %get3A_668 = tpu.vector_load %arg5[%get3A_667] {strides = array<i32>} : memref<25600xi32, #tpu.memory_space<vmem>>, vector<16xi32>,
      %ne3A_669 = arith.constant 0 : i32
      %ne3A_670 = vector.broadcast %ne3A_669 : i32 to vector<16xi32>
      %ne3A_671 = arith.cmpi ne, %get3A_668, %ne3A_670 : vector<16xi32>
      %jit3A_672 = arith.constant 1.000000e+00 : f32
      %jit3A_673 = arith.constant 0.000000e+00 : f32
      %broadcast_in_dim3A_674 = vector.broadcast %jit3A_672 : f32 to vector<16xf32>
      %broadcast_in_dim3A_675 = vector.broadcast %jit3A_673 : f32 to vector<16xf32>
      %select_n3A_676 = arith.select %ne3A_671, %broadcast_in_dim3A_674, %broadcast_in_dim3A_675 : vector<16xi1>, vector<16xf32>
      %add3A_677 = arith.addf %add3A_664, %select_n3A_676 : vector<16xf32>
      %add3A_678 = arith.constant 176 : i32
      %add3A_679 = arith.addi %mul3A_534, %add3A_678 : i32
      %get3A_680 = arith.index_cast %add3A_679 : i32 to index
      %get3A_681 = tpu.vector_load %arg5[%get3A_680] {strides = array<i32>} : memref<25600xi32, #tpu.memory_space<vmem>>, vector<16xi32>,
      %ne3A_682 = arith.constant 0 : i32
      %ne3A_683 = vector.broadcast %ne3A_682 : i32 to vector<16xi32>
      %ne3A_684 = arith.cmpi ne, %get3A_681, %ne3A_683 : vector<16xi32>
      %jit3A_685 = arith.constant 1.000000e+00 : f32
      %jit3A_686 = arith.constant 0.000000e+00 : f32
      %broadcast_in_dim3A_687 = vector.broadcast %jit3A_685 : f32 to vector<16xf32>
      %broadcast_in_dim3A_688 = vector.broadcast %jit3A_686 : f32 to vector<16xf32>
      %select_n3A_689 = arith.select %ne3A_684, %broadcast_in_dim3A_687, %broadcast_in_dim3A_688 : vector<16xi1>, vector<16xf32>
      %add3A_690 = arith.addf %add3A_677, %select_n3A_689 : vector<16xf32>
      %add3A_691 = arith.constant 200 : i32
      %add3A_692 = arith.addi %mul3A_534, %add3A_691 : i32
      %sub3A_693 = arith.constant 16 : i32
      %sub3A_694 = arith.subi %add3A_692, %sub3A_693 : i32
      %get3A_695 = arith.index_cast %sub3A_694 : i32 to index
      %get3A_696 = tpu.vector_load %arg5[%get3A_695] {strides = array<i32>} : memref<25600xi32, #tpu.memory_space<vmem>>, vector<16xi32>,
      %ne3A_697 = arith.constant 0 : i32
      %ne3A_698 = vector.broadcast %ne3A_697 : i32 to vector<16xi32>
      %ne3A_699 = arith.cmpi ne, %get3A_696, %ne3A_698 : vector<16xi32>
      %ge3A_700 = arith.constant 8 : i32
      %ge3A_701 = vector.broadcast %ge3A_700 : i32 to vector<16xi32>
      %ge3A_702 = arith.cmpi sge, %iota3A, %ge3A_701 : vector<16xi32>
      %and3A_703 = arith.andi %ne3A_699, %ge3A_702 : vector<16xi1>
      %jit3A_704 = arith.constant 1.000000e+00 : f32
      %jit3A_705 = arith.constant 0.000000e+00 : f32
      %broadcast_in_dim3A_706 = vector.broadcast %jit3A_704 : f32 to vector<16xf32>
      %broadcast_in_dim3A_707 = vector.broadcast %jit3A_705 : f32 to vector<16xf32>
      %select_n3A_708 = arith.select %and3A_703, %broadcast_in_dim3A_706, %broadcast_in_dim3A_707 : vector<16xi1>, vector<16xf32>
      %add3A_709 = arith.addf %add3A_690, %select_n3A_708 : vector<16xf32>
      %reduce_sum3A_710 = arith.constant true
      %reduce_sum3A_711 = vector.broadcast %reduce_sum3A_710 : i1 to vector<16xi1>
      %reduce_sum3A_712 = tpu.scan <sum>, %add3A_709 masked %reduce_sum3A_711 : vector<16xf32>, vector<16xi1> -> vector<16xf32>
      %reduce_sum3A_713 = vector.extract %reduce_sum3A_712[15] : f32 from vector<16xf32>
      %broadcast_in_dim3A_714 = vector.broadcast %reduce_sum3A_713 : f32 to vector<16xf32>
      %max3A_715 = arith.maximumf %broadcast_in_dim3A_714, %broadcast_in_dim3A_3 : vector<16xf32>
      %div3A_716 = arith.constant 1.000000e+00 : f32
      %div3A_717 = vector.broadcast %div3A_716 : f32 to vector<16xf32>
      %div3A_718 = arith.divf %div3A_717, %max3A_715 : vector<16xf32>
      %mul3A_719 = arith.mulf %add3A_531, %div3A_718 : vector<16xf32>
      %swap3A_720 = arith.index_cast %add3A_530 : i32 to index
      %swap3A_721 = arith.constant 0 : index
      %swap3A_722 = tpu.vector_load %arg8[%swap3A_720, %swap3A_721] {strides = array<i32>} : memref<128x32xf32, #tpu.memory_space<vmem>>, vector<16xf32>,
      tpu.vector_store %arg8[%swap3A_720, %swap3A_721], %mul3A_719 {strides = array<i32>} : memref<128x32xf32, #tpu.memory_space<vmem>>, vector<16xf32>,
      %mul3A_723 = arith.mulf %add3A_532, %div3A_718 : vector<16xf32>
      %swap3A_724 = arith.index_cast %add3A_530 : i32 to index
      %swap3A_725 = arith.constant 16 : index
      %swap3A_726 = tpu.vector_load %arg8[%swap3A_724, %swap3A_725] {strides = array<i32>} : memref<128x32xf32, #tpu.memory_space<vmem>>, vector<16xf32>,
      tpu.vector_store %arg8[%swap3A_724, %swap3A_725], %mul3A_723 {strides = array<i32>} : memref<128x32xf32, #tpu.memory_space<vmem>>, vector<16xf32>,
      %mul3A_727 = arith.constant 4 : i32
      %mul3A_728 = arith.muli %mul3A_126, %mul3A_727 : i32
      %add3A_729 = arith.constant 3 : i32
      %add3A_730 = arith.addi %mul3A_728, %add3A_729 : i32
      %add3A_731 = arith.addf %scan3A_136#12, %scan3A_136#14 : vector<16xf32>
      %add3A_732 = arith.addf %scan3A_136#13, %scan3A_136#15 : vector<16xf32>
      %mul3A_733 = arith.constant 200 : i32
      %mul3A_734 = arith.muli %add3A_730, %mul3A_733 : i32
      %add3A_735 = arith.constant 0 : i32
      %add3A_736 = arith.addi %mul3A_734, %add3A_735 : i32
      %get3A_737 = arith.index_cast %add3A_736 : i32 to index
      %get3A_738 = tpu.vector_load %arg5[%get3A_737] {strides = array<i32>} : memref<25600xi32, #tpu.memory_space<vmem>>, vector<16xi32>,
      %ne3A_739 = arith.constant 0 : i32
      %ne3A_740 = vector.broadcast %ne3A_739 : i32 to vector<16xi32>
      %ne3A_741 = arith.cmpi ne, %get3A_738, %ne3A_740 : vector<16xi32>
      %jit3A_742 = arith.constant 1.000000e+00 : f32
      %jit3A_743 = arith.constant 0.000000e+00 : f32
      %broadcast_in_dim3A_744 = vector.broadcast %jit3A_742 : f32 to vector<16xf32>
      %broadcast_in_dim3A_745 = vector.broadcast %jit3A_743 : f32 to vector<16xf32>
      %select_n3A_746 = arith.select %ne3A_741, %broadcast_in_dim3A_744, %broadcast_in_dim3A_745 : vector<16xi1>, vector<16xf32>
      %add3A_747 = arith.addf %broadcast_in_dim3A_1, %select_n3A_746 : vector<16xf32>
      %add3A_748 = arith.constant 16 : i32
      %add3A_749 = arith.addi %mul3A_734, %add3A_748 : i32
      %get3A_750 = arith.index_cast %add3A_749 : i32 to index
      %get3A_751 = tpu.vector_load %arg5[%get3A_750] {strides = array<i32>} : memref<25600xi32, #tpu.memory_space<vmem>>, vector<16xi32>,
      %ne3A_752 = arith.constant 0 : i32
      %ne3A_753 = vector.broadcast %ne3A_752 : i32 to vector<16xi32>
      %ne3A_754 = arith.cmpi ne, %get3A_751, %ne3A_753 : vector<16xi32>
      %jit3A_755 = arith.constant 1.000000e+00 : f32
      %jit3A_756 = arith.constant 0.000000e+00 : f32
      %broadcast_in_dim3A_757 = vector.broadcast %jit3A_755 : f32 to vector<16xf32>
      %broadcast_in_dim3A_758 = vector.broadcast %jit3A_756 : f32 to vector<16xf32>
      %select_n3A_759 = arith.select %ne3A_754, %broadcast_in_dim3A_757, %broadcast_in_dim3A_758 : vector<16xi1>, vector<16xf32>
      %add3A_760 = arith.addf %add3A_747, %select_n3A_759 : vector<16xf32>
      %add3A_761 = arith.constant 32 : i32
      %add3A_762 = arith.addi %mul3A_734, %add3A_761 : i32
      %get3A_763 = arith.index_cast %add3A_762 : i32 to index
      %get3A_764 = tpu.vector_load %arg5[%get3A_763] {strides = array<i32>} : memref<25600xi32, #tpu.memory_space<vmem>>, vector<16xi32>,
      %ne3A_765 = arith.constant 0 : i32
      %ne3A_766 = vector.broadcast %ne3A_765 : i32 to vector<16xi32>
      %ne3A_767 = arith.cmpi ne, %get3A_764, %ne3A_766 : vector<16xi32>
      %jit3A_768 = arith.constant 1.000000e+00 : f32
      %jit3A_769 = arith.constant 0.000000e+00 : f32
      %broadcast_in_dim3A_770 = vector.broadcast %jit3A_768 : f32 to vector<16xf32>
      %broadcast_in_dim3A_771 = vector.broadcast %jit3A_769 : f32 to vector<16xf32>
      %select_n3A_772 = arith.select %ne3A_767, %broadcast_in_dim3A_770, %broadcast_in_dim3A_771 : vector<16xi1>, vector<16xf32>
      %add3A_773 = arith.addf %add3A_760, %select_n3A_772 : vector<16xf32>
      %add3A_774 = arith.constant 48 : i32
      %add3A_775 = arith.addi %mul3A_734, %add3A_774 : i32
      %get3A_776 = arith.index_cast %add3A_775 : i32 to index
      %get3A_777 = tpu.vector_load %arg5[%get3A_776] {strides = array<i32>} : memref<25600xi32, #tpu.memory_space<vmem>>, vector<16xi32>,
      %ne3A_778 = arith.constant 0 : i32
      %ne3A_779 = vector.broadcast %ne3A_778 : i32 to vector<16xi32>
      %ne3A_780 = arith.cmpi ne, %get3A_777, %ne3A_779 : vector<16xi32>
      %jit3A_781 = arith.constant 1.000000e+00 : f32
      %jit3A_782 = arith.constant 0.000000e+00 : f32
      %broadcast_in_dim3A_783 = vector.broadcast %jit3A_781 : f32 to vector<16xf32>
      %broadcast_in_dim3A_784 = vector.broadcast %jit3A_782 : f32 to vector<16xf32>
      %select_n3A_785 = arith.select %ne3A_780, %broadcast_in_dim3A_783, %broadcast_in_dim3A_784 : vector<16xi1>, vector<16xf32>
      %add3A_786 = arith.addf %add3A_773, %select_n3A_785 : vector<16xf32>
      %add3A_787 = arith.constant 64 : i32
      %add3A_788 = arith.addi %mul3A_734, %add3A_787 : i32
      %get3A_789 = arith.index_cast %add3A_788 : i32 to index
      %get3A_790 = tpu.vector_load %arg5[%get3A_789] {strides = array<i32>} : memref<25600xi32, #tpu.memory_space<vmem>>, vector<16xi32>,
      %ne3A_791 = arith.constant 0 : i32
      %ne3A_792 = vector.broadcast %ne3A_791 : i32 to vector<16xi32>
      %ne3A_793 = arith.cmpi ne, %get3A_790, %ne3A_792 : vector<16xi32>
      %jit3A_794 = arith.constant 1.000000e+00 : f32
      %jit3A_795 = arith.constant 0.000000e+00 : f32
      %broadcast_in_dim3A_796 = vector.broadcast %jit3A_794 : f32 to vector<16xf32>
      %broadcast_in_dim3A_797 = vector.broadcast %jit3A_795 : f32 to vector<16xf32>
      %select_n3A_798 = arith.select %ne3A_793, %broadcast_in_dim3A_796, %broadcast_in_dim3A_797 : vector<16xi1>, vector<16xf32>
      %add3A_799 = arith.addf %add3A_786, %select_n3A_798 : vector<16xf32>
      %add3A_800 = arith.constant 80 : i32
      %add3A_801 = arith.addi %mul3A_734, %add3A_800 : i32
      %get3A_802 = arith.index_cast %add3A_801 : i32 to index
      %get3A_803 = tpu.vector_load %arg5[%get3A_802] {strides = array<i32>} : memref<25600xi32, #tpu.memory_space<vmem>>, vector<16xi32>,
      %ne3A_804 = arith.constant 0 : i32
      %ne3A_805 = vector.broadcast %ne3A_804 : i32 to vector<16xi32>
      %ne3A_806 = arith.cmpi ne, %get3A_803, %ne3A_805 : vector<16xi32>
      %jit3A_807 = arith.constant 1.000000e+00 : f32
      %jit3A_808 = arith.constant 0.000000e+00 : f32
      %broadcast_in_dim3A_809 = vector.broadcast %jit3A_807 : f32 to vector<16xf32>
      %broadcast_in_dim3A_810 = vector.broadcast %jit3A_808 : f32 to vector<16xf32>
      %select_n3A_811 = arith.select %ne3A_806, %broadcast_in_dim3A_809, %broadcast_in_dim3A_810 : vector<16xi1>, vector<16xf32>
      %add3A_812 = arith.addf %add3A_799, %select_n3A_811 : vector<16xf32>
      %add3A_813 = arith.constant 96 : i32
      %add3A_814 = arith.addi %mul3A_734, %add3A_813 : i32
      %get3A_815 = arith.index_cast %add3A_814 : i32 to index
      %get3A_816 = tpu.vector_load %arg5[%get3A_815] {strides = array<i32>} : memref<25600xi32, #tpu.memory_space<vmem>>, vector<16xi32>,
      %ne3A_817 = arith.constant 0 : i32
      %ne3A_818 = vector.broadcast %ne3A_817 : i32 to vector<16xi32>
      %ne3A_819 = arith.cmpi ne, %get3A_816, %ne3A_818 : vector<16xi32>
      %jit3A_820 = arith.constant 1.000000e+00 : f32
      %jit3A_821 = arith.constant 0.000000e+00 : f32
      %broadcast_in_dim3A_822 = vector.broadcast %jit3A_820 : f32 to vector<16xf32>
      %broadcast_in_dim3A_823 = vector.broadcast %jit3A_821 : f32 to vector<16xf32>
      %select_n3A_824 = arith.select %ne3A_819, %broadcast_in_dim3A_822, %broadcast_in_dim3A_823 : vector<16xi1>, vector<16xf32>
      %add3A_825 = arith.addf %add3A_812, %select_n3A_824 : vector<16xf32>
      %add3A_826 = arith.constant 112 : i32
      %add3A_827 = arith.addi %mul3A_734, %add3A_826 : i32
      %get3A_828 = arith.index_cast %add3A_827 : i32 to index
      %get3A_829 = tpu.vector_load %arg5[%get3A_828] {strides = array<i32>} : memref<25600xi32, #tpu.memory_space<vmem>>, vector<16xi32>,
      %ne3A_830 = arith.constant 0 : i32
      %ne3A_831 = vector.broadcast %ne3A_830 : i32 to vector<16xi32>
      %ne3A_832 = arith.cmpi ne, %get3A_829, %ne3A_831 : vector<16xi32>
      %jit3A_833 = arith.constant 1.000000e+00 : f32
      %jit3A_834 = arith.constant 0.000000e+00 : f32
      %broadcast_in_dim3A_835 = vector.broadcast %jit3A_833 : f32 to vector<16xf32>
      %broadcast_in_dim3A_836 = vector.broadcast %jit3A_834 : f32 to vector<16xf32>
      %select_n3A_837 = arith.select %ne3A_832, %broadcast_in_dim3A_835, %broadcast_in_dim3A_836 : vector<16xi1>, vector<16xf32>
      %add3A_838 = arith.addf %add3A_825, %select_n3A_837 : vector<16xf32>
      %add3A_839 = arith.constant 128 : i32
      %add3A_840 = arith.addi %mul3A_734, %add3A_839 : i32
      %get3A_841 = arith.index_cast %add3A_840 : i32 to index
      %get3A_842 = tpu.vector_load %arg5[%get3A_841] {strides = array<i32>} : memref<25600xi32, #tpu.memory_space<vmem>>, vector<16xi32>,
      %ne3A_843 = arith.constant 0 : i32
      %ne3A_844 = vector.broadcast %ne3A_843 : i32 to vector<16xi32>
      %ne3A_845 = arith.cmpi ne, %get3A_842, %ne3A_844 : vector<16xi32>
      %jit3A_846 = arith.constant 1.000000e+00 : f32
      %jit3A_847 = arith.constant 0.000000e+00 : f32
      %broadcast_in_dim3A_848 = vector.broadcast %jit3A_846 : f32 to vector<16xf32>
      %broadcast_in_dim3A_849 = vector.broadcast %jit3A_847 : f32 to vector<16xf32>
      %select_n3A_850 = arith.select %ne3A_845, %broadcast_in_dim3A_848, %broadcast_in_dim3A_849 : vector<16xi1>, vector<16xf32>
      %add3A_851 = arith.addf %add3A_838, %select_n3A_850 : vector<16xf32>
      %add3A_852 = arith.constant 144 : i32
      %add3A_853 = arith.addi %mul3A_734, %add3A_852 : i32
      %get3A_854 = arith.index_cast %add3A_853 : i32 to index
      %get3A_855 = tpu.vector_load %arg5[%get3A_854] {strides = array<i32>} : memref<25600xi32, #tpu.memory_space<vmem>>, vector<16xi32>,
      %ne3A_856 = arith.constant 0 : i32
      %ne3A_857 = vector.broadcast %ne3A_856 : i32 to vector<16xi32>
      %ne3A_858 = arith.cmpi ne, %get3A_855, %ne3A_857 : vector<16xi32>
      %jit3A_859 = arith.constant 1.000000e+00 : f32
      %jit3A_860 = arith.constant 0.000000e+00 : f32
      %broadcast_in_dim3A_861 = vector.broadcast %jit3A_859 : f32 to vector<16xf32>
      %broadcast_in_dim3A_862 = vector.broadcast %jit3A_860 : f32 to vector<16xf32>
      %select_n3A_863 = arith.select %ne3A_858, %broadcast_in_dim3A_861, %broadcast_in_dim3A_862 : vector<16xi1>, vector<16xf32>
      %add3A_864 = arith.addf %add3A_851, %select_n3A_863 : vector<16xf32>
      %add3A_865 = arith.constant 160 : i32
      %add3A_866 = arith.addi %mul3A_734, %add3A_865 : i32
      %get3A_867 = arith.index_cast %add3A_866 : i32 to index
      %get3A_868 = tpu.vector_load %arg5[%get3A_867] {strides = array<i32>} : memref<25600xi32, #tpu.memory_space<vmem>>, vector<16xi32>,
      %ne3A_869 = arith.constant 0 : i32
      %ne3A_870 = vector.broadcast %ne3A_869 : i32 to vector<16xi32>
      %ne3A_871 = arith.cmpi ne, %get3A_868, %ne3A_870 : vector<16xi32>
      %jit3A_872 = arith.constant 1.000000e+00 : f32
      %jit3A_873 = arith.constant 0.000000e+00 : f32
      %broadcast_in_dim3A_874 = vector.broadcast %jit3A_872 : f32 to vector<16xf32>
      %broadcast_in_dim3A_875 = vector.broadcast %jit3A_873 : f32 to vector<16xf32>
      %select_n3A_876 = arith.select %ne3A_871, %broadcast_in_dim3A_874, %broadcast_in_dim3A_875 : vector<16xi1>, vector<16xf32>
      %add3A_877 = arith.addf %add3A_864, %select_n3A_876 : vector<16xf32>
      %add3A_878 = arith.constant 176 : i32
      %add3A_879 = arith.addi %mul3A_734, %add3A_878 : i32
      %get3A_880 = arith.index_cast %add3A_879 : i32 to index
      %get3A_881 = tpu.vector_load %arg5[%get3A_880] {strides = array<i32>} : memref<25600xi32, #tpu.memory_space<vmem>>, vector<16xi32>,
      %ne3A_882 = arith.constant 0 : i32
      %ne3A_883 = vector.broadcast %ne3A_882 : i32 to vector<16xi32>
      %ne3A_884 = arith.cmpi ne, %get3A_881, %ne3A_883 : vector<16xi32>
      %jit3A_885 = arith.constant 1.000000e+00 : f32
      %jit3A_886 = arith.constant 0.000000e+00 : f32
      %broadcast_in_dim3A_887 = vector.broadcast %jit3A_885 : f32 to vector<16xf32>
      %broadcast_in_dim3A_888 = vector.broadcast %jit3A_886 : f32 to vector<16xf32>
      %select_n3A_889 = arith.select %ne3A_884, %broadcast_in_dim3A_887, %broadcast_in_dim3A_888 : vector<16xi1>, vector<16xf32>
      %add3A_890 = arith.addf %add3A_877, %select_n3A_889 : vector<16xf32>
      %add3A_891 = arith.constant 200 : i32
      %add3A_892 = arith.addi %mul3A_734, %add3A_891 : i32
      %sub3A_893 = arith.constant 16 : i32
      %sub3A_894 = arith.subi %add3A_892, %sub3A_893 : i32
      %get3A_895 = arith.index_cast %sub3A_894 : i32 to index
      %get3A_896 = tpu.vector_load %arg5[%get3A_895] {strides = array<i32>} : memref<25600xi32, #tpu.memory_space<vmem>>, vector<16xi32>,
      %ne3A_897 = arith.constant 0 : i32
      %ne3A_898 = vector.broadcast %ne3A_897 : i32 to vector<16xi32>
      %ne3A_899 = arith.cmpi ne, %get3A_896, %ne3A_898 : vector<16xi32>
      %ge3A_900 = arith.constant 8 : i32
      %ge3A_901 = vector.broadcast %ge3A_900 : i32 to vector<16xi32>
      %ge3A_902 = arith.cmpi sge, %iota3A, %ge3A_901 : vector<16xi32>
      %and3A_903 = arith.andi %ne3A_899, %ge3A_902 : vector<16xi1>
      %jit3A_904 = arith.constant 1.000000e+00 : f32
      %jit3A_905 = arith.constant 0.000000e+00 : f32
      %broadcast_in_dim3A_906 = vector.broadcast %jit3A_904 : f32 to vector<16xf32>
      %broadcast_in_dim3A_907 = vector.broadcast %jit3A_905 : f32 to vector<16xf32>
      %select_n3A_908 = arith.select %and3A_903, %broadcast_in_dim3A_906, %broadcast_in_dim3A_907 : vector<16xi1>, vector<16xf32>
      %add3A_909 = arith.addf %add3A_890, %select_n3A_908 : vector<16xf32>
      %reduce_sum3A_910 = arith.constant true
      %reduce_sum3A_911 = vector.broadcast %reduce_sum3A_910 : i1 to vector<16xi1>
      %reduce_sum3A_912 = tpu.scan <sum>, %add3A_909 masked %reduce_sum3A_911 : vector<16xf32>, vector<16xi1> -> vector<16xf32>
      %reduce_sum3A_913 = vector.extract %reduce_sum3A_912[15] : f32 from vector<16xf32>
      %broadcast_in_dim3A_914 = vector.broadcast %reduce_sum3A_913 : f32 to vector<16xf32>
      %max3A_915 = arith.maximumf %broadcast_in_dim3A_914, %broadcast_in_dim3A_3 : vector<16xf32>
      %div3A_916 = arith.constant 1.000000e+00 : f32
      %div3A_917 = vector.broadcast %div3A_916 : f32 to vector<16xf32>
      %div3A_918 = arith.divf %div3A_917, %max3A_915 : vector<16xf32>
      %mul3A_919 = arith.mulf %add3A_731, %div3A_918 : vector<16xf32>
      %swap3A_920 = arith.index_cast %add3A_730 : i32 to index
      %swap3A_921 = arith.constant 0 : index
      %swap3A_922 = tpu.vector_load %arg8[%swap3A_920, %swap3A_921] {strides = array<i32>} : memref<128x32xf32, #tpu.memory_space<vmem>>, vector<16xf32>,
      tpu.vector_store %arg8[%swap3A_920, %swap3A_921], %mul3A_919 {strides = array<i32>} : memref<128x32xf32, #tpu.memory_space<vmem>>, vector<16xf32>,
      %mul3A_923 = arith.mulf %add3A_732, %div3A_918 : vector<16xf32>
      %swap3A_924 = arith.index_cast %add3A_730 : i32 to index
      %swap3A_925 = arith.constant 16 : index
      %swap3A_926 = tpu.vector_load %arg8[%swap3A_924, %swap3A_925] {strides = array<i32>} : memref<128x32xf32, #tpu.memory_space<vmem>>, vector<16xf32>,
      tpu.vector_store %arg8[%swap3A_924, %swap3A_925], %mul3A_923 {strides = array<i32>} : memref<128x32xf32, #tpu.memory_space<vmem>>, vector<16xf32>,
      %add3A_927 = arith.constant 2 : i32
      %add3A_928 = arith.addi %mul3A_126, %add3A_927 : i32
      %lt3A = arith.constant 32 : i32
      %lt3A_929 = arith.cmpi slt, %add3A_928, %lt3A : i32
      %convert_element_type3A = arith.extui %lt3A_929 : i1 to i32
      %cond3A = arith.constant 0 : i32
      %cond3A_930 = arith.cmpi ne, %convert_element_type3A, %cond3A : i32
      scf.if %cond3A_930 {
        %add3A_1753 = arith.constant 2 : i32
        %add3A_1754 = arith.addi %mul3A_126, %add3A_1753 : i32
        %mul3A_1755 = arith.constant 800 : i32
        %mul3A_1756 = arith.muli %add3A_1754, %mul3A_1755 : i32
        %add3A_1757 = arith.constant 0 : i32
        %add3A_1758 = arith.addi %mul3A_1756, %add3A_1757 : i32
        %dma_start3A_1759 = arith.constant 0 : i32
        %dma_start3A_1760 = arith.constant 0 : i32
        %dma_start3A_1761 = tpu.memref_slice %arg6[%dma_start3A_1759, %dma_start3A_1760] : memref<800x32xf32, #tpu.memory_space<vmem>> -> memref<128x32xf32, #tpu.memory_space<vmem>>
        %dma_start3A_1762 = tpu.memref_slice %arg5[%add3A_1758] : memref<25600xi32, #tpu.memory_space<vmem>> -> memref<128xi32, #tpu.memory_space<vmem>>
        %dma_start3A_1763 = arith.constant 0 : i32
        %dma_start3A_1764 = arith.constant 0 : i32
        %dma_start3A_1765 = tpu.memref_slice %arg3[%dma_start3A_1763, %dma_start3A_1764] : memref<1048576x32xf32, #tpu.memory_space<hbm>> -> memref<1048576x32xf32, #tpu.memory_space<hbm>>
        tpu.enqueue_indirect_dma source(%dma_start3A_1765 : memref<1048576x32xf32, #tpu.memory_space<hbm>>) target(%dma_start3A_1761 : memref<128x32xf32, #tpu.memory_space<vmem>>) offsets(%dma_start3A_1762 : memref<128xi32, #tpu.memory_space<vmem>>) semaphore(%arg9 : memref<!tpu.dma_semaphore, #tpu.memory_space<semaphore_mem>>)
        %add3A_1766 = arith.constant 128 : i32
        %add3A_1767 = arith.addi %mul3A_1756, %add3A_1766 : i32
        %dma_start3A_1768 = arith.constant 128 : i32
        %dma_start3A_1769 = arith.constant 0 : i32
        %dma_start3A_1770 = tpu.memref_slice %arg6[%dma_start3A_1768, %dma_start3A_1769] : memref<800x32xf32, #tpu.memory_space<vmem>> -> memref<128x32xf32, #tpu.memory_space<vmem>>
        %dma_start3A_1771 = tpu.memref_slice %arg5[%add3A_1767] : memref<25600xi32, #tpu.memory_space<vmem>> -> memref<128xi32, #tpu.memory_space<vmem>>
        %dma_start3A_1772 = arith.constant 0 : i32
        %dma_start3A_1773 = arith.constant 0 : i32
        %dma_start3A_1774 = tpu.memref_slice %arg3[%dma_start3A_1772, %dma_start3A_1773] : memref<1048576x32xf32, #tpu.memory_space<hbm>> -> memref<1048576x32xf32, #tpu.memory_space<hbm>>
        tpu.enqueue_indirect_dma source(%dma_start3A_1774 : memref<1048576x32xf32, #tpu.memory_space<hbm>>) target(%dma_start3A_1770 : memref<128x32xf32, #tpu.memory_space<vmem>>) offsets(%dma_start3A_1771 : memref<128xi32, #tpu.memory_space<vmem>>) semaphore(%arg9 : memref<!tpu.dma_semaphore, #tpu.memory_space<semaphore_mem>>)
        %add3A_1775 = arith.constant 256 : i32
        %add3A_1776 = arith.addi %mul3A_1756, %add3A_1775 : i32
        %dma_start3A_1777 = arith.constant 256 : i32
        %dma_start3A_1778 = arith.constant 0 : i32
        %dma_start3A_1779 = tpu.memref_slice %arg6[%dma_start3A_1777, %dma_start3A_1778] : memref<800x32xf32, #tpu.memory_space<vmem>> -> memref<128x32xf32, #tpu.memory_space<vmem>>
        %dma_start3A_1780 = tpu.memref_slice %arg5[%add3A_1776] : memref<25600xi32, #tpu.memory_space<vmem>> -> memref<128xi32, #tpu.memory_space<vmem>>
        %dma_start3A_1781 = arith.constant 0 : i32
        %dma_start3A_1782 = arith.constant 0 : i32
        %dma_start3A_1783 = tpu.memref_slice %arg3[%dma_start3A_1781, %dma_start3A_1782] : memref<1048576x32xf32, #tpu.memory_space<hbm>> -> memref<1048576x32xf32, #tpu.memory_space<hbm>>
        tpu.enqueue_indirect_dma source(%dma_start3A_1783 : memref<1048576x32xf32, #tpu.memory_space<hbm>>) target(%dma_start3A_1779 : memref<128x32xf32, #tpu.memory_space<vmem>>) offsets(%dma_start3A_1780 : memref<128xi32, #tpu.memory_space<vmem>>) semaphore(%arg9 : memref<!tpu.dma_semaphore, #tpu.memory_space<semaphore_mem>>)
        %add3A_1784 = arith.constant 384 : i32
        %add3A_1785 = arith.addi %mul3A_1756, %add3A_1784 : i32
        %dma_start3A_1786 = arith.constant 384 : i32
        %dma_start3A_1787 = arith.constant 0 : i32
        %dma_start3A_1788 = tpu.memref_slice %arg6[%dma_start3A_1786, %dma_start3A_1787] : memref<800x32xf32, #tpu.memory_space<vmem>> -> memref<128x32xf32, #tpu.memory_space<vmem>>
        %dma_start3A_1789 = tpu.memref_slice %arg5[%add3A_1785] : memref<25600xi32, #tpu.memory_space<vmem>> -> memref<128xi32, #tpu.memory_space<vmem>>
        %dma_start3A_1790 = arith.constant 0 : i32
        %dma_start3A_1791 = arith.constant 0 : i32
        %dma_start3A_1792 = tpu.memref_slice %arg3[%dma_start3A_1790, %dma_start3A_1791] : memref<1048576x32xf32, #tpu.memory_space<hbm>> -> memref<1048576x32xf32, #tpu.memory_space<hbm>>
        tpu.enqueue_indirect_dma source(%dma_start3A_1792 : memref<1048576x32xf32, #tpu.memory_space<hbm>>) target(%dma_start3A_1788 : memref<128x32xf32, #tpu.memory_space<vmem>>) offsets(%dma_start3A_1789 : memref<128xi32, #tpu.memory_space<vmem>>) semaphore(%arg9 : memref<!tpu.dma_semaphore, #tpu.memory_space<semaphore_mem>>)
        %add3A_1793 = arith.constant 512 : i32
        %add3A_1794 = arith.addi %mul3A_1756, %add3A_1793 : i32
        %dma_start3A_1795 = arith.constant 512 : i32
        %dma_start3A_1796 = arith.constant 0 : i32
        %dma_start3A_1797 = tpu.memref_slice %arg6[%dma_start3A_1795, %dma_start3A_1796] : memref<800x32xf32, #tpu.memory_space<vmem>> -> memref<128x32xf32, #tpu.memory_space<vmem>>
        %dma_start3A_1798 = tpu.memref_slice %arg5[%add3A_1794] : memref<25600xi32, #tpu.memory_space<vmem>> -> memref<128xi32, #tpu.memory_space<vmem>>
        %dma_start3A_1799 = arith.constant 0 : i32
        %dma_start3A_1800 = arith.constant 0 : i32
        %dma_start3A_1801 = tpu.memref_slice %arg3[%dma_start3A_1799, %dma_start3A_1800] : memref<1048576x32xf32, #tpu.memory_space<hbm>> -> memref<1048576x32xf32, #tpu.memory_space<hbm>>
        tpu.enqueue_indirect_dma source(%dma_start3A_1801 : memref<1048576x32xf32, #tpu.memory_space<hbm>>) target(%dma_start3A_1797 : memref<128x32xf32, #tpu.memory_space<vmem>>) offsets(%dma_start3A_1798 : memref<128xi32, #tpu.memory_space<vmem>>) semaphore(%arg9 : memref<!tpu.dma_semaphore, #tpu.memory_space<semaphore_mem>>)
        %add3A_1802 = arith.constant 640 : i32
        %add3A_1803 = arith.addi %mul3A_1756, %add3A_1802 : i32
        %dma_start3A_1804 = arith.constant 640 : i32
        %dma_start3A_1805 = arith.constant 0 : i32
        %dma_start3A_1806 = tpu.memref_slice %arg6[%dma_start3A_1804, %dma_start3A_1805] : memref<800x32xf32, #tpu.memory_space<vmem>> -> memref<128x32xf32, #tpu.memory_space<vmem>>
        %dma_start3A_1807 = tpu.memref_slice %arg5[%add3A_1803] : memref<25600xi32, #tpu.memory_space<vmem>> -> memref<128xi32, #tpu.memory_space<vmem>>
        %dma_start3A_1808 = arith.constant 0 : i32
        %dma_start3A_1809 = arith.constant 0 : i32
        %dma_start3A_1810 = tpu.memref_slice %arg3[%dma_start3A_1808, %dma_start3A_1809] : memref<1048576x32xf32, #tpu.memory_space<hbm>> -> memref<1048576x32xf32, #tpu.memory_space<hbm>>
        tpu.enqueue_indirect_dma source(%dma_start3A_1810 : memref<1048576x32xf32, #tpu.memory_space<hbm>>) target(%dma_start3A_1806 : memref<128x32xf32, #tpu.memory_space<vmem>>) offsets(%dma_start3A_1807 : memref<128xi32, #tpu.memory_space<vmem>>) semaphore(%arg9 : memref<!tpu.dma_semaphore, #tpu.memory_space<semaphore_mem>>)
        %add3A_1811 = arith.constant 768 : i32
        %add3A_1812 = arith.addi %mul3A_1756, %add3A_1811 : i32
        %dma_start3A_1813 = arith.constant 768 : i32
        %dma_start3A_1814 = arith.constant 0 : i32
        %dma_start3A_1815 = tpu.memref_slice %arg6[%dma_start3A_1813, %dma_start3A_1814] : memref<800x32xf32, #tpu.memory_space<vmem>> -> memref<32x32xf32, #tpu.memory_space<vmem>>
        %dma_start3A_1816 = tpu.memref_slice %arg5[%add3A_1812] : memref<25600xi32, #tpu.memory_space<vmem>> -> memref<32xi32, #tpu.memory_space<vmem>>
        %dma_start3A_1817 = arith.constant 0 : i32
        %dma_start3A_1818 = arith.constant 0 : i32
        %dma_start3A_1819 = tpu.memref_slice %arg3[%dma_start3A_1817, %dma_start3A_1818] : memref<1048576x32xf32, #tpu.memory_space<hbm>> -> memref<1048576x32xf32, #tpu.memory_space<hbm>>
        tpu.enqueue_indirect_dma source(%dma_start3A_1819 : memref<1048576x32xf32, #tpu.memory_space<hbm>>) target(%dma_start3A_1815 : memref<32x32xf32, #tpu.memory_space<vmem>>) offsets(%dma_start3A_1816 : memref<32xi32, #tpu.memory_space<vmem>>) semaphore(%arg9 : memref<!tpu.dma_semaphore, #tpu.memory_space<semaphore_mem>>)
      } else {
      }
      %dma_wait3A_931 = arith.constant 0 : i32
      %dma_wait3A_932 = arith.constant 0 : i32
      %dma_wait3A_933 = tpu.memref_slice %arg3[%dma_wait3A_931, %dma_wait3A_932] : memref<1048576x32xf32, #tpu.memory_space<hbm>> -> memref<800x32xf32, #tpu.memory_space<hbm>>
      %dma_wait3A_934 = arith.constant 0 : i32
      %dma_wait3A_935 = arith.constant 0 : i32
      %dma_wait3A_936 = tpu.memref_slice %arg3[%dma_wait3A_934, %dma_wait3A_935] : memref<1048576x32xf32, #tpu.memory_space<hbm>> -> memref<800x32xf32, #tpu.memory_space<hbm>>
      tpu.wait_dma2 semaphore(%arg10 : memref<!tpu.dma_semaphore, #tpu.memory_space<semaphore_mem>>) src(%dma_wait3A_936 : memref<800x32xf32, #tpu.memory_space<hbm>>) dst(%arg7 : memref<800x32xf32, #tpu.memory_space<vmem>>)
      %add3A_937 = arith.constant 1 : i32
      %add3A_938 = arith.addi %mul3A_126, %add3A_937 : i32
      %scan3A_939 = arith.constant 0 : i32
      %scan3A_940 = arith.constant 100 : i32
      %scan3A_941 = arith.addi %scan3A_939, %scan3A_940 : i32
      %scan3A_942 = arith.constant 1 : i32
      %scan3A_943:16 = scf.for %scan3A_1753 = %scan3A_939 to %scan3A_941 step %scan3A_942 iter_args(%scan3A_1754 = %broadcast_in_dim3A_1, %scan3A_1755 = %broadcast_in_dim3A_1, %scan3A_1756 = %broadcast_in_dim3A_1, %scan3A_1757 = %broadcast_in_dim3A_1, %scan3A_1758 = %broadcast_in_dim3A_1, %scan3A_1759 = %broadcast_in_dim3A_1, %scan3A_1760 = %broadcast_in_dim3A_1, %scan3A_1761 = %broadcast_in_dim3A_1, %scan3A_1762 = %broadcast_in_dim3A_1, %scan3A_1763 = %broadcast_in_dim3A_1, %scan3A_1764 = %broadcast_in_dim3A_1, %scan3A_1765 = %broadcast_in_dim3A_1, %scan3A_1766 = %broadcast_in_dim3A_1, %scan3A_1767 = %broadcast_in_dim3A_1, %scan3A_1768 = %broadcast_in_dim3A_1, %scan3A_1769 = %broadcast_in_dim3A_1) -> (vector<16xf32>, vector<16xf32>, vector<16xf32>, vector<16xf32>, vector<16xf32>, vector<16xf32>, vector<16xf32>, vector<16xf32>, vector<16xf32>, vector<16xf32>, vector<16xf32>, vector<16xf32>, vector<16xf32>, vector<16xf32>, vector<16xf32>, vector<16xf32>)  : i32 {
        %mul3A_1770 = arith.constant 2 : i32
        %mul3A_1771 = arith.muli %scan3A_1753, %mul3A_1770 : i32
        %add3A_1772 = arith.constant 0 : i32
        %add3A_1773 = arith.addi %add3A_1772, %mul3A_1771 : i32
        %add3A_1774 = arith.constant 0 : i32
        %add3A_1775 = arith.addi %add3A_1773, %add3A_1774 : i32
        %get3A_1776 = arith.index_cast %add3A_1775 : i32 to index
        %get3A_1777 = arith.constant 0 : index
        %get3A_1778 = tpu.vector_load %arg7[%get3A_1776, %get3A_1777] {strides = array<i32>} : memref<800x32xf32, #tpu.memory_space<vmem>>, vector<16xf32>,
        %add3A_1779 = arith.addf %scan3A_1754, %get3A_1778 : vector<16xf32>
        %add3A_1780 = arith.constant 0 : i32
        %add3A_1781 = arith.addi %add3A_1780, %mul3A_1771 : i32
        %add3A_1782 = arith.constant 0 : i32
        %add3A_1783 = arith.addi %add3A_1781, %add3A_1782 : i32
        %get3A_1784 = arith.index_cast %add3A_1783 : i32 to index
        %get3A_1785 = arith.constant 16 : index
        %get3A_1786 = tpu.vector_load %arg7[%get3A_1784, %get3A_1785] {strides = array<i32>} : memref<800x32xf32, #tpu.memory_space<vmem>>, vector<16xf32>,
        %add3A_1787 = arith.addf %scan3A_1755, %get3A_1786 : vector<16xf32>
        %add3A_1788 = arith.constant 0 : i32
        %add3A_1789 = arith.addi %add3A_1788, %mul3A_1771 : i32
        %add3A_1790 = arith.constant 1 : i32
        %add3A_1791 = arith.addi %add3A_1789, %add3A_1790 : i32
        %get3A_1792 = arith.index_cast %add3A_1791 : i32 to index
        %get3A_1793 = arith.constant 0 : index
        %get3A_1794 = tpu.vector_load %arg7[%get3A_1792, %get3A_1793] {strides = array<i32>} : memref<800x32xf32, #tpu.memory_space<vmem>>, vector<16xf32>,
        %add3A_1795 = arith.addf %scan3A_1756, %get3A_1794 : vector<16xf32>
        %add3A_1796 = arith.constant 0 : i32
        %add3A_1797 = arith.addi %add3A_1796, %mul3A_1771 : i32
        %add3A_1798 = arith.constant 1 : i32
        %add3A_1799 = arith.addi %add3A_1797, %add3A_1798 : i32
        %get3A_1800 = arith.index_cast %add3A_1799 : i32 to index
        %get3A_1801 = arith.constant 16 : index
        %get3A_1802 = tpu.vector_load %arg7[%get3A_1800, %get3A_1801] {strides = array<i32>} : memref<800x32xf32, #tpu.memory_space<vmem>>, vector<16xf32>,
        %add3A_1803 = arith.addf %scan3A_1757, %get3A_1802 : vector<16xf32>
        %add3A_1804 = arith.constant 200 : i32
        %add3A_1805 = arith.addi %add3A_1804, %mul3A_1771 : i32
        %add3A_1806 = arith.constant 0 : i32
        %add3A_1807 = arith.addi %add3A_1805, %add3A_1806 : i32
        %get3A_1808 = arith.index_cast %add3A_1807 : i32 to index
        %get3A_1809 = arith.constant 0 : index
        %get3A_1810 = tpu.vector_load %arg7[%get3A_1808, %get3A_1809] {strides = array<i32>} : memref<800x32xf32, #tpu.memory_space<vmem>>, vector<16xf32>,
        %add3A_1811 = arith.addf %scan3A_1758, %get3A_1810 : vector<16xf32>
        %add3A_1812 = arith.constant 200 : i32
        %add3A_1813 = arith.addi %add3A_1812, %mul3A_1771 : i32
        %add3A_1814 = arith.constant 0 : i32
        %add3A_1815 = arith.addi %add3A_1813, %add3A_1814 : i32
        %get3A_1816 = arith.index_cast %add3A_1815 : i32 to index
        %get3A_1817 = arith.constant 16 : index
        %get3A_1818 = tpu.vector_load %arg7[%get3A_1816, %get3A_1817] {strides = array<i32>} : memref<800x32xf32, #tpu.memory_space<vmem>>, vector<16xf32>,
        %add3A_1819 = arith.addf %scan3A_1759, %get3A_1818 : vector<16xf32>
        %add3A_1820 = arith.constant 200 : i32
        %add3A_1821 = arith.addi %add3A_1820, %mul3A_1771 : i32
        %add3A_1822 = arith.constant 1 : i32
        %add3A_1823 = arith.addi %add3A_1821, %add3A_1822 : i32
        %get3A_1824 = arith.index_cast %add3A_1823 : i32 to index
        %get3A_1825 = arith.constant 0 : index
        %get3A_1826 = tpu.vector_load %arg7[%get3A_1824, %get3A_1825] {strides = array<i32>} : memref<800x32xf32, #tpu.memory_space<vmem>>, vector<16xf32>,
        %add3A_1827 = arith.addf %scan3A_1760, %get3A_1826 : vector<16xf32>
        %add3A_1828 = arith.constant 200 : i32
        %add3A_1829 = arith.addi %add3A_1828, %mul3A_1771 : i32
        %add3A_1830 = arith.constant 1 : i32
        %add3A_1831 = arith.addi %add3A_1829, %add3A_1830 : i32
        %get3A_1832 = arith.index_cast %add3A_1831 : i32 to index
        %get3A_1833 = arith.constant 16 : index
        %get3A_1834 = tpu.vector_load %arg7[%get3A_1832, %get3A_1833] {strides = array<i32>} : memref<800x32xf32, #tpu.memory_space<vmem>>, vector<16xf32>,
        %add3A_1835 = arith.addf %scan3A_1761, %get3A_1834 : vector<16xf32>
        %add3A_1836 = arith.constant 400 : i32
        %add3A_1837 = arith.addi %add3A_1836, %mul3A_1771 : i32
        %add3A_1838 = arith.constant 0 : i32
        %add3A_1839 = arith.addi %add3A_1837, %add3A_1838 : i32
        %get3A_1840 = arith.index_cast %add3A_1839 : i32 to index
        %get3A_1841 = arith.constant 0 : index
        %get3A_1842 = tpu.vector_load %arg7[%get3A_1840, %get3A_1841] {strides = array<i32>} : memref<800x32xf32, #tpu.memory_space<vmem>>, vector<16xf32>,
        %add3A_1843 = arith.addf %scan3A_1762, %get3A_1842 : vector<16xf32>
        %add3A_1844 = arith.constant 400 : i32
        %add3A_1845 = arith.addi %add3A_1844, %mul3A_1771 : i32
        %add3A_1846 = arith.constant 0 : i32
        %add3A_1847 = arith.addi %add3A_1845, %add3A_1846 : i32
        %get3A_1848 = arith.index_cast %add3A_1847 : i32 to index
        %get3A_1849 = arith.constant 16 : index
        %get3A_1850 = tpu.vector_load %arg7[%get3A_1848, %get3A_1849] {strides = array<i32>} : memref<800x32xf32, #tpu.memory_space<vmem>>, vector<16xf32>,
        %add3A_1851 = arith.addf %scan3A_1763, %get3A_1850 : vector<16xf32>
        %add3A_1852 = arith.constant 400 : i32
        %add3A_1853 = arith.addi %add3A_1852, %mul3A_1771 : i32
        %add3A_1854 = arith.constant 1 : i32
        %add3A_1855 = arith.addi %add3A_1853, %add3A_1854 : i32
        %get3A_1856 = arith.index_cast %add3A_1855 : i32 to index
        %get3A_1857 = arith.constant 0 : index
        %get3A_1858 = tpu.vector_load %arg7[%get3A_1856, %get3A_1857] {strides = array<i32>} : memref<800x32xf32, #tpu.memory_space<vmem>>, vector<16xf32>,
        %add3A_1859 = arith.addf %scan3A_1764, %get3A_1858 : vector<16xf32>
        %add3A_1860 = arith.constant 400 : i32
        %add3A_1861 = arith.addi %add3A_1860, %mul3A_1771 : i32
        %add3A_1862 = arith.constant 1 : i32
        %add3A_1863 = arith.addi %add3A_1861, %add3A_1862 : i32
        %get3A_1864 = arith.index_cast %add3A_1863 : i32 to index
        %get3A_1865 = arith.constant 16 : index
        %get3A_1866 = tpu.vector_load %arg7[%get3A_1864, %get3A_1865] {strides = array<i32>} : memref<800x32xf32, #tpu.memory_space<vmem>>, vector<16xf32>,
        %add3A_1867 = arith.addf %scan3A_1765, %get3A_1866 : vector<16xf32>
        %add3A_1868 = arith.constant 600 : i32
        %add3A_1869 = arith.addi %add3A_1868, %mul3A_1771 : i32
        %add3A_1870 = arith.constant 0 : i32
        %add3A_1871 = arith.addi %add3A_1869, %add3A_1870 : i32
        %get3A_1872 = arith.index_cast %add3A_1871 : i32 to index
        %get3A_1873 = arith.constant 0 : index
        %get3A_1874 = tpu.vector_load %arg7[%get3A_1872, %get3A_1873] {strides = array<i32>} : memref<800x32xf32, #tpu.memory_space<vmem>>, vector<16xf32>,
        %add3A_1875 = arith.addf %scan3A_1766, %get3A_1874 : vector<16xf32>
        %add3A_1876 = arith.constant 600 : i32
        %add3A_1877 = arith.addi %add3A_1876, %mul3A_1771 : i32
        %add3A_1878 = arith.constant 0 : i32
        %add3A_1879 = arith.addi %add3A_1877, %add3A_1878 : i32
        %get3A_1880 = arith.index_cast %add3A_1879 : i32 to index
        %get3A_1881 = arith.constant 16 : index
        %get3A_1882 = tpu.vector_load %arg7[%get3A_1880, %get3A_1881] {strides = array<i32>} : memref<800x32xf32, #tpu.memory_space<vmem>>, vector<16xf32>,
        %add3A_1883 = arith.addf %scan3A_1767, %get3A_1882 : vector<16xf32>
        %add3A_1884 = arith.constant 600 : i32
        %add3A_1885 = arith.addi %add3A_1884, %mul3A_1771 : i32
        %add3A_1886 = arith.constant 1 : i32
        %add3A_1887 = arith.addi %add3A_1885, %add3A_1886 : i32
        %get3A_1888 = arith.index_cast %add3A_1887 : i32 to index
        %get3A_1889 = arith.constant 0 : index
        %get3A_1890 = tpu.vector_load %arg7[%get3A_1888, %get3A_1889] {strides = array<i32>} : memref<800x32xf32, #tpu.memory_space<vmem>>, vector<16xf32>,
        %add3A_1891 = arith.addf %scan3A_1768, %get3A_1890 : vector<16xf32>
        %add3A_1892 = arith.constant 600 : i32
        %add3A_1893 = arith.addi %add3A_1892, %mul3A_1771 : i32
        %add3A_1894 = arith.constant 1 : i32
        %add3A_1895 = arith.addi %add3A_1893, %add3A_1894 : i32
        %get3A_1896 = arith.index_cast %add3A_1895 : i32 to index
        %get3A_1897 = arith.constant 16 : index
        %get3A_1898 = tpu.vector_load %arg7[%get3A_1896, %get3A_1897] {strides = array<i32>} : memref<800x32xf32, #tpu.memory_space<vmem>>, vector<16xf32>,
        %add3A_1899 = arith.addf %scan3A_1769, %get3A_1898 : vector<16xf32>
        scf.yield %add3A_1779, %add3A_1787, %add3A_1795, %add3A_1803, %add3A_1811, %add3A_1819, %add3A_1827, %add3A_1835, %add3A_1843, %add3A_1851, %add3A_1859, %add3A_1867, %add3A_1875, %add3A_1883, %add3A_1891, %add3A_1899 : vector<16xf32>, vector<16xf32>, vector<16xf32>, vector<16xf32>, vector<16xf32>, vector<16xf32>, vector<16xf32>, vector<16xf32>, vector<16xf32>, vector<16xf32>, vector<16xf32>, vector<16xf32>, vector<16xf32>, vector<16xf32>, vector<16xf32>, vector<16xf32>
      }
      %scan3A_944 = arith.constant 100 : i32
      %mul3A_945 = arith.constant 4 : i32
      %mul3A_946 = arith.muli %add3A_938, %mul3A_945 : i32
      %add3A_947 = arith.constant 0 : i32
      %add3A_948 = arith.addi %mul3A_946, %add3A_947 : i32
      %add3A_949 = arith.addf %scan3A_943#0, %scan3A_943#2 : vector<16xf32>
      %add3A_950 = arith.addf %scan3A_943#1, %scan3A_943#3 : vector<16xf32>
      %mul3A_951 = arith.constant 200 : i32
      %mul3A_952 = arith.muli %add3A_948, %mul3A_951 : i32
      %add3A_953 = arith.constant 0 : i32
      %add3A_954 = arith.addi %mul3A_952, %add3A_953 : i32
      %get3A_955 = arith.index_cast %add3A_954 : i32 to index
      %get3A_956 = tpu.vector_load %arg5[%get3A_955] {strides = array<i32>} : memref<25600xi32, #tpu.memory_space<vmem>>, vector<16xi32>,
      %ne3A_957 = arith.constant 0 : i32
      %ne3A_958 = vector.broadcast %ne3A_957 : i32 to vector<16xi32>
      %ne3A_959 = arith.cmpi ne, %get3A_956, %ne3A_958 : vector<16xi32>
      %jit3A_960 = arith.constant 1.000000e+00 : f32
      %jit3A_961 = arith.constant 0.000000e+00 : f32
      %broadcast_in_dim3A_962 = vector.broadcast %jit3A_960 : f32 to vector<16xf32>
      %broadcast_in_dim3A_963 = vector.broadcast %jit3A_961 : f32 to vector<16xf32>
      %select_n3A_964 = arith.select %ne3A_959, %broadcast_in_dim3A_962, %broadcast_in_dim3A_963 : vector<16xi1>, vector<16xf32>
      %add3A_965 = arith.addf %broadcast_in_dim3A_1, %select_n3A_964 : vector<16xf32>
      %add3A_966 = arith.constant 16 : i32
      %add3A_967 = arith.addi %mul3A_952, %add3A_966 : i32
      %get3A_968 = arith.index_cast %add3A_967 : i32 to index
      %get3A_969 = tpu.vector_load %arg5[%get3A_968] {strides = array<i32>} : memref<25600xi32, #tpu.memory_space<vmem>>, vector<16xi32>,
      %ne3A_970 = arith.constant 0 : i32
      %ne3A_971 = vector.broadcast %ne3A_970 : i32 to vector<16xi32>
      %ne3A_972 = arith.cmpi ne, %get3A_969, %ne3A_971 : vector<16xi32>
      %jit3A_973 = arith.constant 1.000000e+00 : f32
      %jit3A_974 = arith.constant 0.000000e+00 : f32
      %broadcast_in_dim3A_975 = vector.broadcast %jit3A_973 : f32 to vector<16xf32>
      %broadcast_in_dim3A_976 = vector.broadcast %jit3A_974 : f32 to vector<16xf32>
      %select_n3A_977 = arith.select %ne3A_972, %broadcast_in_dim3A_975, %broadcast_in_dim3A_976 : vector<16xi1>, vector<16xf32>
      %add3A_978 = arith.addf %add3A_965, %select_n3A_977 : vector<16xf32>
      %add3A_979 = arith.constant 32 : i32
      %add3A_980 = arith.addi %mul3A_952, %add3A_979 : i32
      %get3A_981 = arith.index_cast %add3A_980 : i32 to index
      %get3A_982 = tpu.vector_load %arg5[%get3A_981] {strides = array<i32>} : memref<25600xi32, #tpu.memory_space<vmem>>, vector<16xi32>,
      %ne3A_983 = arith.constant 0 : i32
      %ne3A_984 = vector.broadcast %ne3A_983 : i32 to vector<16xi32>
      %ne3A_985 = arith.cmpi ne, %get3A_982, %ne3A_984 : vector<16xi32>
      %jit3A_986 = arith.constant 1.000000e+00 : f32
      %jit3A_987 = arith.constant 0.000000e+00 : f32
      %broadcast_in_dim3A_988 = vector.broadcast %jit3A_986 : f32 to vector<16xf32>
      %broadcast_in_dim3A_989 = vector.broadcast %jit3A_987 : f32 to vector<16xf32>
      %select_n3A_990 = arith.select %ne3A_985, %broadcast_in_dim3A_988, %broadcast_in_dim3A_989 : vector<16xi1>, vector<16xf32>
      %add3A_991 = arith.addf %add3A_978, %select_n3A_990 : vector<16xf32>
      %add3A_992 = arith.constant 48 : i32
      %add3A_993 = arith.addi %mul3A_952, %add3A_992 : i32
      %get3A_994 = arith.index_cast %add3A_993 : i32 to index
      %get3A_995 = tpu.vector_load %arg5[%get3A_994] {strides = array<i32>} : memref<25600xi32, #tpu.memory_space<vmem>>, vector<16xi32>,
      %ne3A_996 = arith.constant 0 : i32
      %ne3A_997 = vector.broadcast %ne3A_996 : i32 to vector<16xi32>
      %ne3A_998 = arith.cmpi ne, %get3A_995, %ne3A_997 : vector<16xi32>
      %jit3A_999 = arith.constant 1.000000e+00 : f32
      %jit3A_1000 = arith.constant 0.000000e+00 : f32
      %broadcast_in_dim3A_1001 = vector.broadcast %jit3A_999 : f32 to vector<16xf32>
      %broadcast_in_dim3A_1002 = vector.broadcast %jit3A_1000 : f32 to vector<16xf32>
      %select_n3A_1003 = arith.select %ne3A_998, %broadcast_in_dim3A_1001, %broadcast_in_dim3A_1002 : vector<16xi1>, vector<16xf32>
      %add3A_1004 = arith.addf %add3A_991, %select_n3A_1003 : vector<16xf32>
      %add3A_1005 = arith.constant 64 : i32
      %add3A_1006 = arith.addi %mul3A_952, %add3A_1005 : i32
      %get3A_1007 = arith.index_cast %add3A_1006 : i32 to index
      %get3A_1008 = tpu.vector_load %arg5[%get3A_1007] {strides = array<i32>} : memref<25600xi32, #tpu.memory_space<vmem>>, vector<16xi32>,
      %ne3A_1009 = arith.constant 0 : i32
      %ne3A_1010 = vector.broadcast %ne3A_1009 : i32 to vector<16xi32>
      %ne3A_1011 = arith.cmpi ne, %get3A_1008, %ne3A_1010 : vector<16xi32>
      %jit3A_1012 = arith.constant 1.000000e+00 : f32
      %jit3A_1013 = arith.constant 0.000000e+00 : f32
      %broadcast_in_dim3A_1014 = vector.broadcast %jit3A_1012 : f32 to vector<16xf32>
      %broadcast_in_dim3A_1015 = vector.broadcast %jit3A_1013 : f32 to vector<16xf32>
      %select_n3A_1016 = arith.select %ne3A_1011, %broadcast_in_dim3A_1014, %broadcast_in_dim3A_1015 : vector<16xi1>, vector<16xf32>
      %add3A_1017 = arith.addf %add3A_1004, %select_n3A_1016 : vector<16xf32>
      %add3A_1018 = arith.constant 80 : i32
      %add3A_1019 = arith.addi %mul3A_952, %add3A_1018 : i32
      %get3A_1020 = arith.index_cast %add3A_1019 : i32 to index
      %get3A_1021 = tpu.vector_load %arg5[%get3A_1020] {strides = array<i32>} : memref<25600xi32, #tpu.memory_space<vmem>>, vector<16xi32>,
      %ne3A_1022 = arith.constant 0 : i32
      %ne3A_1023 = vector.broadcast %ne3A_1022 : i32 to vector<16xi32>
      %ne3A_1024 = arith.cmpi ne, %get3A_1021, %ne3A_1023 : vector<16xi32>
      %jit3A_1025 = arith.constant 1.000000e+00 : f32
      %jit3A_1026 = arith.constant 0.000000e+00 : f32
      %broadcast_in_dim3A_1027 = vector.broadcast %jit3A_1025 : f32 to vector<16xf32>
      %broadcast_in_dim3A_1028 = vector.broadcast %jit3A_1026 : f32 to vector<16xf32>
      %select_n3A_1029 = arith.select %ne3A_1024, %broadcast_in_dim3A_1027, %broadcast_in_dim3A_1028 : vector<16xi1>, vector<16xf32>
      %add3A_1030 = arith.addf %add3A_1017, %select_n3A_1029 : vector<16xf32>
      %add3A_1031 = arith.constant 96 : i32
      %add3A_1032 = arith.addi %mul3A_952, %add3A_1031 : i32
      %get3A_1033 = arith.index_cast %add3A_1032 : i32 to index
      %get3A_1034 = tpu.vector_load %arg5[%get3A_1033] {strides = array<i32>} : memref<25600xi32, #tpu.memory_space<vmem>>, vector<16xi32>,
      %ne3A_1035 = arith.constant 0 : i32
      %ne3A_1036 = vector.broadcast %ne3A_1035 : i32 to vector<16xi32>
      %ne3A_1037 = arith.cmpi ne, %get3A_1034, %ne3A_1036 : vector<16xi32>
      %jit3A_1038 = arith.constant 1.000000e+00 : f32
      %jit3A_1039 = arith.constant 0.000000e+00 : f32
      %broadcast_in_dim3A_1040 = vector.broadcast %jit3A_1038 : f32 to vector<16xf32>
      %broadcast_in_dim3A_1041 = vector.broadcast %jit3A_1039 : f32 to vector<16xf32>
      %select_n3A_1042 = arith.select %ne3A_1037, %broadcast_in_dim3A_1040, %broadcast_in_dim3A_1041 : vector<16xi1>, vector<16xf32>
      %add3A_1043 = arith.addf %add3A_1030, %select_n3A_1042 : vector<16xf32>
      %add3A_1044 = arith.constant 112 : i32
      %add3A_1045 = arith.addi %mul3A_952, %add3A_1044 : i32
      %get3A_1046 = arith.index_cast %add3A_1045 : i32 to index
      %get3A_1047 = tpu.vector_load %arg5[%get3A_1046] {strides = array<i32>} : memref<25600xi32, #tpu.memory_space<vmem>>, vector<16xi32>,
      %ne3A_1048 = arith.constant 0 : i32
      %ne3A_1049 = vector.broadcast %ne3A_1048 : i32 to vector<16xi32>
      %ne3A_1050 = arith.cmpi ne, %get3A_1047, %ne3A_1049 : vector<16xi32>
      %jit3A_1051 = arith.constant 1.000000e+00 : f32
      %jit3A_1052 = arith.constant 0.000000e+00 : f32
      %broadcast_in_dim3A_1053 = vector.broadcast %jit3A_1051 : f32 to vector<16xf32>
      %broadcast_in_dim3A_1054 = vector.broadcast %jit3A_1052 : f32 to vector<16xf32>
      %select_n3A_1055 = arith.select %ne3A_1050, %broadcast_in_dim3A_1053, %broadcast_in_dim3A_1054 : vector<16xi1>, vector<16xf32>
      %add3A_1056 = arith.addf %add3A_1043, %select_n3A_1055 : vector<16xf32>
      %add3A_1057 = arith.constant 128 : i32
      %add3A_1058 = arith.addi %mul3A_952, %add3A_1057 : i32
      %get3A_1059 = arith.index_cast %add3A_1058 : i32 to index
      %get3A_1060 = tpu.vector_load %arg5[%get3A_1059] {strides = array<i32>} : memref<25600xi32, #tpu.memory_space<vmem>>, vector<16xi32>,
      %ne3A_1061 = arith.constant 0 : i32
      %ne3A_1062 = vector.broadcast %ne3A_1061 : i32 to vector<16xi32>
      %ne3A_1063 = arith.cmpi ne, %get3A_1060, %ne3A_1062 : vector<16xi32>
      %jit3A_1064 = arith.constant 1.000000e+00 : f32
      %jit3A_1065 = arith.constant 0.000000e+00 : f32
      %broadcast_in_dim3A_1066 = vector.broadcast %jit3A_1064 : f32 to vector<16xf32>
      %broadcast_in_dim3A_1067 = vector.broadcast %jit3A_1065 : f32 to vector<16xf32>
      %select_n3A_1068 = arith.select %ne3A_1063, %broadcast_in_dim3A_1066, %broadcast_in_dim3A_1067 : vector<16xi1>, vector<16xf32>
      %add3A_1069 = arith.addf %add3A_1056, %select_n3A_1068 : vector<16xf32>
      %add3A_1070 = arith.constant 144 : i32
      %add3A_1071 = arith.addi %mul3A_952, %add3A_1070 : i32
      %get3A_1072 = arith.index_cast %add3A_1071 : i32 to index
      %get3A_1073 = tpu.vector_load %arg5[%get3A_1072] {strides = array<i32>} : memref<25600xi32, #tpu.memory_space<vmem>>, vector<16xi32>,
      %ne3A_1074 = arith.constant 0 : i32
      %ne3A_1075 = vector.broadcast %ne3A_1074 : i32 to vector<16xi32>
      %ne3A_1076 = arith.cmpi ne, %get3A_1073, %ne3A_1075 : vector<16xi32>
      %jit3A_1077 = arith.constant 1.000000e+00 : f32
      %jit3A_1078 = arith.constant 0.000000e+00 : f32
      %broadcast_in_dim3A_1079 = vector.broadcast %jit3A_1077 : f32 to vector<16xf32>
      %broadcast_in_dim3A_1080 = vector.broadcast %jit3A_1078 : f32 to vector<16xf32>
      %select_n3A_1081 = arith.select %ne3A_1076, %broadcast_in_dim3A_1079, %broadcast_in_dim3A_1080 : vector<16xi1>, vector<16xf32>
      %add3A_1082 = arith.addf %add3A_1069, %select_n3A_1081 : vector<16xf32>
      %add3A_1083 = arith.constant 160 : i32
      %add3A_1084 = arith.addi %mul3A_952, %add3A_1083 : i32
      %get3A_1085 = arith.index_cast %add3A_1084 : i32 to index
      %get3A_1086 = tpu.vector_load %arg5[%get3A_1085] {strides = array<i32>} : memref<25600xi32, #tpu.memory_space<vmem>>, vector<16xi32>,
      %ne3A_1087 = arith.constant 0 : i32
      %ne3A_1088 = vector.broadcast %ne3A_1087 : i32 to vector<16xi32>
      %ne3A_1089 = arith.cmpi ne, %get3A_1086, %ne3A_1088 : vector<16xi32>
      %jit3A_1090 = arith.constant 1.000000e+00 : f32
      %jit3A_1091 = arith.constant 0.000000e+00 : f32
      %broadcast_in_dim3A_1092 = vector.broadcast %jit3A_1090 : f32 to vector<16xf32>
      %broadcast_in_dim3A_1093 = vector.broadcast %jit3A_1091 : f32 to vector<16xf32>
      %select_n3A_1094 = arith.select %ne3A_1089, %broadcast_in_dim3A_1092, %broadcast_in_dim3A_1093 : vector<16xi1>, vector<16xf32>
      %add3A_1095 = arith.addf %add3A_1082, %select_n3A_1094 : vector<16xf32>
      %add3A_1096 = arith.constant 176 : i32
      %add3A_1097 = arith.addi %mul3A_952, %add3A_1096 : i32
      %get3A_1098 = arith.index_cast %add3A_1097 : i32 to index
      %get3A_1099 = tpu.vector_load %arg5[%get3A_1098] {strides = array<i32>} : memref<25600xi32, #tpu.memory_space<vmem>>, vector<16xi32>,
      %ne3A_1100 = arith.constant 0 : i32
      %ne3A_1101 = vector.broadcast %ne3A_1100 : i32 to vector<16xi32>
      %ne3A_1102 = arith.cmpi ne, %get3A_1099, %ne3A_1101 : vector<16xi32>
      %jit3A_1103 = arith.constant 1.000000e+00 : f32
      %jit3A_1104 = arith.constant 0.000000e+00 : f32
      %broadcast_in_dim3A_1105 = vector.broadcast %jit3A_1103 : f32 to vector<16xf32>
      %broadcast_in_dim3A_1106 = vector.broadcast %jit3A_1104 : f32 to vector<16xf32>
      %select_n3A_1107 = arith.select %ne3A_1102, %broadcast_in_dim3A_1105, %broadcast_in_dim3A_1106 : vector<16xi1>, vector<16xf32>
      %add3A_1108 = arith.addf %add3A_1095, %select_n3A_1107 : vector<16xf32>
      %add3A_1109 = arith.constant 200 : i32
      %add3A_1110 = arith.addi %mul3A_952, %add3A_1109 : i32
      %sub3A_1111 = arith.constant 16 : i32
      %sub3A_1112 = arith.subi %add3A_1110, %sub3A_1111 : i32
      %get3A_1113 = arith.index_cast %sub3A_1112 : i32 to index
      %get3A_1114 = tpu.vector_load %arg5[%get3A_1113] {strides = array<i32>} : memref<25600xi32, #tpu.memory_space<vmem>>, vector<16xi32>,
      %ne3A_1115 = arith.constant 0 : i32
      %ne3A_1116 = vector.broadcast %ne3A_1115 : i32 to vector<16xi32>
      %ne3A_1117 = arith.cmpi ne, %get3A_1114, %ne3A_1116 : vector<16xi32>
      %ge3A_1118 = arith.constant 8 : i32
      %ge3A_1119 = vector.broadcast %ge3A_1118 : i32 to vector<16xi32>
      %ge3A_1120 = arith.cmpi sge, %iota3A, %ge3A_1119 : vector<16xi32>
      %and3A_1121 = arith.andi %ne3A_1117, %ge3A_1120 : vector<16xi1>
      %jit3A_1122 = arith.constant 1.000000e+00 : f32
      %jit3A_1123 = arith.constant 0.000000e+00 : f32
      %broadcast_in_dim3A_1124 = vector.broadcast %jit3A_1122 : f32 to vector<16xf32>
      %broadcast_in_dim3A_1125 = vector.broadcast %jit3A_1123 : f32 to vector<16xf32>
      %select_n3A_1126 = arith.select %and3A_1121, %broadcast_in_dim3A_1124, %broadcast_in_dim3A_1125 : vector<16xi1>, vector<16xf32>
      %add3A_1127 = arith.addf %add3A_1108, %select_n3A_1126 : vector<16xf32>
      %reduce_sum3A_1128 = arith.constant true
      %reduce_sum3A_1129 = vector.broadcast %reduce_sum3A_1128 : i1 to vector<16xi1>
      %reduce_sum3A_1130 = tpu.scan <sum>, %add3A_1127 masked %reduce_sum3A_1129 : vector<16xf32>, vector<16xi1> -> vector<16xf32>
      %reduce_sum3A_1131 = vector.extract %reduce_sum3A_1130[15] : f32 from vector<16xf32>
      %broadcast_in_dim3A_1132 = vector.broadcast %reduce_sum3A_1131 : f32 to vector<16xf32>
      %max3A_1133 = arith.maximumf %broadcast_in_dim3A_1132, %broadcast_in_dim3A_3 : vector<16xf32>
      %div3A_1134 = arith.constant 1.000000e+00 : f32
      %div3A_1135 = vector.broadcast %div3A_1134 : f32 to vector<16xf32>
      %div3A_1136 = arith.divf %div3A_1135, %max3A_1133 : vector<16xf32>
      %mul3A_1137 = arith.mulf %add3A_949, %div3A_1136 : vector<16xf32>
      %swap3A_1138 = arith.index_cast %add3A_948 : i32 to index
      %swap3A_1139 = arith.constant 0 : index
      %swap3A_1140 = tpu.vector_load %arg8[%swap3A_1138, %swap3A_1139] {strides = array<i32>} : memref<128x32xf32, #tpu.memory_space<vmem>>, vector<16xf32>,
      tpu.vector_store %arg8[%swap3A_1138, %swap3A_1139], %mul3A_1137 {strides = array<i32>} : memref<128x32xf32, #tpu.memory_space<vmem>>, vector<16xf32>,
      %mul3A_1141 = arith.mulf %add3A_950, %div3A_1136 : vector<16xf32>
      %swap3A_1142 = arith.index_cast %add3A_948 : i32 to index
      %swap3A_1143 = arith.constant 16 : index
      %swap3A_1144 = tpu.vector_load %arg8[%swap3A_1142, %swap3A_1143] {strides = array<i32>} : memref<128x32xf32, #tpu.memory_space<vmem>>, vector<16xf32>,
      tpu.vector_store %arg8[%swap3A_1142, %swap3A_1143], %mul3A_1141 {strides = array<i32>} : memref<128x32xf32, #tpu.memory_space<vmem>>, vector<16xf32>,
      %mul3A_1145 = arith.constant 4 : i32
      %mul3A_1146 = arith.muli %add3A_938, %mul3A_1145 : i32
      %add3A_1147 = arith.constant 1 : i32
      %add3A_1148 = arith.addi %mul3A_1146, %add3A_1147 : i32
      %add3A_1149 = arith.addf %scan3A_943#4, %scan3A_943#6 : vector<16xf32>
      %add3A_1150 = arith.addf %scan3A_943#5, %scan3A_943#7 : vector<16xf32>
      %mul3A_1151 = arith.constant 200 : i32
      %mul3A_1152 = arith.muli %add3A_1148, %mul3A_1151 : i32
      %add3A_1153 = arith.constant 0 : i32
      %add3A_1154 = arith.addi %mul3A_1152, %add3A_1153 : i32
      %get3A_1155 = arith.index_cast %add3A_1154 : i32 to index
      %get3A_1156 = tpu.vector_load %arg5[%get3A_1155] {strides = array<i32>} : memref<25600xi32, #tpu.memory_space<vmem>>, vector<16xi32>,
      %ne3A_1157 = arith.constant 0 : i32
      %ne3A_1158 = vector.broadcast %ne3A_1157 : i32 to vector<16xi32>
      %ne3A_1159 = arith.cmpi ne, %get3A_1156, %ne3A_1158 : vector<16xi32>
      %jit3A_1160 = arith.constant 1.000000e+00 : f32
      %jit3A_1161 = arith.constant 0.000000e+00 : f32
      %broadcast_in_dim3A_1162 = vector.broadcast %jit3A_1160 : f32 to vector<16xf32>
      %broadcast_in_dim3A_1163 = vector.broadcast %jit3A_1161 : f32 to vector<16xf32>
      %select_n3A_1164 = arith.select %ne3A_1159, %broadcast_in_dim3A_1162, %broadcast_in_dim3A_1163 : vector<16xi1>, vector<16xf32>
      %add3A_1165 = arith.addf %broadcast_in_dim3A_1, %select_n3A_1164 : vector<16xf32>
      %add3A_1166 = arith.constant 16 : i32
      %add3A_1167 = arith.addi %mul3A_1152, %add3A_1166 : i32
      %get3A_1168 = arith.index_cast %add3A_1167 : i32 to index
      %get3A_1169 = tpu.vector_load %arg5[%get3A_1168] {strides = array<i32>} : memref<25600xi32, #tpu.memory_space<vmem>>, vector<16xi32>,
      %ne3A_1170 = arith.constant 0 : i32
      %ne3A_1171 = vector.broadcast %ne3A_1170 : i32 to vector<16xi32>
      %ne3A_1172 = arith.cmpi ne, %get3A_1169, %ne3A_1171 : vector<16xi32>
      %jit3A_1173 = arith.constant 1.000000e+00 : f32
      %jit3A_1174 = arith.constant 0.000000e+00 : f32
      %broadcast_in_dim3A_1175 = vector.broadcast %jit3A_1173 : f32 to vector<16xf32>
      %broadcast_in_dim3A_1176 = vector.broadcast %jit3A_1174 : f32 to vector<16xf32>
      %select_n3A_1177 = arith.select %ne3A_1172, %broadcast_in_dim3A_1175, %broadcast_in_dim3A_1176 : vector<16xi1>, vector<16xf32>
      %add3A_1178 = arith.addf %add3A_1165, %select_n3A_1177 : vector<16xf32>
      %add3A_1179 = arith.constant 32 : i32
      %add3A_1180 = arith.addi %mul3A_1152, %add3A_1179 : i32
      %get3A_1181 = arith.index_cast %add3A_1180 : i32 to index
      %get3A_1182 = tpu.vector_load %arg5[%get3A_1181] {strides = array<i32>} : memref<25600xi32, #tpu.memory_space<vmem>>, vector<16xi32>,
      %ne3A_1183 = arith.constant 0 : i32
      %ne3A_1184 = vector.broadcast %ne3A_1183 : i32 to vector<16xi32>
      %ne3A_1185 = arith.cmpi ne, %get3A_1182, %ne3A_1184 : vector<16xi32>
      %jit3A_1186 = arith.constant 1.000000e+00 : f32
      %jit3A_1187 = arith.constant 0.000000e+00 : f32
      %broadcast_in_dim3A_1188 = vector.broadcast %jit3A_1186 : f32 to vector<16xf32>
      %broadcast_in_dim3A_1189 = vector.broadcast %jit3A_1187 : f32 to vector<16xf32>
      %select_n3A_1190 = arith.select %ne3A_1185, %broadcast_in_dim3A_1188, %broadcast_in_dim3A_1189 : vector<16xi1>, vector<16xf32>
      %add3A_1191 = arith.addf %add3A_1178, %select_n3A_1190 : vector<16xf32>
      %add3A_1192 = arith.constant 48 : i32
      %add3A_1193 = arith.addi %mul3A_1152, %add3A_1192 : i32
      %get3A_1194 = arith.index_cast %add3A_1193 : i32 to index
      %get3A_1195 = tpu.vector_load %arg5[%get3A_1194] {strides = array<i32>} : memref<25600xi32, #tpu.memory_space<vmem>>, vector<16xi32>,
      %ne3A_1196 = arith.constant 0 : i32
      %ne3A_1197 = vector.broadcast %ne3A_1196 : i32 to vector<16xi32>
      %ne3A_1198 = arith.cmpi ne, %get3A_1195, %ne3A_1197 : vector<16xi32>
      %jit3A_1199 = arith.constant 1.000000e+00 : f32
      %jit3A_1200 = arith.constant 0.000000e+00 : f32
      %broadcast_in_dim3A_1201 = vector.broadcast %jit3A_1199 : f32 to vector<16xf32>
      %broadcast_in_dim3A_1202 = vector.broadcast %jit3A_1200 : f32 to vector<16xf32>
      %select_n3A_1203 = arith.select %ne3A_1198, %broadcast_in_dim3A_1201, %broadcast_in_dim3A_1202 : vector<16xi1>, vector<16xf32>
      %add3A_1204 = arith.addf %add3A_1191, %select_n3A_1203 : vector<16xf32>
      %add3A_1205 = arith.constant 64 : i32
      %add3A_1206 = arith.addi %mul3A_1152, %add3A_1205 : i32
      %get3A_1207 = arith.index_cast %add3A_1206 : i32 to index
      %get3A_1208 = tpu.vector_load %arg5[%get3A_1207] {strides = array<i32>} : memref<25600xi32, #tpu.memory_space<vmem>>, vector<16xi32>,
      %ne3A_1209 = arith.constant 0 : i32
      %ne3A_1210 = vector.broadcast %ne3A_1209 : i32 to vector<16xi32>
      %ne3A_1211 = arith.cmpi ne, %get3A_1208, %ne3A_1210 : vector<16xi32>
      %jit3A_1212 = arith.constant 1.000000e+00 : f32
      %jit3A_1213 = arith.constant 0.000000e+00 : f32
      %broadcast_in_dim3A_1214 = vector.broadcast %jit3A_1212 : f32 to vector<16xf32>
      %broadcast_in_dim3A_1215 = vector.broadcast %jit3A_1213 : f32 to vector<16xf32>
      %select_n3A_1216 = arith.select %ne3A_1211, %broadcast_in_dim3A_1214, %broadcast_in_dim3A_1215 : vector<16xi1>, vector<16xf32>
      %add3A_1217 = arith.addf %add3A_1204, %select_n3A_1216 : vector<16xf32>
      %add3A_1218 = arith.constant 80 : i32
      %add3A_1219 = arith.addi %mul3A_1152, %add3A_1218 : i32
      %get3A_1220 = arith.index_cast %add3A_1219 : i32 to index
      %get3A_1221 = tpu.vector_load %arg5[%get3A_1220] {strides = array<i32>} : memref<25600xi32, #tpu.memory_space<vmem>>, vector<16xi32>,
      %ne3A_1222 = arith.constant 0 : i32
      %ne3A_1223 = vector.broadcast %ne3A_1222 : i32 to vector<16xi32>
      %ne3A_1224 = arith.cmpi ne, %get3A_1221, %ne3A_1223 : vector<16xi32>
      %jit3A_1225 = arith.constant 1.000000e+00 : f32
      %jit3A_1226 = arith.constant 0.000000e+00 : f32
      %broadcast_in_dim3A_1227 = vector.broadcast %jit3A_1225 : f32 to vector<16xf32>
      %broadcast_in_dim3A_1228 = vector.broadcast %jit3A_1226 : f32 to vector<16xf32>
      %select_n3A_1229 = arith.select %ne3A_1224, %broadcast_in_dim3A_1227, %broadcast_in_dim3A_1228 : vector<16xi1>, vector<16xf32>
      %add3A_1230 = arith.addf %add3A_1217, %select_n3A_1229 : vector<16xf32>
      %add3A_1231 = arith.constant 96 : i32
      %add3A_1232 = arith.addi %mul3A_1152, %add3A_1231 : i32
      %get3A_1233 = arith.index_cast %add3A_1232 : i32 to index
      %get3A_1234 = tpu.vector_load %arg5[%get3A_1233] {strides = array<i32>} : memref<25600xi32, #tpu.memory_space<vmem>>, vector<16xi32>,
      %ne3A_1235 = arith.constant 0 : i32
      %ne3A_1236 = vector.broadcast %ne3A_1235 : i32 to vector<16xi32>
      %ne3A_1237 = arith.cmpi ne, %get3A_1234, %ne3A_1236 : vector<16xi32>
      %jit3A_1238 = arith.constant 1.000000e+00 : f32
      %jit3A_1239 = arith.constant 0.000000e+00 : f32
      %broadcast_in_dim3A_1240 = vector.broadcast %jit3A_1238 : f32 to vector<16xf32>
      %broadcast_in_dim3A_1241 = vector.broadcast %jit3A_1239 : f32 to vector<16xf32>
      %select_n3A_1242 = arith.select %ne3A_1237, %broadcast_in_dim3A_1240, %broadcast_in_dim3A_1241 : vector<16xi1>, vector<16xf32>
      %add3A_1243 = arith.addf %add3A_1230, %select_n3A_1242 : vector<16xf32>
      %add3A_1244 = arith.constant 112 : i32
      %add3A_1245 = arith.addi %mul3A_1152, %add3A_1244 : i32
      %get3A_1246 = arith.index_cast %add3A_1245 : i32 to index
      %get3A_1247 = tpu.vector_load %arg5[%get3A_1246] {strides = array<i32>} : memref<25600xi32, #tpu.memory_space<vmem>>, vector<16xi32>,
      %ne3A_1248 = arith.constant 0 : i32
      %ne3A_1249 = vector.broadcast %ne3A_1248 : i32 to vector<16xi32>
      %ne3A_1250 = arith.cmpi ne, %get3A_1247, %ne3A_1249 : vector<16xi32>
      %jit3A_1251 = arith.constant 1.000000e+00 : f32
      %jit3A_1252 = arith.constant 0.000000e+00 : f32
      %broadcast_in_dim3A_1253 = vector.broadcast %jit3A_1251 : f32 to vector<16xf32>
      %broadcast_in_dim3A_1254 = vector.broadcast %jit3A_1252 : f32 to vector<16xf32>
      %select_n3A_1255 = arith.select %ne3A_1250, %broadcast_in_dim3A_1253, %broadcast_in_dim3A_1254 : vector<16xi1>, vector<16xf32>
      %add3A_1256 = arith.addf %add3A_1243, %select_n3A_1255 : vector<16xf32>
      %add3A_1257 = arith.constant 128 : i32
      %add3A_1258 = arith.addi %mul3A_1152, %add3A_1257 : i32
      %get3A_1259 = arith.index_cast %add3A_1258 : i32 to index
      %get3A_1260 = tpu.vector_load %arg5[%get3A_1259] {strides = array<i32>} : memref<25600xi32, #tpu.memory_space<vmem>>, vector<16xi32>,
      %ne3A_1261 = arith.constant 0 : i32
      %ne3A_1262 = vector.broadcast %ne3A_1261 : i32 to vector<16xi32>
      %ne3A_1263 = arith.cmpi ne, %get3A_1260, %ne3A_1262 : vector<16xi32>
      %jit3A_1264 = arith.constant 1.000000e+00 : f32
      %jit3A_1265 = arith.constant 0.000000e+00 : f32
      %broadcast_in_dim3A_1266 = vector.broadcast %jit3A_1264 : f32 to vector<16xf32>
      %broadcast_in_dim3A_1267 = vector.broadcast %jit3A_1265 : f32 to vector<16xf32>
      %select_n3A_1268 = arith.select %ne3A_1263, %broadcast_in_dim3A_1266, %broadcast_in_dim3A_1267 : vector<16xi1>, vector<16xf32>
      %add3A_1269 = arith.addf %add3A_1256, %select_n3A_1268 : vector<16xf32>
      %add3A_1270 = arith.constant 144 : i32
      %add3A_1271 = arith.addi %mul3A_1152, %add3A_1270 : i32
      %get3A_1272 = arith.index_cast %add3A_1271 : i32 to index
      %get3A_1273 = tpu.vector_load %arg5[%get3A_1272] {strides = array<i32>} : memref<25600xi32, #tpu.memory_space<vmem>>, vector<16xi32>,
      %ne3A_1274 = arith.constant 0 : i32
      %ne3A_1275 = vector.broadcast %ne3A_1274 : i32 to vector<16xi32>
      %ne3A_1276 = arith.cmpi ne, %get3A_1273, %ne3A_1275 : vector<16xi32>
      %jit3A_1277 = arith.constant 1.000000e+00 : f32
      %jit3A_1278 = arith.constant 0.000000e+00 : f32
      %broadcast_in_dim3A_1279 = vector.broadcast %jit3A_1277 : f32 to vector<16xf32>
      %broadcast_in_dim3A_1280 = vector.broadcast %jit3A_1278 : f32 to vector<16xf32>
      %select_n3A_1281 = arith.select %ne3A_1276, %broadcast_in_dim3A_1279, %broadcast_in_dim3A_1280 : vector<16xi1>, vector<16xf32>
      %add3A_1282 = arith.addf %add3A_1269, %select_n3A_1281 : vector<16xf32>
      %add3A_1283 = arith.constant 160 : i32
      %add3A_1284 = arith.addi %mul3A_1152, %add3A_1283 : i32
      %get3A_1285 = arith.index_cast %add3A_1284 : i32 to index
      %get3A_1286 = tpu.vector_load %arg5[%get3A_1285] {strides = array<i32>} : memref<25600xi32, #tpu.memory_space<vmem>>, vector<16xi32>,
      %ne3A_1287 = arith.constant 0 : i32
      %ne3A_1288 = vector.broadcast %ne3A_1287 : i32 to vector<16xi32>
      %ne3A_1289 = arith.cmpi ne, %get3A_1286, %ne3A_1288 : vector<16xi32>
      %jit3A_1290 = arith.constant 1.000000e+00 : f32
      %jit3A_1291 = arith.constant 0.000000e+00 : f32
      %broadcast_in_dim3A_1292 = vector.broadcast %jit3A_1290 : f32 to vector<16xf32>
      %broadcast_in_dim3A_1293 = vector.broadcast %jit3A_1291 : f32 to vector<16xf32>
      %select_n3A_1294 = arith.select %ne3A_1289, %broadcast_in_dim3A_1292, %broadcast_in_dim3A_1293 : vector<16xi1>, vector<16xf32>
      %add3A_1295 = arith.addf %add3A_1282, %select_n3A_1294 : vector<16xf32>
      %add3A_1296 = arith.constant 176 : i32
      %add3A_1297 = arith.addi %mul3A_1152, %add3A_1296 : i32
      %get3A_1298 = arith.index_cast %add3A_1297 : i32 to index
      %get3A_1299 = tpu.vector_load %arg5[%get3A_1298] {strides = array<i32>} : memref<25600xi32, #tpu.memory_space<vmem>>, vector<16xi32>,
      %ne3A_1300 = arith.constant 0 : i32
      %ne3A_1301 = vector.broadcast %ne3A_1300 : i32 to vector<16xi32>
      %ne3A_1302 = arith.cmpi ne, %get3A_1299, %ne3A_1301 : vector<16xi32>
      %jit3A_1303 = arith.constant 1.000000e+00 : f32
      %jit3A_1304 = arith.constant 0.000000e+00 : f32
      %broadcast_in_dim3A_1305 = vector.broadcast %jit3A_1303 : f32 to vector<16xf32>
      %broadcast_in_dim3A_1306 = vector.broadcast %jit3A_1304 : f32 to vector<16xf32>
      %select_n3A_1307 = arith.select %ne3A_1302, %broadcast_in_dim3A_1305, %broadcast_in_dim3A_1306 : vector<16xi1>, vector<16xf32>
      %add3A_1308 = arith.addf %add3A_1295, %select_n3A_1307 : vector<16xf32>
      %add3A_1309 = arith.constant 200 : i32
      %add3A_1310 = arith.addi %mul3A_1152, %add3A_1309 : i32
      %sub3A_1311 = arith.constant 16 : i32
      %sub3A_1312 = arith.subi %add3A_1310, %sub3A_1311 : i32
      %get3A_1313 = arith.index_cast %sub3A_1312 : i32 to index
      %get3A_1314 = tpu.vector_load %arg5[%get3A_1313] {strides = array<i32>} : memref<25600xi32, #tpu.memory_space<vmem>>, vector<16xi32>,
      %ne3A_1315 = arith.constant 0 : i32
      %ne3A_1316 = vector.broadcast %ne3A_1315 : i32 to vector<16xi32>
      %ne3A_1317 = arith.cmpi ne, %get3A_1314, %ne3A_1316 : vector<16xi32>
      %ge3A_1318 = arith.constant 8 : i32
      %ge3A_1319 = vector.broadcast %ge3A_1318 : i32 to vector<16xi32>
      %ge3A_1320 = arith.cmpi sge, %iota3A, %ge3A_1319 : vector<16xi32>
      %and3A_1321 = arith.andi %ne3A_1317, %ge3A_1320 : vector<16xi1>
      %jit3A_1322 = arith.constant 1.000000e+00 : f32
      %jit3A_1323 = arith.constant 0.000000e+00 : f32
      %broadcast_in_dim3A_1324 = vector.broadcast %jit3A_1322 : f32 to vector<16xf32>
      %broadcast_in_dim3A_1325 = vector.broadcast %jit3A_1323 : f32 to vector<16xf32>
      %select_n3A_1326 = arith.select %and3A_1321, %broadcast_in_dim3A_1324, %broadcast_in_dim3A_1325 : vector<16xi1>, vector<16xf32>
      %add3A_1327 = arith.addf %add3A_1308, %select_n3A_1326 : vector<16xf32>
      %reduce_sum3A_1328 = arith.constant true
      %reduce_sum3A_1329 = vector.broadcast %reduce_sum3A_1328 : i1 to vector<16xi1>
      %reduce_sum3A_1330 = tpu.scan <sum>, %add3A_1327 masked %reduce_sum3A_1329 : vector<16xf32>, vector<16xi1> -> vector<16xf32>
      %reduce_sum3A_1331 = vector.extract %reduce_sum3A_1330[15] : f32 from vector<16xf32>
      %broadcast_in_dim3A_1332 = vector.broadcast %reduce_sum3A_1331 : f32 to vector<16xf32>
      %max3A_1333 = arith.maximumf %broadcast_in_dim3A_1332, %broadcast_in_dim3A_3 : vector<16xf32>
      %div3A_1334 = arith.constant 1.000000e+00 : f32
      %div3A_1335 = vector.broadcast %div3A_1334 : f32 to vector<16xf32>
      %div3A_1336 = arith.divf %div3A_1335, %max3A_1333 : vector<16xf32>
      %mul3A_1337 = arith.mulf %add3A_1149, %div3A_1336 : vector<16xf32>
      %swap3A_1338 = arith.index_cast %add3A_1148 : i32 to index
      %swap3A_1339 = arith.constant 0 : index
      %swap3A_1340 = tpu.vector_load %arg8[%swap3A_1338, %swap3A_1339] {strides = array<i32>} : memref<128x32xf32, #tpu.memory_space<vmem>>, vector<16xf32>,
      tpu.vector_store %arg8[%swap3A_1338, %swap3A_1339], %mul3A_1337 {strides = array<i32>} : memref<128x32xf32, #tpu.memory_space<vmem>>, vector<16xf32>,
      %mul3A_1341 = arith.mulf %add3A_1150, %div3A_1336 : vector<16xf32>
      %swap3A_1342 = arith.index_cast %add3A_1148 : i32 to index
      %swap3A_1343 = arith.constant 16 : index
      %swap3A_1344 = tpu.vector_load %arg8[%swap3A_1342, %swap3A_1343] {strides = array<i32>} : memref<128x32xf32, #tpu.memory_space<vmem>>, vector<16xf32>,
      tpu.vector_store %arg8[%swap3A_1342, %swap3A_1343], %mul3A_1341 {strides = array<i32>} : memref<128x32xf32, #tpu.memory_space<vmem>>, vector<16xf32>,
      %mul3A_1345 = arith.constant 4 : i32
      %mul3A_1346 = arith.muli %add3A_938, %mul3A_1345 : i32
      %add3A_1347 = arith.constant 2 : i32
      %add3A_1348 = arith.addi %mul3A_1346, %add3A_1347 : i32
      %add3A_1349 = arith.addf %scan3A_943#8, %scan3A_943#10 : vector<16xf32>
      %add3A_1350 = arith.addf %scan3A_943#9, %scan3A_943#11 : vector<16xf32>
      %mul3A_1351 = arith.constant 200 : i32
      %mul3A_1352 = arith.muli %add3A_1348, %mul3A_1351 : i32
      %add3A_1353 = arith.constant 0 : i32
      %add3A_1354 = arith.addi %mul3A_1352, %add3A_1353 : i32
      %get3A_1355 = arith.index_cast %add3A_1354 : i32 to index
      %get3A_1356 = tpu.vector_load %arg5[%get3A_1355] {strides = array<i32>} : memref<25600xi32, #tpu.memory_space<vmem>>, vector<16xi32>,
      %ne3A_1357 = arith.constant 0 : i32
      %ne3A_1358 = vector.broadcast %ne3A_1357 : i32 to vector<16xi32>
      %ne3A_1359 = arith.cmpi ne, %get3A_1356, %ne3A_1358 : vector<16xi32>
      %jit3A_1360 = arith.constant 1.000000e+00 : f32
      %jit3A_1361 = arith.constant 0.000000e+00 : f32
      %broadcast_in_dim3A_1362 = vector.broadcast %jit3A_1360 : f32 to vector<16xf32>
      %broadcast_in_dim3A_1363 = vector.broadcast %jit3A_1361 : f32 to vector<16xf32>
      %select_n3A_1364 = arith.select %ne3A_1359, %broadcast_in_dim3A_1362, %broadcast_in_dim3A_1363 : vector<16xi1>, vector<16xf32>
      %add3A_1365 = arith.addf %broadcast_in_dim3A_1, %select_n3A_1364 : vector<16xf32>
      %add3A_1366 = arith.constant 16 : i32
      %add3A_1367 = arith.addi %mul3A_1352, %add3A_1366 : i32
      %get3A_1368 = arith.index_cast %add3A_1367 : i32 to index
      %get3A_1369 = tpu.vector_load %arg5[%get3A_1368] {strides = array<i32>} : memref<25600xi32, #tpu.memory_space<vmem>>, vector<16xi32>,
      %ne3A_1370 = arith.constant 0 : i32
      %ne3A_1371 = vector.broadcast %ne3A_1370 : i32 to vector<16xi32>
      %ne3A_1372 = arith.cmpi ne, %get3A_1369, %ne3A_1371 : vector<16xi32>
      %jit3A_1373 = arith.constant 1.000000e+00 : f32
      %jit3A_1374 = arith.constant 0.000000e+00 : f32
      %broadcast_in_dim3A_1375 = vector.broadcast %jit3A_1373 : f32 to vector<16xf32>
      %broadcast_in_dim3A_1376 = vector.broadcast %jit3A_1374 : f32 to vector<16xf32>
      %select_n3A_1377 = arith.select %ne3A_1372, %broadcast_in_dim3A_1375, %broadcast_in_dim3A_1376 : vector<16xi1>, vector<16xf32>
      %add3A_1378 = arith.addf %add3A_1365, %select_n3A_1377 : vector<16xf32>
      %add3A_1379 = arith.constant 32 : i32
      %add3A_1380 = arith.addi %mul3A_1352, %add3A_1379 : i32
      %get3A_1381 = arith.index_cast %add3A_1380 : i32 to index
      %get3A_1382 = tpu.vector_load %arg5[%get3A_1381] {strides = array<i32>} : memref<25600xi32, #tpu.memory_space<vmem>>, vector<16xi32>,
      %ne3A_1383 = arith.constant 0 : i32
      %ne3A_1384 = vector.broadcast %ne3A_1383 : i32 to vector<16xi32>
      %ne3A_1385 = arith.cmpi ne, %get3A_1382, %ne3A_1384 : vector<16xi32>
      %jit3A_1386 = arith.constant 1.000000e+00 : f32
      %jit3A_1387 = arith.constant 0.000000e+00 : f32
      %broadcast_in_dim3A_1388 = vector.broadcast %jit3A_1386 : f32 to vector<16xf32>
      %broadcast_in_dim3A_1389 = vector.broadcast %jit3A_1387 : f32 to vector<16xf32>
      %select_n3A_1390 = arith.select %ne3A_1385, %broadcast_in_dim3A_1388, %broadcast_in_dim3A_1389 : vector<16xi1>, vector<16xf32>
      %add3A_1391 = arith.addf %add3A_1378, %select_n3A_1390 : vector<16xf32>
      %add3A_1392 = arith.constant 48 : i32
      %add3A_1393 = arith.addi %mul3A_1352, %add3A_1392 : i32
      %get3A_1394 = arith.index_cast %add3A_1393 : i32 to index
      %get3A_1395 = tpu.vector_load %arg5[%get3A_1394] {strides = array<i32>} : memref<25600xi32, #tpu.memory_space<vmem>>, vector<16xi32>,
      %ne3A_1396 = arith.constant 0 : i32
      %ne3A_1397 = vector.broadcast %ne3A_1396 : i32 to vector<16xi32>
      %ne3A_1398 = arith.cmpi ne, %get3A_1395, %ne3A_1397 : vector<16xi32>
      %jit3A_1399 = arith.constant 1.000000e+00 : f32
      %jit3A_1400 = arith.constant 0.000000e+00 : f32
      %broadcast_in_dim3A_1401 = vector.broadcast %jit3A_1399 : f32 to vector<16xf32>
      %broadcast_in_dim3A_1402 = vector.broadcast %jit3A_1400 : f32 to vector<16xf32>
      %select_n3A_1403 = arith.select %ne3A_1398, %broadcast_in_dim3A_1401, %broadcast_in_dim3A_1402 : vector<16xi1>, vector<16xf32>
      %add3A_1404 = arith.addf %add3A_1391, %select_n3A_1403 : vector<16xf32>
      %add3A_1405 = arith.constant 64 : i32
      %add3A_1406 = arith.addi %mul3A_1352, %add3A_1405 : i32
      %get3A_1407 = arith.index_cast %add3A_1406 : i32 to index
      %get3A_1408 = tpu.vector_load %arg5[%get3A_1407] {strides = array<i32>} : memref<25600xi32, #tpu.memory_space<vmem>>, vector<16xi32>,
      %ne3A_1409 = arith.constant 0 : i32
      %ne3A_1410 = vector.broadcast %ne3A_1409 : i32 to vector<16xi32>
      %ne3A_1411 = arith.cmpi ne, %get3A_1408, %ne3A_1410 : vector<16xi32>
      %jit3A_1412 = arith.constant 1.000000e+00 : f32
      %jit3A_1413 = arith.constant 0.000000e+00 : f32
      %broadcast_in_dim3A_1414 = vector.broadcast %jit3A_1412 : f32 to vector<16xf32>
      %broadcast_in_dim3A_1415 = vector.broadcast %jit3A_1413 : f32 to vector<16xf32>
      %select_n3A_1416 = arith.select %ne3A_1411, %broadcast_in_dim3A_1414, %broadcast_in_dim3A_1415 : vector<16xi1>, vector<16xf32>
      %add3A_1417 = arith.addf %add3A_1404, %select_n3A_1416 : vector<16xf32>
      %add3A_1418 = arith.constant 80 : i32
      %add3A_1419 = arith.addi %mul3A_1352, %add3A_1418 : i32
      %get3A_1420 = arith.index_cast %add3A_1419 : i32 to index
      %get3A_1421 = tpu.vector_load %arg5[%get3A_1420] {strides = array<i32>} : memref<25600xi32, #tpu.memory_space<vmem>>, vector<16xi32>,
      %ne3A_1422 = arith.constant 0 : i32
      %ne3A_1423 = vector.broadcast %ne3A_1422 : i32 to vector<16xi32>
      %ne3A_1424 = arith.cmpi ne, %get3A_1421, %ne3A_1423 : vector<16xi32>
      %jit3A_1425 = arith.constant 1.000000e+00 : f32
      %jit3A_1426 = arith.constant 0.000000e+00 : f32
      %broadcast_in_dim3A_1427 = vector.broadcast %jit3A_1425 : f32 to vector<16xf32>
      %broadcast_in_dim3A_1428 = vector.broadcast %jit3A_1426 : f32 to vector<16xf32>
      %select_n3A_1429 = arith.select %ne3A_1424, %broadcast_in_dim3A_1427, %broadcast_in_dim3A_1428 : vector<16xi1>, vector<16xf32>
      %add3A_1430 = arith.addf %add3A_1417, %select_n3A_1429 : vector<16xf32>
      %add3A_1431 = arith.constant 96 : i32
      %add3A_1432 = arith.addi %mul3A_1352, %add3A_1431 : i32
      %get3A_1433 = arith.index_cast %add3A_1432 : i32 to index
      %get3A_1434 = tpu.vector_load %arg5[%get3A_1433] {strides = array<i32>} : memref<25600xi32, #tpu.memory_space<vmem>>, vector<16xi32>,
      %ne3A_1435 = arith.constant 0 : i32
      %ne3A_1436 = vector.broadcast %ne3A_1435 : i32 to vector<16xi32>
      %ne3A_1437 = arith.cmpi ne, %get3A_1434, %ne3A_1436 : vector<16xi32>
      %jit3A_1438 = arith.constant 1.000000e+00 : f32
      %jit3A_1439 = arith.constant 0.000000e+00 : f32
      %broadcast_in_dim3A_1440 = vector.broadcast %jit3A_1438 : f32 to vector<16xf32>
      %broadcast_in_dim3A_1441 = vector.broadcast %jit3A_1439 : f32 to vector<16xf32>
      %select_n3A_1442 = arith.select %ne3A_1437, %broadcast_in_dim3A_1440, %broadcast_in_dim3A_1441 : vector<16xi1>, vector<16xf32>
      %add3A_1443 = arith.addf %add3A_1430, %select_n3A_1442 : vector<16xf32>
      %add3A_1444 = arith.constant 112 : i32
      %add3A_1445 = arith.addi %mul3A_1352, %add3A_1444 : i32
      %get3A_1446 = arith.index_cast %add3A_1445 : i32 to index
      %get3A_1447 = tpu.vector_load %arg5[%get3A_1446] {strides = array<i32>} : memref<25600xi32, #tpu.memory_space<vmem>>, vector<16xi32>,
      %ne3A_1448 = arith.constant 0 : i32
      %ne3A_1449 = vector.broadcast %ne3A_1448 : i32 to vector<16xi32>
      %ne3A_1450 = arith.cmpi ne, %get3A_1447, %ne3A_1449 : vector<16xi32>
      %jit3A_1451 = arith.constant 1.000000e+00 : f32
      %jit3A_1452 = arith.constant 0.000000e+00 : f32
      %broadcast_in_dim3A_1453 = vector.broadcast %jit3A_1451 : f32 to vector<16xf32>
      %broadcast_in_dim3A_1454 = vector.broadcast %jit3A_1452 : f32 to vector<16xf32>
      %select_n3A_1455 = arith.select %ne3A_1450, %broadcast_in_dim3A_1453, %broadcast_in_dim3A_1454 : vector<16xi1>, vector<16xf32>
      %add3A_1456 = arith.addf %add3A_1443, %select_n3A_1455 : vector<16xf32>
      %add3A_1457 = arith.constant 128 : i32
      %add3A_1458 = arith.addi %mul3A_1352, %add3A_1457 : i32
      %get3A_1459 = arith.index_cast %add3A_1458 : i32 to index
      %get3A_1460 = tpu.vector_load %arg5[%get3A_1459] {strides = array<i32>} : memref<25600xi32, #tpu.memory_space<vmem>>, vector<16xi32>,
      %ne3A_1461 = arith.constant 0 : i32
      %ne3A_1462 = vector.broadcast %ne3A_1461 : i32 to vector<16xi32>
      %ne3A_1463 = arith.cmpi ne, %get3A_1460, %ne3A_1462 : vector<16xi32>
      %jit3A_1464 = arith.constant 1.000000e+00 : f32
      %jit3A_1465 = arith.constant 0.000000e+00 : f32
      %broadcast_in_dim3A_1466 = vector.broadcast %jit3A_1464 : f32 to vector<16xf32>
      %broadcast_in_dim3A_1467 = vector.broadcast %jit3A_1465 : f32 to vector<16xf32>
      %select_n3A_1468 = arith.select %ne3A_1463, %broadcast_in_dim3A_1466, %broadcast_in_dim3A_1467 : vector<16xi1>, vector<16xf32>
      %add3A_1469 = arith.addf %add3A_1456, %select_n3A_1468 : vector<16xf32>
      %add3A_1470 = arith.constant 144 : i32
      %add3A_1471 = arith.addi %mul3A_1352, %add3A_1470 : i32
      %get3A_1472 = arith.index_cast %add3A_1471 : i32 to index
      %get3A_1473 = tpu.vector_load %arg5[%get3A_1472] {strides = array<i32>} : memref<25600xi32, #tpu.memory_space<vmem>>, vector<16xi32>,
      %ne3A_1474 = arith.constant 0 : i32
      %ne3A_1475 = vector.broadcast %ne3A_1474 : i32 to vector<16xi32>
      %ne3A_1476 = arith.cmpi ne, %get3A_1473, %ne3A_1475 : vector<16xi32>
      %jit3A_1477 = arith.constant 1.000000e+00 : f32
      %jit3A_1478 = arith.constant 0.000000e+00 : f32
      %broadcast_in_dim3A_1479 = vector.broadcast %jit3A_1477 : f32 to vector<16xf32>
      %broadcast_in_dim3A_1480 = vector.broadcast %jit3A_1478 : f32 to vector<16xf32>
      %select_n3A_1481 = arith.select %ne3A_1476, %broadcast_in_dim3A_1479, %broadcast_in_dim3A_1480 : vector<16xi1>, vector<16xf32>
      %add3A_1482 = arith.addf %add3A_1469, %select_n3A_1481 : vector<16xf32>
      %add3A_1483 = arith.constant 160 : i32
      %add3A_1484 = arith.addi %mul3A_1352, %add3A_1483 : i32
      %get3A_1485 = arith.index_cast %add3A_1484 : i32 to index
      %get3A_1486 = tpu.vector_load %arg5[%get3A_1485] {strides = array<i32>} : memref<25600xi32, #tpu.memory_space<vmem>>, vector<16xi32>,
      %ne3A_1487 = arith.constant 0 : i32
      %ne3A_1488 = vector.broadcast %ne3A_1487 : i32 to vector<16xi32>
      %ne3A_1489 = arith.cmpi ne, %get3A_1486, %ne3A_1488 : vector<16xi32>
      %jit3A_1490 = arith.constant 1.000000e+00 : f32
      %jit3A_1491 = arith.constant 0.000000e+00 : f32
      %broadcast_in_dim3A_1492 = vector.broadcast %jit3A_1490 : f32 to vector<16xf32>
      %broadcast_in_dim3A_1493 = vector.broadcast %jit3A_1491 : f32 to vector<16xf32>
      %select_n3A_1494 = arith.select %ne3A_1489, %broadcast_in_dim3A_1492, %broadcast_in_dim3A_1493 : vector<16xi1>, vector<16xf32>
      %add3A_1495 = arith.addf %add3A_1482, %select_n3A_1494 : vector<16xf32>
      %add3A_1496 = arith.constant 176 : i32
      %add3A_1497 = arith.addi %mul3A_1352, %add3A_1496 : i32
      %get3A_1498 = arith.index_cast %add3A_1497 : i32 to index
      %get3A_1499 = tpu.vector_load %arg5[%get3A_1498] {strides = array<i32>} : memref<25600xi32, #tpu.memory_space<vmem>>, vector<16xi32>,
      %ne3A_1500 = arith.constant 0 : i32
      %ne3A_1501 = vector.broadcast %ne3A_1500 : i32 to vector<16xi32>
      %ne3A_1502 = arith.cmpi ne, %get3A_1499, %ne3A_1501 : vector<16xi32>
      %jit3A_1503 = arith.constant 1.000000e+00 : f32
      %jit3A_1504 = arith.constant 0.000000e+00 : f32
      %broadcast_in_dim3A_1505 = vector.broadcast %jit3A_1503 : f32 to vector<16xf32>
      %broadcast_in_dim3A_1506 = vector.broadcast %jit3A_1504 : f32 to vector<16xf32>
      %select_n3A_1507 = arith.select %ne3A_1502, %broadcast_in_dim3A_1505, %broadcast_in_dim3A_1506 : vector<16xi1>, vector<16xf32>
      %add3A_1508 = arith.addf %add3A_1495, %select_n3A_1507 : vector<16xf32>
      %add3A_1509 = arith.constant 200 : i32
      %add3A_1510 = arith.addi %mul3A_1352, %add3A_1509 : i32
      %sub3A_1511 = arith.constant 16 : i32
      %sub3A_1512 = arith.subi %add3A_1510, %sub3A_1511 : i32
      %get3A_1513 = arith.index_cast %sub3A_1512 : i32 to index
      %get3A_1514 = tpu.vector_load %arg5[%get3A_1513] {strides = array<i32>} : memref<25600xi32, #tpu.memory_space<vmem>>, vector<16xi32>,
      %ne3A_1515 = arith.constant 0 : i32
      %ne3A_1516 = vector.broadcast %ne3A_1515 : i32 to vector<16xi32>
      %ne3A_1517 = arith.cmpi ne, %get3A_1514, %ne3A_1516 : vector<16xi32>
      %ge3A_1518 = arith.constant 8 : i32
      %ge3A_1519 = vector.broadcast %ge3A_1518 : i32 to vector<16xi32>
      %ge3A_1520 = arith.cmpi sge, %iota3A, %ge3A_1519 : vector<16xi32>
      %and3A_1521 = arith.andi %ne3A_1517, %ge3A_1520 : vector<16xi1>
      %jit3A_1522 = arith.constant 1.000000e+00 : f32
      %jit3A_1523 = arith.constant 0.000000e+00 : f32
      %broadcast_in_dim3A_1524 = vector.broadcast %jit3A_1522 : f32 to vector<16xf32>
      %broadcast_in_dim3A_1525 = vector.broadcast %jit3A_1523 : f32 to vector<16xf32>
      %select_n3A_1526 = arith.select %and3A_1521, %broadcast_in_dim3A_1524, %broadcast_in_dim3A_1525 : vector<16xi1>, vector<16xf32>
      %add3A_1527 = arith.addf %add3A_1508, %select_n3A_1526 : vector<16xf32>
      %reduce_sum3A_1528 = arith.constant true
      %reduce_sum3A_1529 = vector.broadcast %reduce_sum3A_1528 : i1 to vector<16xi1>
      %reduce_sum3A_1530 = tpu.scan <sum>, %add3A_1527 masked %reduce_sum3A_1529 : vector<16xf32>, vector<16xi1> -> vector<16xf32>
      %reduce_sum3A_1531 = vector.extract %reduce_sum3A_1530[15] : f32 from vector<16xf32>
      %broadcast_in_dim3A_1532 = vector.broadcast %reduce_sum3A_1531 : f32 to vector<16xf32>
      %max3A_1533 = arith.maximumf %broadcast_in_dim3A_1532, %broadcast_in_dim3A_3 : vector<16xf32>
      %div3A_1534 = arith.constant 1.000000e+00 : f32
      %div3A_1535 = vector.broadcast %div3A_1534 : f32 to vector<16xf32>
      %div3A_1536 = arith.divf %div3A_1535, %max3A_1533 : vector<16xf32>
      %mul3A_1537 = arith.mulf %add3A_1349, %div3A_1536 : vector<16xf32>
      %swap3A_1538 = arith.index_cast %add3A_1348 : i32 to index
      %swap3A_1539 = arith.constant 0 : index
      %swap3A_1540 = tpu.vector_load %arg8[%swap3A_1538, %swap3A_1539] {strides = array<i32>} : memref<128x32xf32, #tpu.memory_space<vmem>>, vector<16xf32>,
      tpu.vector_store %arg8[%swap3A_1538, %swap3A_1539], %mul3A_1537 {strides = array<i32>} : memref<128x32xf32, #tpu.memory_space<vmem>>, vector<16xf32>,
      %mul3A_1541 = arith.mulf %add3A_1350, %div3A_1536 : vector<16xf32>
      %swap3A_1542 = arith.index_cast %add3A_1348 : i32 to index
      %swap3A_1543 = arith.constant 16 : index
      %swap3A_1544 = tpu.vector_load %arg8[%swap3A_1542, %swap3A_1543] {strides = array<i32>} : memref<128x32xf32, #tpu.memory_space<vmem>>, vector<16xf32>,
      tpu.vector_store %arg8[%swap3A_1542, %swap3A_1543], %mul3A_1541 {strides = array<i32>} : memref<128x32xf32, #tpu.memory_space<vmem>>, vector<16xf32>,
      %mul3A_1545 = arith.constant 4 : i32
      %mul3A_1546 = arith.muli %add3A_938, %mul3A_1545 : i32
      %add3A_1547 = arith.constant 3 : i32
      %add3A_1548 = arith.addi %mul3A_1546, %add3A_1547 : i32
      %add3A_1549 = arith.addf %scan3A_943#12, %scan3A_943#14 : vector<16xf32>
      %add3A_1550 = arith.addf %scan3A_943#13, %scan3A_943#15 : vector<16xf32>
      %mul3A_1551 = arith.constant 200 : i32
      %mul3A_1552 = arith.muli %add3A_1548, %mul3A_1551 : i32
      %add3A_1553 = arith.constant 0 : i32
      %add3A_1554 = arith.addi %mul3A_1552, %add3A_1553 : i32
      %get3A_1555 = arith.index_cast %add3A_1554 : i32 to index
      %get3A_1556 = tpu.vector_load %arg5[%get3A_1555] {strides = array<i32>} : memref<25600xi32, #tpu.memory_space<vmem>>, vector<16xi32>,
      %ne3A_1557 = arith.constant 0 : i32
      %ne3A_1558 = vector.broadcast %ne3A_1557 : i32 to vector<16xi32>
      %ne3A_1559 = arith.cmpi ne, %get3A_1556, %ne3A_1558 : vector<16xi32>
      %jit3A_1560 = arith.constant 1.000000e+00 : f32
      %jit3A_1561 = arith.constant 0.000000e+00 : f32
      %broadcast_in_dim3A_1562 = vector.broadcast %jit3A_1560 : f32 to vector<16xf32>
      %broadcast_in_dim3A_1563 = vector.broadcast %jit3A_1561 : f32 to vector<16xf32>
      %select_n3A_1564 = arith.select %ne3A_1559, %broadcast_in_dim3A_1562, %broadcast_in_dim3A_1563 : vector<16xi1>, vector<16xf32>
      %add3A_1565 = arith.addf %broadcast_in_dim3A_1, %select_n3A_1564 : vector<16xf32>
      %add3A_1566 = arith.constant 16 : i32
      %add3A_1567 = arith.addi %mul3A_1552, %add3A_1566 : i32
      %get3A_1568 = arith.index_cast %add3A_1567 : i32 to index
      %get3A_1569 = tpu.vector_load %arg5[%get3A_1568] {strides = array<i32>} : memref<25600xi32, #tpu.memory_space<vmem>>, vector<16xi32>,
      %ne3A_1570 = arith.constant 0 : i32
      %ne3A_1571 = vector.broadcast %ne3A_1570 : i32 to vector<16xi32>
      %ne3A_1572 = arith.cmpi ne, %get3A_1569, %ne3A_1571 : vector<16xi32>
      %jit3A_1573 = arith.constant 1.000000e+00 : f32
      %jit3A_1574 = arith.constant 0.000000e+00 : f32
      %broadcast_in_dim3A_1575 = vector.broadcast %jit3A_1573 : f32 to vector<16xf32>
      %broadcast_in_dim3A_1576 = vector.broadcast %jit3A_1574 : f32 to vector<16xf32>
      %select_n3A_1577 = arith.select %ne3A_1572, %broadcast_in_dim3A_1575, %broadcast_in_dim3A_1576 : vector<16xi1>, vector<16xf32>
      %add3A_1578 = arith.addf %add3A_1565, %select_n3A_1577 : vector<16xf32>
      %add3A_1579 = arith.constant 32 : i32
      %add3A_1580 = arith.addi %mul3A_1552, %add3A_1579 : i32
      %get3A_1581 = arith.index_cast %add3A_1580 : i32 to index
      %get3A_1582 = tpu.vector_load %arg5[%get3A_1581] {strides = array<i32>} : memref<25600xi32, #tpu.memory_space<vmem>>, vector<16xi32>,
      %ne3A_1583 = arith.constant 0 : i32
      %ne3A_1584 = vector.broadcast %ne3A_1583 : i32 to vector<16xi32>
      %ne3A_1585 = arith.cmpi ne, %get3A_1582, %ne3A_1584 : vector<16xi32>
      %jit3A_1586 = arith.constant 1.000000e+00 : f32
      %jit3A_1587 = arith.constant 0.000000e+00 : f32
      %broadcast_in_dim3A_1588 = vector.broadcast %jit3A_1586 : f32 to vector<16xf32>
      %broadcast_in_dim3A_1589 = vector.broadcast %jit3A_1587 : f32 to vector<16xf32>
      %select_n3A_1590 = arith.select %ne3A_1585, %broadcast_in_dim3A_1588, %broadcast_in_dim3A_1589 : vector<16xi1>, vector<16xf32>
      %add3A_1591 = arith.addf %add3A_1578, %select_n3A_1590 : vector<16xf32>
      %add3A_1592 = arith.constant 48 : i32
      %add3A_1593 = arith.addi %mul3A_1552, %add3A_1592 : i32
      %get3A_1594 = arith.index_cast %add3A_1593 : i32 to index
      %get3A_1595 = tpu.vector_load %arg5[%get3A_1594] {strides = array<i32>} : memref<25600xi32, #tpu.memory_space<vmem>>, vector<16xi32>,
      %ne3A_1596 = arith.constant 0 : i32
      %ne3A_1597 = vector.broadcast %ne3A_1596 : i32 to vector<16xi32>
      %ne3A_1598 = arith.cmpi ne, %get3A_1595, %ne3A_1597 : vector<16xi32>
      %jit3A_1599 = arith.constant 1.000000e+00 : f32
      %jit3A_1600 = arith.constant 0.000000e+00 : f32
      %broadcast_in_dim3A_1601 = vector.broadcast %jit3A_1599 : f32 to vector<16xf32>
      %broadcast_in_dim3A_1602 = vector.broadcast %jit3A_1600 : f32 to vector<16xf32>
      %select_n3A_1603 = arith.select %ne3A_1598, %broadcast_in_dim3A_1601, %broadcast_in_dim3A_1602 : vector<16xi1>, vector<16xf32>
      %add3A_1604 = arith.addf %add3A_1591, %select_n3A_1603 : vector<16xf32>
      %add3A_1605 = arith.constant 64 : i32
      %add3A_1606 = arith.addi %mul3A_1552, %add3A_1605 : i32
      %get3A_1607 = arith.index_cast %add3A_1606 : i32 to index
      %get3A_1608 = tpu.vector_load %arg5[%get3A_1607] {strides = array<i32>} : memref<25600xi32, #tpu.memory_space<vmem>>, vector<16xi32>,
      %ne3A_1609 = arith.constant 0 : i32
      %ne3A_1610 = vector.broadcast %ne3A_1609 : i32 to vector<16xi32>
      %ne3A_1611 = arith.cmpi ne, %get3A_1608, %ne3A_1610 : vector<16xi32>
      %jit3A_1612 = arith.constant 1.000000e+00 : f32
      %jit3A_1613 = arith.constant 0.000000e+00 : f32
      %broadcast_in_dim3A_1614 = vector.broadcast %jit3A_1612 : f32 to vector<16xf32>
      %broadcast_in_dim3A_1615 = vector.broadcast %jit3A_1613 : f32 to vector<16xf32>
      %select_n3A_1616 = arith.select %ne3A_1611, %broadcast_in_dim3A_1614, %broadcast_in_dim3A_1615 : vector<16xi1>, vector<16xf32>
      %add3A_1617 = arith.addf %add3A_1604, %select_n3A_1616 : vector<16xf32>
      %add3A_1618 = arith.constant 80 : i32
      %add3A_1619 = arith.addi %mul3A_1552, %add3A_1618 : i32
      %get3A_1620 = arith.index_cast %add3A_1619 : i32 to index
      %get3A_1621 = tpu.vector_load %arg5[%get3A_1620] {strides = array<i32>} : memref<25600xi32, #tpu.memory_space<vmem>>, vector<16xi32>,
      %ne3A_1622 = arith.constant 0 : i32
      %ne3A_1623 = vector.broadcast %ne3A_1622 : i32 to vector<16xi32>
      %ne3A_1624 = arith.cmpi ne, %get3A_1621, %ne3A_1623 : vector<16xi32>
      %jit3A_1625 = arith.constant 1.000000e+00 : f32
      %jit3A_1626 = arith.constant 0.000000e+00 : f32
      %broadcast_in_dim3A_1627 = vector.broadcast %jit3A_1625 : f32 to vector<16xf32>
      %broadcast_in_dim3A_1628 = vector.broadcast %jit3A_1626 : f32 to vector<16xf32>
      %select_n3A_1629 = arith.select %ne3A_1624, %broadcast_in_dim3A_1627, %broadcast_in_dim3A_1628 : vector<16xi1>, vector<16xf32>
      %add3A_1630 = arith.addf %add3A_1617, %select_n3A_1629 : vector<16xf32>
      %add3A_1631 = arith.constant 96 : i32
      %add3A_1632 = arith.addi %mul3A_1552, %add3A_1631 : i32
      %get3A_1633 = arith.index_cast %add3A_1632 : i32 to index
      %get3A_1634 = tpu.vector_load %arg5[%get3A_1633] {strides = array<i32>} : memref<25600xi32, #tpu.memory_space<vmem>>, vector<16xi32>,
      %ne3A_1635 = arith.constant 0 : i32
      %ne3A_1636 = vector.broadcast %ne3A_1635 : i32 to vector<16xi32>
      %ne3A_1637 = arith.cmpi ne, %get3A_1634, %ne3A_1636 : vector<16xi32>
      %jit3A_1638 = arith.constant 1.000000e+00 : f32
      %jit3A_1639 = arith.constant 0.000000e+00 : f32
      %broadcast_in_dim3A_1640 = vector.broadcast %jit3A_1638 : f32 to vector<16xf32>
      %broadcast_in_dim3A_1641 = vector.broadcast %jit3A_1639 : f32 to vector<16xf32>
      %select_n3A_1642 = arith.select %ne3A_1637, %broadcast_in_dim3A_1640, %broadcast_in_dim3A_1641 : vector<16xi1>, vector<16xf32>
      %add3A_1643 = arith.addf %add3A_1630, %select_n3A_1642 : vector<16xf32>
      %add3A_1644 = arith.constant 112 : i32
      %add3A_1645 = arith.addi %mul3A_1552, %add3A_1644 : i32
      %get3A_1646 = arith.index_cast %add3A_1645 : i32 to index
      %get3A_1647 = tpu.vector_load %arg5[%get3A_1646] {strides = array<i32>} : memref<25600xi32, #tpu.memory_space<vmem>>, vector<16xi32>,
      %ne3A_1648 = arith.constant 0 : i32
      %ne3A_1649 = vector.broadcast %ne3A_1648 : i32 to vector<16xi32>
      %ne3A_1650 = arith.cmpi ne, %get3A_1647, %ne3A_1649 : vector<16xi32>
      %jit3A_1651 = arith.constant 1.000000e+00 : f32
      %jit3A_1652 = arith.constant 0.000000e+00 : f32
      %broadcast_in_dim3A_1653 = vector.broadcast %jit3A_1651 : f32 to vector<16xf32>
      %broadcast_in_dim3A_1654 = vector.broadcast %jit3A_1652 : f32 to vector<16xf32>
      %select_n3A_1655 = arith.select %ne3A_1650, %broadcast_in_dim3A_1653, %broadcast_in_dim3A_1654 : vector<16xi1>, vector<16xf32>
      %add3A_1656 = arith.addf %add3A_1643, %select_n3A_1655 : vector<16xf32>
      %add3A_1657 = arith.constant 128 : i32
      %add3A_1658 = arith.addi %mul3A_1552, %add3A_1657 : i32
      %get3A_1659 = arith.index_cast %add3A_1658 : i32 to index
      %get3A_1660 = tpu.vector_load %arg5[%get3A_1659] {strides = array<i32>} : memref<25600xi32, #tpu.memory_space<vmem>>, vector<16xi32>,
      %ne3A_1661 = arith.constant 0 : i32
      %ne3A_1662 = vector.broadcast %ne3A_1661 : i32 to vector<16xi32>
      %ne3A_1663 = arith.cmpi ne, %get3A_1660, %ne3A_1662 : vector<16xi32>
      %jit3A_1664 = arith.constant 1.000000e+00 : f32
      %jit3A_1665 = arith.constant 0.000000e+00 : f32
      %broadcast_in_dim3A_1666 = vector.broadcast %jit3A_1664 : f32 to vector<16xf32>
      %broadcast_in_dim3A_1667 = vector.broadcast %jit3A_1665 : f32 to vector<16xf32>
      %select_n3A_1668 = arith.select %ne3A_1663, %broadcast_in_dim3A_1666, %broadcast_in_dim3A_1667 : vector<16xi1>, vector<16xf32>
      %add3A_1669 = arith.addf %add3A_1656, %select_n3A_1668 : vector<16xf32>
      %add3A_1670 = arith.constant 144 : i32
      %add3A_1671 = arith.addi %mul3A_1552, %add3A_1670 : i32
      %get3A_1672 = arith.index_cast %add3A_1671 : i32 to index
      %get3A_1673 = tpu.vector_load %arg5[%get3A_1672] {strides = array<i32>} : memref<25600xi32, #tpu.memory_space<vmem>>, vector<16xi32>,
      %ne3A_1674 = arith.constant 0 : i32
      %ne3A_1675 = vector.broadcast %ne3A_1674 : i32 to vector<16xi32>
      %ne3A_1676 = arith.cmpi ne, %get3A_1673, %ne3A_1675 : vector<16xi32>
      %jit3A_1677 = arith.constant 1.000000e+00 : f32
      %jit3A_1678 = arith.constant 0.000000e+00 : f32
      %broadcast_in_dim3A_1679 = vector.broadcast %jit3A_1677 : f32 to vector<16xf32>
      %broadcast_in_dim3A_1680 = vector.broadcast %jit3A_1678 : f32 to vector<16xf32>
      %select_n3A_1681 = arith.select %ne3A_1676, %broadcast_in_dim3A_1679, %broadcast_in_dim3A_1680 : vector<16xi1>, vector<16xf32>
      %add3A_1682 = arith.addf %add3A_1669, %select_n3A_1681 : vector<16xf32>
      %add3A_1683 = arith.constant 160 : i32
      %add3A_1684 = arith.addi %mul3A_1552, %add3A_1683 : i32
      %get3A_1685 = arith.index_cast %add3A_1684 : i32 to index
      %get3A_1686 = tpu.vector_load %arg5[%get3A_1685] {strides = array<i32>} : memref<25600xi32, #tpu.memory_space<vmem>>, vector<16xi32>,
      %ne3A_1687 = arith.constant 0 : i32
      %ne3A_1688 = vector.broadcast %ne3A_1687 : i32 to vector<16xi32>
      %ne3A_1689 = arith.cmpi ne, %get3A_1686, %ne3A_1688 : vector<16xi32>
      %jit3A_1690 = arith.constant 1.000000e+00 : f32
      %jit3A_1691 = arith.constant 0.000000e+00 : f32
      %broadcast_in_dim3A_1692 = vector.broadcast %jit3A_1690 : f32 to vector<16xf32>
      %broadcast_in_dim3A_1693 = vector.broadcast %jit3A_1691 : f32 to vector<16xf32>
      %select_n3A_1694 = arith.select %ne3A_1689, %broadcast_in_dim3A_1692, %broadcast_in_dim3A_1693 : vector<16xi1>, vector<16xf32>
      %add3A_1695 = arith.addf %add3A_1682, %select_n3A_1694 : vector<16xf32>
      %add3A_1696 = arith.constant 176 : i32
      %add3A_1697 = arith.addi %mul3A_1552, %add3A_1696 : i32
      %get3A_1698 = arith.index_cast %add3A_1697 : i32 to index
      %get3A_1699 = tpu.vector_load %arg5[%get3A_1698] {strides = array<i32>} : memref<25600xi32, #tpu.memory_space<vmem>>, vector<16xi32>,
      %ne3A_1700 = arith.constant 0 : i32
      %ne3A_1701 = vector.broadcast %ne3A_1700 : i32 to vector<16xi32>
      %ne3A_1702 = arith.cmpi ne, %get3A_1699, %ne3A_1701 : vector<16xi32>
      %jit3A_1703 = arith.constant 1.000000e+00 : f32
      %jit3A_1704 = arith.constant 0.000000e+00 : f32
      %broadcast_in_dim3A_1705 = vector.broadcast %jit3A_1703 : f32 to vector<16xf32>
      %broadcast_in_dim3A_1706 = vector.broadcast %jit3A_1704 : f32 to vector<16xf32>
      %select_n3A_1707 = arith.select %ne3A_1702, %broadcast_in_dim3A_1705, %broadcast_in_dim3A_1706 : vector<16xi1>, vector<16xf32>
      %add3A_1708 = arith.addf %add3A_1695, %select_n3A_1707 : vector<16xf32>
      %add3A_1709 = arith.constant 200 : i32
      %add3A_1710 = arith.addi %mul3A_1552, %add3A_1709 : i32
      %sub3A_1711 = arith.constant 16 : i32
      %sub3A_1712 = arith.subi %add3A_1710, %sub3A_1711 : i32
      %get3A_1713 = arith.index_cast %sub3A_1712 : i32 to index
      %get3A_1714 = tpu.vector_load %arg5[%get3A_1713] {strides = array<i32>} : memref<25600xi32, #tpu.memory_space<vmem>>, vector<16xi32>,
      %ne3A_1715 = arith.constant 0 : i32
      %ne3A_1716 = vector.broadcast %ne3A_1715 : i32 to vector<16xi32>
      %ne3A_1717 = arith.cmpi ne, %get3A_1714, %ne3A_1716 : vector<16xi32>
      %ge3A_1718 = arith.constant 8 : i32
      %ge3A_1719 = vector.broadcast %ge3A_1718 : i32 to vector<16xi32>
      %ge3A_1720 = arith.cmpi sge, %iota3A, %ge3A_1719 : vector<16xi32>
      %and3A_1721 = arith.andi %ne3A_1717, %ge3A_1720 : vector<16xi1>
      %jit3A_1722 = arith.constant 1.000000e+00 : f32
      %jit3A_1723 = arith.constant 0.000000e+00 : f32
      %broadcast_in_dim3A_1724 = vector.broadcast %jit3A_1722 : f32 to vector<16xf32>
      %broadcast_in_dim3A_1725 = vector.broadcast %jit3A_1723 : f32 to vector<16xf32>
      %select_n3A_1726 = arith.select %and3A_1721, %broadcast_in_dim3A_1724, %broadcast_in_dim3A_1725 : vector<16xi1>, vector<16xf32>
      %add3A_1727 = arith.addf %add3A_1708, %select_n3A_1726 : vector<16xf32>
      %reduce_sum3A_1728 = arith.constant true
      %reduce_sum3A_1729 = vector.broadcast %reduce_sum3A_1728 : i1 to vector<16xi1>
      %reduce_sum3A_1730 = tpu.scan <sum>, %add3A_1727 masked %reduce_sum3A_1729 : vector<16xf32>, vector<16xi1> -> vector<16xf32>
      %reduce_sum3A_1731 = vector.extract %reduce_sum3A_1730[15] : f32 from vector<16xf32>
      %broadcast_in_dim3A_1732 = vector.broadcast %reduce_sum3A_1731 : f32 to vector<16xf32>
      %max3A_1733 = arith.maximumf %broadcast_in_dim3A_1732, %broadcast_in_dim3A_3 : vector<16xf32>
      %div3A_1734 = arith.constant 1.000000e+00 : f32
      %div3A_1735 = vector.broadcast %div3A_1734 : f32 to vector<16xf32>
      %div3A_1736 = arith.divf %div3A_1735, %max3A_1733 : vector<16xf32>
      %mul3A_1737 = arith.mulf %add3A_1549, %div3A_1736 : vector<16xf32>
      %swap3A_1738 = arith.index_cast %add3A_1548 : i32 to index
      %swap3A_1739 = arith.constant 0 : index
      %swap3A_1740 = tpu.vector_load %arg8[%swap3A_1738, %swap3A_1739] {strides = array<i32>} : memref<128x32xf32, #tpu.memory_space<vmem>>, vector<16xf32>,
      tpu.vector_store %arg8[%swap3A_1738, %swap3A_1739], %mul3A_1737 {strides = array<i32>} : memref<128x32xf32, #tpu.memory_space<vmem>>, vector<16xf32>,
      %mul3A_1741 = arith.mulf %add3A_1550, %div3A_1736 : vector<16xf32>
      %swap3A_1742 = arith.index_cast %add3A_1548 : i32 to index
      %swap3A_1743 = arith.constant 16 : index
      %swap3A_1744 = tpu.vector_load %arg8[%swap3A_1742, %swap3A_1743] {strides = array<i32>} : memref<128x32xf32, #tpu.memory_space<vmem>>, vector<16xf32>,
      tpu.vector_store %arg8[%swap3A_1742, %swap3A_1743], %mul3A_1741 {strides = array<i32>} : memref<128x32xf32, #tpu.memory_space<vmem>>, vector<16xf32>,
      %add3A_1745 = arith.constant 3 : i32
      %add3A_1746 = arith.addi %mul3A_126, %add3A_1745 : i32
      %lt3A_1747 = arith.constant 32 : i32
      %lt3A_1748 = arith.cmpi slt, %add3A_1746, %lt3A_1747 : i32
      %convert_element_type3A_1749 = arith.extui %lt3A_1748 : i1 to i32
      %cond3A_1750 = arith.constant 0 : i32
      %cond3A_1751 = arith.cmpi ne, %convert_element_type3A_1749, %cond3A_1750 : i32
      scf.if %cond3A_1751 {
        %add3A_1753 = arith.constant 3 : i32
        %add3A_1754 = arith.addi %mul3A_126, %add3A_1753 : i32
        %mul3A_1755 = arith.constant 800 : i32
        %mul3A_1756 = arith.muli %add3A_1754, %mul3A_1755 : i32
        %add3A_1757 = arith.constant 0 : i32
        %add3A_1758 = arith.addi %mul3A_1756, %add3A_1757 : i32
        %dma_start3A_1759 = arith.constant 0 : i32
        %dma_start3A_1760 = arith.constant 0 : i32
        %dma_start3A_1761 = tpu.memref_slice %arg7[%dma_start3A_1759, %dma_start3A_1760] : memref<800x32xf32, #tpu.memory_space<vmem>> -> memref<128x32xf32, #tpu.memory_space<vmem>>
        %dma_start3A_1762 = tpu.memref_slice %arg5[%add3A_1758] : memref<25600xi32, #tpu.memory_space<vmem>> -> memref<128xi32, #tpu.memory_space<vmem>>
        %dma_start3A_1763 = arith.constant 0 : i32
        %dma_start3A_1764 = arith.constant 0 : i32
        %dma_start3A_1765 = tpu.memref_slice %arg3[%dma_start3A_1763, %dma_start3A_1764] : memref<1048576x32xf32, #tpu.memory_space<hbm>> -> memref<1048576x32xf32, #tpu.memory_space<hbm>>
        tpu.enqueue_indirect_dma source(%dma_start3A_1765 : memref<1048576x32xf32, #tpu.memory_space<hbm>>) target(%dma_start3A_1761 : memref<128x32xf32, #tpu.memory_space<vmem>>) offsets(%dma_start3A_1762 : memref<128xi32, #tpu.memory_space<vmem>>) semaphore(%arg10 : memref<!tpu.dma_semaphore, #tpu.memory_space<semaphore_mem>>)
        %add3A_1766 = arith.constant 128 : i32
        %add3A_1767 = arith.addi %mul3A_1756, %add3A_1766 : i32
        %dma_start3A_1768 = arith.constant 128 : i32
        %dma_start3A_1769 = arith.constant 0 : i32
        %dma_start3A_1770 = tpu.memref_slice %arg7[%dma_start3A_1768, %dma_start3A_1769] : memref<800x32xf32, #tpu.memory_space<vmem>> -> memref<128x32xf32, #tpu.memory_space<vmem>>
        %dma_start3A_1771 = tpu.memref_slice %arg5[%add3A_1767] : memref<25600xi32, #tpu.memory_space<vmem>> -> memref<128xi32, #tpu.memory_space<vmem>>
        %dma_start3A_1772 = arith.constant 0 : i32
        %dma_start3A_1773 = arith.constant 0 : i32
        %dma_start3A_1774 = tpu.memref_slice %arg3[%dma_start3A_1772, %dma_start3A_1773] : memref<1048576x32xf32, #tpu.memory_space<hbm>> -> memref<1048576x32xf32, #tpu.memory_space<hbm>>
        tpu.enqueue_indirect_dma source(%dma_start3A_1774 : memref<1048576x32xf32, #tpu.memory_space<hbm>>) target(%dma_start3A_1770 : memref<128x32xf32, #tpu.memory_space<vmem>>) offsets(%dma_start3A_1771 : memref<128xi32, #tpu.memory_space<vmem>>) semaphore(%arg10 : memref<!tpu.dma_semaphore, #tpu.memory_space<semaphore_mem>>)
        %add3A_1775 = arith.constant 256 : i32
        %add3A_1776 = arith.addi %mul3A_1756, %add3A_1775 : i32
        %dma_start3A_1777 = arith.constant 256 : i32
        %dma_start3A_1778 = arith.constant 0 : i32
        %dma_start3A_1779 = tpu.memref_slice %arg7[%dma_start3A_1777, %dma_start3A_1778] : memref<800x32xf32, #tpu.memory_space<vmem>> -> memref<128x32xf32, #tpu.memory_space<vmem>>
        %dma_start3A_1780 = tpu.memref_slice %arg5[%add3A_1776] : memref<25600xi32, #tpu.memory_space<vmem>> -> memref<128xi32, #tpu.memory_space<vmem>>
        %dma_start3A_1781 = arith.constant 0 : i32
        %dma_start3A_1782 = arith.constant 0 : i32
        %dma_start3A_1783 = tpu.memref_slice %arg3[%dma_start3A_1781, %dma_start3A_1782] : memref<1048576x32xf32, #tpu.memory_space<hbm>> -> memref<1048576x32xf32, #tpu.memory_space<hbm>>
        tpu.enqueue_indirect_dma source(%dma_start3A_1783 : memref<1048576x32xf32, #tpu.memory_space<hbm>>) target(%dma_start3A_1779 : memref<128x32xf32, #tpu.memory_space<vmem>>) offsets(%dma_start3A_1780 : memref<128xi32, #tpu.memory_space<vmem>>) semaphore(%arg10 : memref<!tpu.dma_semaphore, #tpu.memory_space<semaphore_mem>>)
        %add3A_1784 = arith.constant 384 : i32
        %add3A_1785 = arith.addi %mul3A_1756, %add3A_1784 : i32
        %dma_start3A_1786 = arith.constant 384 : i32
        %dma_start3A_1787 = arith.constant 0 : i32
        %dma_start3A_1788 = tpu.memref_slice %arg7[%dma_start3A_1786, %dma_start3A_1787] : memref<800x32xf32, #tpu.memory_space<vmem>> -> memref<128x32xf32, #tpu.memory_space<vmem>>
        %dma_start3A_1789 = tpu.memref_slice %arg5[%add3A_1785] : memref<25600xi32, #tpu.memory_space<vmem>> -> memref<128xi32, #tpu.memory_space<vmem>>
        %dma_start3A_1790 = arith.constant 0 : i32
        %dma_start3A_1791 = arith.constant 0 : i32
        %dma_start3A_1792 = tpu.memref_slice %arg3[%dma_start3A_1790, %dma_start3A_1791] : memref<1048576x32xf32, #tpu.memory_space<hbm>> -> memref<1048576x32xf32, #tpu.memory_space<hbm>>
        tpu.enqueue_indirect_dma source(%dma_start3A_1792 : memref<1048576x32xf32, #tpu.memory_space<hbm>>) target(%dma_start3A_1788 : memref<128x32xf32, #tpu.memory_space<vmem>>) offsets(%dma_start3A_1789 : memref<128xi32, #tpu.memory_space<vmem>>) semaphore(%arg10 : memref<!tpu.dma_semaphore, #tpu.memory_space<semaphore_mem>>)
        %add3A_1793 = arith.constant 512 : i32
        %add3A_1794 = arith.addi %mul3A_1756, %add3A_1793 : i32
        %dma_start3A_1795 = arith.constant 512 : i32
        %dma_start3A_1796 = arith.constant 0 : i32
        %dma_start3A_1797 = tpu.memref_slice %arg7[%dma_start3A_1795, %dma_start3A_1796] : memref<800x32xf32, #tpu.memory_space<vmem>> -> memref<128x32xf32, #tpu.memory_space<vmem>>
        %dma_start3A_1798 = tpu.memref_slice %arg5[%add3A_1794] : memref<25600xi32, #tpu.memory_space<vmem>> -> memref<128xi32, #tpu.memory_space<vmem>>
        %dma_start3A_1799 = arith.constant 0 : i32
        %dma_start3A_1800 = arith.constant 0 : i32
        %dma_start3A_1801 = tpu.memref_slice %arg3[%dma_start3A_1799, %dma_start3A_1800] : memref<1048576x32xf32, #tpu.memory_space<hbm>> -> memref<1048576x32xf32, #tpu.memory_space<hbm>>
        tpu.enqueue_indirect_dma source(%dma_start3A_1801 : memref<1048576x32xf32, #tpu.memory_space<hbm>>) target(%dma_start3A_1797 : memref<128x32xf32, #tpu.memory_space<vmem>>) offsets(%dma_start3A_1798 : memref<128xi32, #tpu.memory_space<vmem>>) semaphore(%arg10 : memref<!tpu.dma_semaphore, #tpu.memory_space<semaphore_mem>>)
        %add3A_1802 = arith.constant 640 : i32
        %add3A_1803 = arith.addi %mul3A_1756, %add3A_1802 : i32
        %dma_start3A_1804 = arith.constant 640 : i32
        %dma_start3A_1805 = arith.constant 0 : i32
        %dma_start3A_1806 = tpu.memref_slice %arg7[%dma_start3A_1804, %dma_start3A_1805] : memref<800x32xf32, #tpu.memory_space<vmem>> -> memref<128x32xf32, #tpu.memory_space<vmem>>
        %dma_start3A_1807 = tpu.memref_slice %arg5[%add3A_1803] : memref<25600xi32, #tpu.memory_space<vmem>> -> memref<128xi32, #tpu.memory_space<vmem>>
        %dma_start3A_1808 = arith.constant 0 : i32
        %dma_start3A_1809 = arith.constant 0 : i32
        %dma_start3A_1810 = tpu.memref_slice %arg3[%dma_start3A_1808, %dma_start3A_1809] : memref<1048576x32xf32, #tpu.memory_space<hbm>> -> memref<1048576x32xf32, #tpu.memory_space<hbm>>
        tpu.enqueue_indirect_dma source(%dma_start3A_1810 : memref<1048576x32xf32, #tpu.memory_space<hbm>>) target(%dma_start3A_1806 : memref<128x32xf32, #tpu.memory_space<vmem>>) offsets(%dma_start3A_1807 : memref<128xi32, #tpu.memory_space<vmem>>) semaphore(%arg10 : memref<!tpu.dma_semaphore, #tpu.memory_space<semaphore_mem>>)
        %add3A_1811 = arith.constant 768 : i32
        %add3A_1812 = arith.addi %mul3A_1756, %add3A_1811 : i32
        %dma_start3A_1813 = arith.constant 768 : i32
        %dma_start3A_1814 = arith.constant 0 : i32
        %dma_start3A_1815 = tpu.memref_slice %arg7[%dma_start3A_1813, %dma_start3A_1814] : memref<800x32xf32, #tpu.memory_space<vmem>> -> memref<32x32xf32, #tpu.memory_space<vmem>>
        %dma_start3A_1816 = tpu.memref_slice %arg5[%add3A_1812] : memref<25600xi32, #tpu.memory_space<vmem>> -> memref<32xi32, #tpu.memory_space<vmem>>
        %dma_start3A_1817 = arith.constant 0 : i32
        %dma_start3A_1818 = arith.constant 0 : i32
        %dma_start3A_1819 = tpu.memref_slice %arg3[%dma_start3A_1817, %dma_start3A_1818] : memref<1048576x32xf32, #tpu.memory_space<hbm>> -> memref<1048576x32xf32, #tpu.memory_space<hbm>>
        tpu.enqueue_indirect_dma source(%dma_start3A_1819 : memref<1048576x32xf32, #tpu.memory_space<hbm>>) target(%dma_start3A_1815 : memref<32x32xf32, #tpu.memory_space<vmem>>) offsets(%dma_start3A_1816 : memref<32xi32, #tpu.memory_space<vmem>>) semaphore(%arg10 : memref<!tpu.dma_semaphore, #tpu.memory_space<semaphore_mem>>)
      } else {
      }
      %scan3A_1752 = arith.constant 0 : i32
      scf.yield %scan3A_1752 : i32
    }
    %scan3A_120 = arith.constant 16 : i32
    %mul3A_121 = arith.constant 128 : i32
    %mul3A_122 = arith.muli %add3A, %mul3A_121 : i32
    "tpu.region"() ({
      %run_scoped3A = tpu.sem_alloc : memref<!tpu.dma_semaphore, #tpu.memory_space<semaphore_mem>>
      %dma_start3A_123 = arith.constant 0 : i32
      %dma_start3A_124 = tpu.memref_slice %arg4[%mul3A_122, %dma_start3A_123] : memref<4096x32xf32, #tpu.memory_space<hbm>> -> memref<128x32xf32, #tpu.memory_space<hbm>>
      %dma_start3A_125 = arith.constant 0 : i32
      %dma_start3A_126 = tpu.memref_slice %arg4[%mul3A_122, %dma_start3A_125] : memref<4096x32xf32, #tpu.memory_space<hbm>> -> memref<128x32xf32, #tpu.memory_space<hbm>>
      tpu.enqueue_dma source(%arg8 : memref<128x32xf32, #tpu.memory_space<vmem>>) target(%dma_start3A_126 : memref<128x32xf32, #tpu.memory_space<hbm>>) target_semaphore(%run_scoped3A : memref<!tpu.dma_semaphore, #tpu.memory_space<semaphore_mem>>)
      %dma_wait3A = arith.constant 0 : i32
      %dma_wait3A_127 = tpu.memref_slice %arg4[%mul3A_122, %dma_wait3A] : memref<4096x32xf32, #tpu.memory_space<hbm>> -> memref<128x32xf32, #tpu.memory_space<hbm>>
      %dma_wait3A_128 = arith.constant 0 : i32
      %dma_wait3A_129 = tpu.memref_slice %arg4[%mul3A_122, %dma_wait3A_128] : memref<4096x32xf32, #tpu.memory_space<hbm>> -> memref<128x32xf32, #tpu.memory_space<hbm>>
      tpu.wait_dma2 semaphore(%run_scoped3A : memref<!tpu.dma_semaphore, #tpu.memory_space<semaphore_mem>>) src(%arg8 : memref<128x32xf32, #tpu.memory_space<vmem>>) dst(%dma_wait3A_129 : memref<128x32xf32, #tpu.memory_space<hbm>>)
      tpu.yield
    }) : () -> ()
    return
  }
}

</mosaic_0001>

<sc_bundles>
// kernel: _sc_call.3.cloned.1.call-start
scs
__scs_entry_jumppad:
0x0: {  	(pc) =	sbr.rel $0x88, $3  }
0x1: {  	(tag) =	ssettag $0x0;
	lr =	simm.s32 $0x1  }
0x2: {  	[smem:$0x3F9F] =	sst lr;
	_ =	strace $0xD0000000  }
0x3: {  	_ = 	snop  }
0x4: {  	_ = 	snop  }
0x5: {  	_ = 	snop  }
0x6: {  	_ = 	snop  }
0x7: {  	_ = 	snop  }
__scs_overlays_trampoline_lowered:
0x8: {  	[smem:$0x3FAE] =	sst s0  }
0x9: {  	[smem:$0x3FAF] =	sst s1  }
0xa: {  	[smem:$0x3FB0] =	sst s2  }
0xb: {  	[smem:$0x3FB1] =	sst s3  }
0xc: {  	[smem:$0x3FB2] =	sst s4  }
0xd: {  	[smem:$0x3FB3] =	sst s5  }
0xe: {  	[smem:$0x3FB4] =	sst s6  }
0xf: {  	[smem:$0x3FB5] =	sst s7  }
0x10: {  	[smem:$0x3FB6] =	sst s8  }
0x11: {  	[smem:$0x3FB7] =	sst s9;
	s0 =	simm.s32 @!p0 $0x0  }
0x12: {  	s1 =	sld [smem:$0x3F9D];
	s0 =	simm.s32 @p0 $0x1  }
0x13: {  	[smem:$0x3FB8] =	sst s0;
	s0 =	simm.s32 @!p1 $0x0  }
0x14: {  	s2 =	sld [smem:$0x3F9C];
	s0 =	simm.s32 @p1 $0x1  }
0x15: {  	[smem:$0x3FB9] =	sst s0;
	s0 =	simm.s32 @!p2 $0x0  }
0x16: {  	s3 =	sld [smem:$0x3FDB];
	s0 =	simm.s32 @p2 $0x1  }
0x17: {  	s4 =	simm.s32 $0x1BF5;
	[smem:$0x3FBB] =	sst s0  }
0x18: {  	s0 =	sld [smem:$0x3F9E];
	_ =	swait.ge [sflag:s4], $0x0  }
0x19: {  	s7 =	sld [smem:$0x3F9F]  }
0x1a: {  	s8 =	sadd.s32 $0xFFFFE003, lr  }
0x1b: {  	s9 =	sadd.s32 $0xFFFFFEF7, lr;
	s5 =	simm.s32 $0xFFFFFFFF;
	p2 =	slt.u32 s8, $0xFFFFF086  }
0x1c: {  	p1 =	slt.u32 s9, $0xF7A;
	s5 =	simm.s32 @!p2 $0x0  }
0x1d: {  	s5 =	simm.s32 @p1 $0x1;
	p0 =	seq.s32 s7, s2  }
0x1e: {  	s7 =	smul.u32 @!p0 $0xF7A, s2;
	p2 =	seq.s32 @!p0 s5, $0x0  }
0x1f: {  	s9 =	smul.u32 $0xF7A, s1;
	s8 =	simm.s32 @!p0 $0x1BF5;
	p2 =	por !p2, p0  }
0x20: {  	[sflag:s8] =	ssyncset.s32 @!p0 $0xFFFFF086;
	s6 =	sadd.s32 @!p0 s3, s7;
	s7 =	simm.s32 @!p0 $0x108  }
0x21: {  	s3 =	sadd.s32 s3, s9;
	s6 =	sadd.s32 @!p0 $0x88, s6;
	s7 =	simm.s32 @p2 $0x1082  }
0x22: {  	[simem:s7], [sflag:s8] =	dma.local @!p0 [hbm:s6], $0xF7A  }
0x23: {  	s9 =	sor.u32 $0xD0000000, s2;
	s6 =	simm.s32 $0x108;
	_ =	swait.ge @!p0 [sflag:s8], $0x0  }
0x24: {  	s3 =	sadd.s32 $0x88, s3;
	s6 =	simm.s32 @!p1 $0x1082;
	[sflag:s4] =	ssyncset.s32 $0xFFFFF086  }
0x25: {  	[simem:s6], [sflag:s4] =	dma.local [hbm:s3], $0xF7A  }
0x26: {  	[smem:$0x3F9F] =	sst s1;
	(tag) =	ssettag s2;
	_ =	strace s9  }
0x27: {  	s1 =	sld [smem:$0x3FAF]  }
0x28: {  	s2 =	sld [smem:$0x3FB0]  }
0x29: {  	s4 =	sld [smem:$0x3FB2]  }
0x2a: {  	p0 =	seq.s32 s5, $0x0;
	s5 =	sld [smem:$0x3FB3]  }
0x2b: {  	s6 =	sld [smem:$0x3FB4]  }
0x2c: {  	s7 =	sld [smem:$0x3FB5]  }
0x2d: {  	s3 =	simm.s32 $0x108;
	s8 =	sld [smem:$0x3FB6]  }
0x2e: {  	s3 =	simm.s32 @!p0 $0x1082;
	s9 =	sld [smem:$0x3FB7]  }
0x2f: {  	lr =	sadd.s32 s0, s3;
	s0 =	sld [smem:$0x3FAE]  }
0x30: {  	s3 =	sld [smem:$0x3FB1]  }
0x31: {  	[smem:$0x3FBA] =	sst s10  }
0x32: {  	s10 =	sld [smem:$0x3FB8];
	_ =	sdelay $0x3  }
0x33: {  	p0 =	seq.s32 s10, $0x1;
	s10 =	sld [smem:$0x3FBA];
	_ =	sdelay $0x3  }
0x34: {  	[smem:$0x3FBA] =	sst s10  }
0x35: {  	s10 =	sld [smem:$0x3FB9];
	_ =	sdelay $0x3  }
0x36: {  	p1 =	seq.s32 s10, $0x1;
	s10 =	sld [smem:$0x3FBA];
	_ =	sdelay $0x3  }
0x37: {  	[smem:$0x3FBA] =	sst s10  }
0x38: {  	s10 =	sld [smem:$0x3FBB]  }
0x39: {  	_ = 	snop;
	(pc) =	sbr.ind lr, $3  }
0x3a: {  	_ = 	snop  }
0x3b: {  	_ = 	snop  }
0x3c: {  	p2 =	seq.s32 s10, $0x1;
	s10 =	sld [smem:$0x3FBA]  }
0x3d: {  	_ =	shalt  }
0x3e: {  	_ =	shalt  }
0x3f: {  	_ =	shalt  }
0x40: {  	_ =	shalt  }
0x41: {  	_ =	shalt  }
0x42: {  	_ =	shalt  }
0x43: {  	_ =	shalt  }
0x44: {  	_ =	shalt  }
0x45: {  	_ =	shalt  }
0x46: {  	_ =	shalt  }
0x47: {  	_ =	shalt  }
0x48: {  	_ =	shalt  }
0x49: {  	_ =	shalt  }
0x4a: {  	_ =	shalt  }
0x4b: {  	_ =	shalt  }
0x4c: {  	_ =	shalt  }
0x4d: {  	_ =	shalt  }
0x4e: {  	_ =	shalt  }
0x4f: {  	_ =	shalt  }
0x50: {  	_ =	shalt  }
0x51: {  	_ =	shalt  }
0x52: {  	_ =	shalt  }
0x53: {  	_ =	shalt  }
0x54: {  	_ =	shalt  }
0x55: {  	_ =	shalt  }
0x56: {  	_ =	shalt  }
0x57: {  	_ =	shalt  }
0x58: {  	_ =	shalt  }
0x59: {  	_ =	shalt  }
0x5a: {  	_ =	shalt  }
0x5b: {  	_ =	shalt  }
0x5c: {  	_ =	shalt  }
0x5d: {  	_ =	shalt  }
0x5e: {  	_ =	shalt  }
0x5f: {  	_ =	shalt  }
0x60: {  	_ =	shalt  }
0x61: {  	_ =	shalt  }
0x62: {  	_ =	shalt  }
0x63: {  	_ =	shalt  }
0x64: {  	_ =	shalt  }
0x65: {  	_ =	shalt  }
0x66: {  	_ =	shalt  }
0x67: {  	_ =	shalt  }
0x68: {  	_ =	shalt  }
0x69: {  	_ =	shalt  }
0x6a: {  	_ =	shalt  }
0x6b: {  	_ =	shalt  }
0x6c: {  	_ =	shalt  }
0x6d: {  	_ =	shalt  }
0x6e: {  	_ =	shalt  }
0x6f: {  	_ =	shalt  }
0x70: {  	_ =	shalt  }
0x71: {  	_ =	shalt  }
0x72: {  	_ =	shalt  }
0x73: {  	_ =	shalt  }
0x74: {  	_ =	shalt  }
0x75: {  	_ =	shalt  }
0x76: {  	_ =	shalt  }
0x77: {  	_ =	shalt  }
0x78: {  	_ =	shalt  }
0x79: {  	_ =	shalt  }
0x7a: {  	_ =	shalt  }
0x7b: {  	_ =	shalt  }
0x7c: {  	_ =	shalt  }
0x7d: {  	_ =	shalt  }
0x7e: {  	_ =	shalt  }
0x7f: {  	_ =	shalt  }
0x80: {  	_ =	shalt  }
0x81: {  	_ =	shalt  }
0x82: {  	_ =	shalt  }
0x83: {  	_ =	shalt  }
0x84: {  	_ =	shalt  }
0x85: {  	_ =	shalt  }
0x86: {  	_ =	shalt  }
0x87: {  	_ =	shalt  }
.Lfunc_end0:
.L_simem_size_0:
called_computation_lowered:
.L_overlay_start_0:
0x88: {  	s2 =	sld [smem:$0x3FD9]  }
0x89: {  	s3 =	sld [smem:$0x3FFE];
	_ =	sdelay $0x1  }
0x8a: {  	s1 =	srdreg.scid  }
0x8b: {  	s0 =	sand.u32 $0x1, s1  }
0x8c: {  	s17 =	sshll.u32 s0, $0xA;
	s2 =	sadd.s32 s3, s2  }
0x8d: {  	s2 =	sadd.s32 s2, s17  }
0x8e: {  	[smem:$0x3FC6] =	sst s2  }
0x8f: {  	_ = 	snop  }
0x90: {  	s2 =	sld [smem:$0x3FD0];
	(tm) =	ssettm $0x1  }
0x91: {  	s18 =	sld [smem:$0x3FFB];
	_ =	sdelay $0x3  }
0x92: {  	_ =	strace s18  }
0x93: {  	s3 =	sld [smem:$0x3FFC];
	_ =	sdelay $0x3  }
0x94: {  	_ =	strace s3  }
0x95: {  	s3 =	sld [smem:$0x3FFD];
	_ =	sdelay $0x3  }
0x96: {  	_ =	strace s3  }
0x97: {  	_ =	strace $0x8FFFFFFF  }
0x98: {  	s19 =	sld [smem:$0x3FDB];
	_ =	sdelay $0x1  }
0x99: {  	s4 =	simm.s32 $_scs_section_size  }
0x9a: {  	s5 =	simm.s32 $_size__tile_overlayer_lowered;
	s6 =	simm.s32 $_tile_overlayer_lowered  }
0x9b: {  	s22 =	simm.s32 $0x1BFF;
	s21 =	sshll.u32 s6, $0x1;
	s3 =	sadd.s32 s4, s19  }
0x9c: {  	s7 =	simm.s32 $0x0;
	s20 =	sshll.u32 s5, $0x1;
	s5 =	sadd.s32 s21, s3  }
0x9d: {  	[timem:s7], [sflag:s22] =	dma.local [hbm:s5], s20  }
0x9e: {  	_ =	swait.ge [sflag:s22], s20  }
0x9f: {  	s4 =	ssub.s32 $0x0, s20;
	[sflag:s22] =	ssyncset.done $0x0  }
0xa0: {  	[sflag:s22] =	ssyncadd.s32 s4;
	_ =	sdelay $0x1  }
0xa1: {  	s23 =	simm.s32 $0x1B8B  }
0xa2: {  	_ =	swait.ge [sflag:s23], $0x1  }
0xa3: {  	[sflag:s23] =	ssyncset.done $0x0  }
0xa4: {  	s25 =	simm.s32 $0x1B8E;
	s24 =	sld [smem:$0x3FFE];
	[sflag:s23] =	ssyncadd.s32 $0xFFFFFFFF  }
0xa5: {  	s26 =	simm.s32 $execute0_lowered;
	[smem:$0x3FD2] =	sst s25  }
0xa6: {  	s5 =	sshll.u32 s26, $0x1;
	_ =	strace $0x80000046;
	[dreg:$0x1] =	wrdreg $0xFFFFFFFF  }
0xa7: {  	s28 =	simm.s32 $_size_execute0_lowered;
	s3 =	sadd.s32 s3, s5;
	[dreg:$0x0] =	wrdreg $0x0  }
0xa8: {  	s5 =	sshll.u32 s28, $0x1;
	[dreg:$0x2] =	wrdreg s3  }
0xa9: {  	[dreg:$0x3] =	wrdreg s5  }
0xaa: {  	[dreg:$0x4] =	wrdreg $0xC0  }
0xab: {  	_ =	task [dreg:s7], $0x5FFFF  }
0xac: {  	[dreg:$0x1] =	wrdreg $0xFFFFFFFF  }
0xad: {  	[dreg:$0x0] =	wrdreg $0x60  }
0xae: {  	[dreg:$0x2] =	wrdreg s24  }
0xaf: {  	[dreg:$0x3] =	wrdreg s2  }
0xb0: {  	[dreg:$0x4] =	wrdreg $0x9  }
0xb1: {  	_ =	task.clear_ibuf [dreg:s7], $0x5FFFF;
	_ =	strace $0x90000046  }
0xb2: {  	s29 =	simm.s32 $0x9;
	_ =	strace $0x80000048  }
0xb3: {  	_ =	swait.ge [sflag:s29], $0x1  }
0xb4: {  	[sflag:s29] =	ssyncadd.s32 $0xFFFFFFFF  }
0xb5: {  	_ =	strace $0x90000048  }
0xb6: {  	_ =	sfence  }
0xb7: {  	s30 =	sld [smem:$0x0];
	_ =	sdelay $0x2  }
0xb8: {  	s31 =	sshll.u32 s1, $0xD;
	s1 =	sshrl.u32 s1, $0x2  }
0xb9: {  	s3 =	sand.u32 $0x4000, s31;
	s1 =	sadd.s32 s1, s30  }
0xba: {  	s0 =	sor.u32 s3, s0;
	s1 =	sshll.u32 s1, $0x11  }
0xbb: {  	s0 =	sor.u32 s1, s0  }
0xbc: {  	s0 =	sadd.s32 $0x8F2B, s0  }
0xbd: {  	[sflag:s0] =	ssyncadd.remote.s32 $0x1  }
0xbe: {  	_ =	sfence.sel $0xFFFF  }
0xbf: {  	[dreg:$0x0] =	wrdreg $0xFFFFFFFF;
	(pc) =	sbr.abs _section_cstart, $3  }
0xc0: {  	[dreg:$0x1] =	wrdreg $0xFFFFFFFF  }
0xc1: {  	_ =	task.clear_ibuf [dreg:s7], $0x2FFFF;
	_ =	strace $0x9FFFFFFF  }
0xc2: {  	(tm) =	ssettm $0x7FFFFFFF  }
0xc3: {  	_ =	shalt  }
tec
execute0_lowered:
.L_overlay_start_1:
0x0: {  	(tag) =	ssettag $0x1  }
0x1: {  	s0 =	srdreg.scid;
	s1 =	rddreg [dreg:$0x0]  }
0x2: {  	s2 =	stileid.u32;
	s5 =	rddreg [dreg:$0x1]  }
0x3: {  	s8 =	simm.s32 $0x80;
	s19 =	simm.s32 $0x20;
	s23 =	simm.s32 $0xC800  }
0x4: {  	s25 =	simm.s32 $0xD800;
	s28 =	simm.s32 $0xE800;
	s29 =	simm.s32 $0x4A0  }
0x5: {  	s30 =	simm.s32 $0xF800;
	s31 =	simm.s32 $0x520;
	s9 =	simm.s32 $0x11800  }
0x6: {  	s10 =	simm.s32 $0x620;
	s11 =	simm.s32 $0x12800;
	s12 =	simm.s32 $0x1  }
0x7: {  	s13 =	simm.s32 $0x2;
	s0 =	sand.u32 $0x1, s0;
	s2 =	sshll.u32 s2, $0x1  }
0x8: {  	s14 =	simm.s32 $0x12C00;
	s15 =	simm.s32 $0x0;
	s4 =	sor.u32 s0, s2  }
0x9: {  	s2 =	simm.s32 $0x0;
	s0 =	ssub.s32 $0x2, s0;
	s3 =	smul.u32 $0xC80, s4  }
.Ltmp0:
0xa: {  	[smem:$0x7FF] =	sst s2;
	s7 =	sshrl.u32 s0, $0x1;
	(pc) =	sbr.rel .LBB2_1-.Ltmp0, $4  }
0xb: {  	s26 =	sshll.u32 s4, $0x9;
	_ =	strace $0x80000047;
	s0 =	ssub.s32 s0, s7  }
0xc: {  	s5 =	sadd.s32 s5, s26;
	s7 =	simm.s32 $0x3;
	s26 =	simm.s32 $0x420  }
0xd: {  	v0 =	vimm.f32 $1.000000000e+00;
	vm0 =	vcmask $0x1F00;
	s6 =	sadd.s32 s3, s1;
	s3 =	sadd.s32 $0x1000600, s1;
	s1 =	simm.s32 $0x10800  }
0xe: {  	v1 =	vsel vm0, $0x0, v0;
	s4 =	sadd.s32 $0x600, s6;
	s6 =	smax.u32 s0, $0x1;
	s0 =	simm.s32 $0x5A0  }
.LBB2_8:
0xf: {  	s15 =	sadd.s32 $0x1, s15  }
0x10: {  	p0 =	sne.s32 s15, s6  }
.Ltmp1:
0x11: {  	_ = 	snop;
	(pc) =	sbr.rel @!p0 .LBB2_9-.Ltmp1, $4  }
0x12: {  	[hbm4b:s5+s2] =	stream.linear.scatter [tilespmem:s14], [sflag:$0x3], $0x1000, $0x38;
	[tilespmem:$0x13C00] =	vst v63  }
0x13: {  	_ =	swait.ge [sflag:s7], $0x1000  }
0x14: {  	[sflag:s7] =	ssyncset.done $0x0  }
0x15: {  	[sflag:s7] =	ssyncadd.s32 $0xFFFFF000  }
.LBB2_1:
0x16: {  	[tilespmem:s2], [sflag:$0x3] =	stream.linear.gather [hbm4b:s4+s2], $0x6400, $0x38;
	[tilespmem:$0x13C00] =	vst v63  }
0x17: {  	_ =	swait.ge [sflag:s7], $0x6400  }
0x18: {  	[sflag:s7] =	ssyncset.done $0x0  }
0x19: {  	s16 =	simm.s32 $0x6400;
	[sflag:s7] =	ssyncadd.s32 $0xFFFF9C00  }
0x1a: {  	[tilespmem:s16], [sflag:$0x1] =	stream.indirect.gather [hbm4b:s3+s8], $0x20, s2, s8, $0xb8;
	[tilespmem:$0x13C00] =	vst v63  }
0x1b: {  	s17 =	simm.s32 $0x7400  }
0x1c: {  	[tilespmem:s17], [sflag:$0x1] =	stream.indirect.gather [hbm4b:s3+s8], $0x20, s8, s8, $0xb8;
	[tilespmem:$0x13C00] =	vst v63  }
0x1d: {  	s18 =	simm.s32 $0x100;
	s17 =	simm.s32 $0x8400  }
0x1e: {  	[tilespmem:s17], [sflag:$0x1] =	stream.indirect.gather [hbm4b:s3+s8], $0x20, s18, s8, $0xb8;
	[tilespmem:$0x13C00] =	vst v63  }
0x1f: {  	s20 =	simm.s32 $0x180;
	s21 =	simm.s32 $0x9400  }
0x20: {  	[tilespmem:s21], [sflag:$0x1] =	stream.indirect.gather [hbm4b:s3+s8], $0x20, s20, s8, $0xb8;
	[tilespmem:$0x13C00] =	vst v63  }
0x21: {  	s22 =	simm.s32 $0x200;
	s24 =	simm.s32 $0xA400  }
0x22: {  	[tilespmem:s24], [sflag:$0x1] =	stream.indirect.gather [hbm4b:s3+s8], $0x20, s22, s8, $0xb8;
	[tilespmem:$0x13C00] =	vst v63  }
0x23: {  	s17 =	simm.s32 $0x280;
	s18 =	simm.s32 $0xB400  }
0x24: {  	[tilespmem:s18], [sflag:$0x1] =	stream.indirect.gather [hbm4b:s3+s8], $0x20, s17, s8, $0xb8;
	[tilespmem:$0x13C00] =	vst v63  }
0x25: {  	s20 =	simm.s32 $0x300;
	s21 =	simm.s32 $0xC400  }
0x26: {  	[tilespmem:s21], [sflag:$0x1] =	stream.indirect.gather [hbm4b:s3+s19], $0x20, s20, s19, $0xb8;
	[tilespmem:$0x13C00] =	vst v63  }
0x27: {  	s22 =	simm.s32 $0x320  }
0x28: {  	[tilespmem:s23], [sflag:$0x2] =	stream.indirect.gather [hbm4b:s3+s8], $0x20, s22, s8, $0xb8;
	[tilespmem:$0x13C00] =	vst v63  }
0x29: {  	s24 =	simm.s32 $0x3A0  }
0x2a: {  	[tilespmem:s25], [sflag:$0x2] =	stream.indirect.gather [hbm4b:s3+s8], $0x20, s24, s8, $0xb8;
	[tilespmem:$0x13C00] =	vst v63  }
0x2b: {  	_ = 	snop  }
0x2c: {  	[tilespmem:s28], [sflag:$0x2] =	stream.indirect.gather [hbm4b:s3+s8], $0x20, s26, s8, $0xb8;
	[tilespmem:$0x13C00] =	vst v63  }
0x2d: {  	_ = 	snop  }
0x2e: {  	[tilespmem:s30], [sflag:$0x2] =	stream.indirect.gather [hbm4b:s3+s8], $0x20, s29, s8, $0xb8;
	[tilespmem:$0x13C00] =	vst v63  }
0x2f: {  	_ = 	snop  }
0x30: {  	[tilespmem:s1], [sflag:$0x2] =	stream.indirect.gather [hbm4b:s3+s8], $0x20, s31, s8, $0xb8;
	[tilespmem:$0x13C00] =	vst v63  }
0x31: {  	_ = 	snop  }
0x32: {  	[tilespmem:s9], [sflag:$0x2] =	stream.indirect.gather [hbm4b:s3+s8], $0x20, s0, s8, $0xb8;
	[tilespmem:$0x13C00] =	vst v63  }
0x33: {  	s16 =	simm.s32 $0x0  }
0x34: {  	[tilespmem:s11], [sflag:$0x2] =	stream.indirect.gather [hbm4b:s3+s19], $0x20, s10, s19, $0xb8;
	[tilespmem:$0x13C00] =	vst v63  }
.LBB2_2:
0x35: {  	_ =	swait.ge [sflag:s12], $0x6400  }
0x36: {  	[sflag:s12] =	ssyncset.done $0x0  }
0x37: {  	s18 =	simm.s32 $0x0;
	[sflag:s12] =	ssyncadd.s32 $0xFFFF9C00  }
0x38: {  	v2 =	vld [tilespmem:s18+$0xAF30]  }
0x39: {  	v3 =	vld [tilespmem:s18+$0x6400]  }
0x3a: {  	v4 =	vld [tilespmem:s18+$0x6410]  }
0x3b: {  	v5 =	vld [tilespmem:s18+$0x6420]  }
0x3c: {  	v6 =	vld [tilespmem:s18+$0x6430]  }
0x3d: {  	v7 =	vld [tilespmem:s18+$0x7D00]  }
0x3e: {  	v8 =	vld [tilespmem:s18+$0x7D10]  }
0x3f: {  	v10 =	vld [tilespmem:s18+$0x7D20]  }
0x40: {  	v11 =	vld [tilespmem:s18+$0x7D30]  }
0x41: {  	v9 =	vimm.f32 $0.0e+00;
	v12 =	vld [tilespmem:s18+$0x9600]  }
0x42: {  	v15 =	vld [tilespmem:s18+$0x9610];
	v2 =	vadd.f32 v2, v9  }
0x43: {  	v22 =	vadd.f32 v3, v9;
	v16 =	vadd.f32 v4, v9  }
0x44: {  	v13 =	vld [tilespmem:s18+$0x9620];
	v24 =	vadd.f32 v5, v9;
	v17 =	vadd.f32 v6, v9  }
0x45: {  	v14 =	vld [tilespmem:s18+$0x9630];
	v19 =	vadd.f32 v7, v9;
	v18 =	vadd.f32 v8, v9  }
0x46: {  	v21 =	vadd.f32 v10, v9;
	v20 =	vadd.f32 v11, v9;
	v6 =	vld [tilespmem:s18+$0xAF00]  }
0x47: {  	v10 =	vadd.f32 v12, v9;
	v7 =	vld [tilespmem:s18+$0xAF10];
	v11 =	vadd.f32 v15, v9;
	v12 =	vimm.f32 $0.0e+00  }
0x48: {  	s20 =	simm.s32 $0x40;
	s17 =	simm.s32 $0x200;
	v8 =	vld [tilespmem:s18+$0xAF20];
	v4 =	vimm.f32 $0.0e+00;
	v3 =	vimm.f32 $0.0e+00;
	v5 =	vimm.f32 $0.0e+00  }
.LBB2_3:
0x49: {  	p0 =	sne.s32 s17, $0x6300;
	v15 =	vld [tilespmem:s20+$0xAF30];
	v9 =	vadd.f32 v13, v9  }
0x4a: {  	v13 =	vld [tilespmem:s20+$0x6400];
	v12 =	vadd.f32 v14, v12  }
0x4b: {  	v14 =	vld [tilespmem:s20+$0x6410];
	v4 =	vadd.f32 v6, v4  }
0x4c: {  	v6 =	vld [tilespmem:s20+$0x6420];
	v3 =	vadd.f32 v7, v3  }
0x4d: {  	v7 =	vld [tilespmem:s20+$0x6430];
	v5 =	vadd.f32 v8, v5  }
0x4e: {  	v8 =	vld [tilespmem:s20+$0x7D00];
	v2 =	vadd.f32 v15, v2  }
0x4f: {  	v22 =	vadd.f32 v13, v22;
	v13 =	vld [tilespmem:s20+$0x7D10]  }
0x50: {  	v16 =	vadd.f32 v14, v16;
	v14 =	vld [tilespmem:s20+$0x7D20]  }
0x51: {  	v24 =	vadd.f32 v6, v24;
	v6 =	vld [tilespmem:s20+$0x7D30]  }
0x52: {  	v17 =	vadd.f32 v7, v17;
	v7 =	vld [tilespmem:s20+$0x9600]  }
0x53: {  	v19 =	vadd.f32 v8, v19;
	v8 =	vld [tilespmem:s20+$0x9610]  }
.Ltmp2:
0x54: {  	v18 =	vadd.f32 v13, v18;
	v13 =	vld [tilespmem:s20+$0x9620];
	(pc) =	sbr.rel @p0 .LBB2_3-.Ltmp2, $4  }
0x55: {  	v21 =	vadd.f32 v14, v21;
	v14 =	vld [tilespmem:s20+$0x9630]  }
0x56: {  	v20 =	vadd.f32 v6, v20;
	v6 =	vld [tilespmem:s20+$0xAF00]  }
0x57: {  	v10 =	vadd.f32 v7, v10;
	v7 =	vld [tilespmem:s20+$0xAF10]  }
0x58: {  	v11 =	vadd.f32 v8, v11;
	v8 =	vld [tilespmem:s20+$0xAF20];
	s20 =	sshra.s32 s17, $0x2;
	s17 =	sadd.s32 $0x100, s17  }
0x59: {  	s17 =	smul.u32 $0x1900, s16;
	_ =	sdelay $0x1  }
0x5a: {  	s17 =	sshra.s32 s17, $0x2  }
0x5b: {  	v15 =	vld [tilespmem:s17+$0x0]  }
0x5c: {  	v23 =	vld [tilespmem:s17+$0x10];
	_ =	sdelay $0x1  }
0x5d: {  	v25 =	vld [tilespmem:s17+$0x20];
	_ =	sdelay $0x1  }
0x5e: {  	v26 =	vld [tilespmem:s17+$0x30]  }
0x5f: {  	vm0 =	veq.s32 v15, $0x0;
	vm1 =	veq.s32 v23, $0x0  }
0x60: {  	v27 =	vld [tilespmem:s17+$0x40];
	v15 =	vsel vm0, $0x0, v0;
	v23 =	vsel vm1, $0x0, v0  }
0x61: {  	vm14 =	veq.s32 v25, $0x0;
	v15 =	vadd.f32 v23, v15  }
0x62: {  	v25 =	vld [tilespmem:s17+$0x50];
	v23 =	vsel vm14, $0x0, v0  }
0x63: {  	vm15 =	veq.s32 v26, $0x0;
	v15 =	vadd.f32 v23, v15  }
0x64: {  	v26 =	vld [tilespmem:s17+$0x60];
	v23 =	vsel vm15, $0x0, v0  }
0x65: {  	vm4 =	veq.s32 v27, $0x0;
	v15 =	vadd.f32 v23, v15  }
0x66: {  	v27 =	vld [tilespmem:s17+$0x70];
	v23 =	vsel vm4, $0x0, v0  }
0x67: {  	vm5 =	veq.s32 v25, $0x0;
	v15 =	vadd.f32 v23, v15  }
0x68: {  	v25 =	vld [tilespmem:s17+$0x80];
	v23 =	vsel vm5, $0x0, v0  }
0x69: {  	vm6 =	veq.s32 v26, $0x0;
	v15 =	vadd.f32 v23, v15  }
0x6a: {  	v26 =	vld [tilespmem:s17+$0x90];
	v23 =	vsel vm6, $0x0, v0  }
0x6b: {  	vm7 =	veq.s32 v27, $0x0;
	v15 =	vadd.f32 v23, v15  }
0x6c: {  	v27 =	vld [tilespmem:s17+$0xA0];
	v23 =	vsel vm7, $0x0, v0  }
0x6d: {  	vm8 =	veq.s32 v25, $0x0;
	v15 =	vadd.f32 v23, v15  }
0x6e: {  	v25 =	vld [tilespmem:s17+$0xB0];
	v23 =	vsel vm8, $0x0, v0  }
0x6f: {  	vm9 =	veq.s32 v26, $0x0;
	v15 =	vadd.f32 v23, v15  }
0x70: {  	v26 =	vld [tilespmem:s17+$0xB8];
	v23 =	vsel vm9, $0x0, v0  }
0x71: {  	vm10 =	veq.s32 v27, $0x0;
	v15 =	vadd.f32 v23, v15  }
0x72: {  	v23 =	vsel vm10, $0x0, v0  }
0x73: {  	vm11 =	veq.s32 v25, $0x0;
	v15 =	vadd.f32 v23, v15  }
0x74: {  	v23 =	vsel vm11, $0x0, v0  }
0x75: {  	vm12 =	veq.s32 v26, $0x0;
	v15 =	vadd.f32 v23, v15  }
0x76: {  	v23 =	vsel vm12, $0x0, v1  }
0x77: {  	v15 =	vadd.f32 v23, v15;
	_ =	sdelay $0x1  }
0x78: {  	(xrf2) =	vadd.scan.msk.f32 $0xffff, v15;
	_ =	sdelay $0x9  }
0x79: {  	v23, _, _ =	vpop (xrf2)  }
0x7a: {  	v28 =	vld [tilespmem:s20+$0x6430];
	v23 =	vmax.f32 v23, $1.000000000e+00  }
0x7b: {  	v29 =	vld [tilespmem:s20+$0x7D00];
	v23 =	vbroadcast v23, $0xF  }
0x7c: {  	v27 =	vld [tilespmem:s20+$0x6420]  }
0x7d: {  	v25 =	vld [tilespmem:s20+$0x6400];
	(erf) = vrcp.f32 v23  }
0x7e: {  	v26 =	vld [tilespmem:s20+$0x6410]  }
0x7f: {  	v30 =	vld [tilespmem:s20+$0x7D10]  }
0x80: {  	v31 =	vld [tilespmem:s20+$0x7D20]  }
0x81: {  	v32 =	vld [tilespmem:s20+$0x7D30]  }
0x82: {  	v27 =	vadd.f32 v27, v24;
	v24 =	vld [tilespmem:s20+$0x9610]  }
0x83: {  	v22 =	vadd.f32 v25, v22;
	v33 =	vadd.f32 v26, v16;
	v26 =	vld [tilespmem:s20+$0x9620]  }
0x84: {  	v17 =	vadd.f32 v28, v17;
	v25 =	vld [tilespmem:s20+$0x9630]  }
0x85: {  	v16 =	vld [tilespmem:s20+$0xAF00];
	v22 =	vadd.f32 v27, v22  }
0x86: {  	s18 =	sshll.u32 s16, $0x3;
	v27 =	vadd.f32 v17, v33;
	v17 =	vld [tilespmem:s20+$0xAF10];
	v42 =	vpop (erf)  }
0x87: {  	s22 =	sshll.u32 s16, $0x8;
	s21 =	sor.u32 $0x1, s18;
	v15 =	vld [tilespmem:s20+$0xAF30];
	v43 =	vmul.f32 v42, v22  }
0x88: {  	s22 =	sand.u32 $0x3FFFFF00, s22;
	s24 =	smul.u32 $0x320, s21;
	v23 =	vld [tilespmem:s20+$0x9600];
	v27 =	vmul.f32 v42, v27  }
0x89: {  	v22 =	vld [tilespmem:s20+$0xAF20];
	[tilespmem:s22+$0x12C00] =	vst v43  }
0x8a: {  	[tilespmem:s22+$0x12C10] =	vst v27;
	s22 =	sshra.s32 s24, $0x2  }
0x8b: {  	v27 =	vld [tilespmem:s22+$0x0]  }
0x8c: {  	v44 =	vld [tilespmem:s22+$0x10];
	_ =	sdelay $0x1  }
0x8d: {  	v33 =	vld [tilespmem:s22+$0x20];
	_ =	sdelay $0x1  }
0x8e: {  	v34 =	vld [tilespmem:s22+$0x30]  }
0x8f: {  	vm13 =	veq.s32 v27, $0x0;
	vm14 =	veq.s32 v44, $0x0  }
0x90: {  	v35 =	vld [tilespmem:s22+$0x40];
	v27 =	vsel vm13, $0x0, v0;
	v28 =	vsel vm14, $0x0, v0  }
0x91: {  	vm15 =	veq.s32 v33, $0x0;
	v27 =	vadd.f32 v28, v27  }
0x92: {  	v46 =	vld [tilespmem:s22+$0x50];
	v45 =	vsel vm15, $0x0, v0  }
0x93: {  	vm4 =	veq.s32 v34, $0x0;
	v27 =	vadd.f32 v45, v27  }
0x94: {  	v48 =	vld [tilespmem:s22+$0x60];
	v47 =	vsel vm4, $0x0, v0  }
0x95: {  	vm5 =	veq.s32 v35, $0x0;
	v27 =	vadd.f32 v47, v27  }
0x96: {  	v50 =	vld [tilespmem:s22+$0x70];
	v49 =	vsel vm5, $0x0, v0  }
0x97: {  	vm6 =	veq.s32 v46, $0x0;
	v27 =	vadd.f32 v49, v27  }
0x98: {  	v52 =	vld [tilespmem:s22+$0x80];
	v51 =	vsel vm6, $0x0, v0  }
0x99: {  	vm7 =	veq.s32 v48, $0x0;
	v27 =	vadd.f32 v51, v27  }
0x9a: {  	v54 =	vld [tilespmem:s22+$0x90];
	v53 =	vsel vm7, $0x0, v0  }
0x9b: {  	vm8 =	veq.s32 v50, $0x0;
	v27 =	vadd.f32 v53, v27  }
0x9c: {  	v56 =	vld [tilespmem:s22+$0xA0];
	v55 =	vsel vm8, $0x0, v0  }
0x9d: {  	vm9 =	veq.s32 v52, $0x0;
	v27 =	vadd.f32 v55, v27  }
0x9e: {  	v58 =	vld [tilespmem:s22+$0xB0];
	v57 =	vsel vm9, $0x0, v0  }
0x9f: {  	vm10 =	veq.s32 v54, $0x0;
	v27 =	vadd.f32 v57, v27  }
0xa0: {  	v60 =	vld [tilespmem:s22+$0xB8];
	v59 =	vsel vm10, $0x0, v0  }
0xa1: {  	vm11 =	veq.s32 v56, $0x0;
	v27 =	vadd.f32 v59, v27  }
0xa2: {  	v61 =	vsel vm11, $0x0, v0  }
0xa3: {  	vm12 =	veq.s32 v58, $0x0;
	v27 =	vadd.f32 v61, v27  }
0xa4: {  	v62 =	vsel vm12, $0x0, v0  }
0xa5: {  	vm13 =	veq.s32 v60, $0x0;
	v27 =	vadd.f32 v62, v27  }
0xa6: {  	v63 =	vsel vm13, $0x0, v1  }
0xa7: {  	v27 =	vadd.f32 v63, v27;
	_ =	sdelay $0x1  }
0xa8: {  	(xrf2) =	vadd.scan.msk.f32 $0xffff, v27;
	_ =	sdelay $0x9  }
0xa9: {  	v27, _, _ =	vpop (xrf2)  }
0xaa: {  	v27 =	vmax.f32 v27, $1.000000000e+00  }
0xab: {  	v27 =	vbroadcast v27, $0xF;
	_ =	sdelay $0x1  }
0xac: {  	(erf) = vrcp.f32 v27;
	_ =	sdelay $0x4  }
0xad: {  	v20 =	vadd.f32 v32, v20  }
0xae: {  	v19 =	vadd.f32 v29, v19;
	v21 =	vadd.f32 v31, v21  }
0xaf: {  	v18 =	vadd.f32 v30, v18  }
0xb0: {  	v19 =	vadd.f32 v21, v19  }
0xb1: {  	v18 =	vadd.f32 v20, v18;
	v20 =	vpop (erf)  }
0xb2: {  	s21 =	sshll.u32 s21, $0x5;
	s20 =	sor.u32 $0x2, s18;
	v19 =	vmul.f32 v20, v19  }
0xb3: {  	s21 =	sand.u32 $0x3FFFFF20, s21;
	s24 =	smul.u32 $0x320, s20;
	v18 =	vmul.f32 v20, v18  }
0xb4: {  	[tilespmem:s21+$0x12C00] =	vst v19  }
0xb5: {  	s22 =	sshra.s32 s24, $0x2;
	[tilespmem:s21+$0x12C10] =	vst v18  }
0xb6: {  	v18 =	vld [tilespmem:s22+$0x0]  }
0xb7: {  	v19 =	vld [tilespmem:s22+$0x10];
	_ =	sdelay $0x1  }
0xb8: {  	v20 =	vld [tilespmem:s22+$0x20];
	_ =	sdelay $0x1  }
0xb9: {  	v21 =	vld [tilespmem:s22+$0x30]  }
0xba: {  	vm14 =	veq.s32 v18, $0x0;
	vm15 =	veq.s32 v19, $0x0  }
0xbb: {  	v27 =	vld [tilespmem:s22+$0x40];
	v18 =	vsel vm14, $0x0, v0;
	v19 =	vsel vm15, $0x0, v0  }
0xbc: {  	vm4 =	veq.s32 v20, $0x0;
	v18 =	vadd.f32 v19, v18  }
0xbd: {  	v20 =	vld [tilespmem:s22+$0x50];
	v19 =	vsel vm4, $0x0, v0  }
0xbe: {  	vm5 =	veq.s32 v21, $0x0;
	v18 =	vadd.f32 v19, v18  }
0xbf: {  	v21 =	vld [tilespmem:s22+$0x60];
	v19 =	vsel vm5, $0x0, v0  }
0xc0: {  	vm6 =	veq.s32 v27, $0x0;
	v18 =	vadd.f32 v19, v18  }
0xc1: {  	v27 =	vld [tilespmem:s22+$0x70];
	v19 =	vsel vm6, $0x0, v0  }
0xc2: {  	vm7 =	veq.s32 v20, $0x0;
	v18 =	vadd.f32 v19, v18  }
0xc3: {  	v20 =	vld [tilespmem:s22+$0x80];
	v19 =	vsel vm7, $0x0, v0  }
0xc4: {  	vm8 =	veq.s32 v21, $0x0;
	v18 =	vadd.f32 v19, v18  }
0xc5: {  	v21 =	vld [tilespmem:s22+$0x90];
	v19 =	vsel vm8, $0x0, v0  }
0xc6: {  	vm9 =	veq.s32 v27, $0x0;
	v18 =	vadd.f32 v19, v18  }
0xc7: {  	v27 =	vld [tilespmem:s22+$0xA0];
	v19 =	vsel vm9, $0x0, v0  }
0xc8: {  	vm10 =	veq.s32 v20, $0x0;
	v18 =	vadd.f32 v19, v18  }
0xc9: {  	v20 =	vld [tilespmem:s22+$0xB0];
	v19 =	vsel vm10, $0x0, v0  }
0xca: {  	vm11 =	veq.s32 v21, $0x0;
	v18 =	vadd.f32 v19, v18  }
0xcb: {  	v21 =	vld [tilespmem:s22+$0xB8];
	v19 =	vsel vm11, $0x0, v0  }
0xcc: {  	vm12 =	veq.s32 v27, $0x0;
	v18 =	vadd.f32 v19, v18  }
0xcd: {  	v19 =	vsel vm12, $0x0, v0  }
0xce: {  	vm13 =	veq.s32 v20, $0x0;
	v18 =	vadd.f32 v19, v18  }
0xcf: {  	v19 =	vsel vm13, $0x0, v0  }
0xd0: {  	vm14 =	veq.s32 v21, $0x0;
	v18 =	vadd.f32 v19, v18  }
0xd1: {  	v19 =	vsel vm14, $0x0, v1  }
0xd2: {  	v18 =	vadd.f32 v19, v18;
	_ =	sdelay $0x1  }
0xd3: {  	(xrf2) =	vadd.scan.msk.f32 $0xffff, v18;
	_ =	sdelay $0x9  }
0xd4: {  	v18, _, _ =	vpop (xrf2)  }
0xd5: {  	v18 =	vmax.f32 v18, $1.000000000e+00  }
0xd6: {  	v18 =	vbroadcast v18, $0xF;
	_ =	sdelay $0x1  }
0xd7: {  	(erf) = vrcp.f32 v18;
	_ =	sdelay $0x3  }
0xd8: {  	v9 =	vadd.f32 v13, v9  }
0xd9: {  	v12 =	vadd.f32 v14, v12;
	v11 =	vadd.f32 v24, v11  }
0xda: {  	v9 =	vadd.f32 v26, v9;
	v10 =	vadd.f32 v23, v10  }
0xdb: {  	v12 =	vadd.f32 v25, v12  }
0xdc: {  	v9 =	vadd.f32 v9, v10  }
0xdd: {  	v10 =	vadd.f32 v12, v11;
	v11 =	vpop (erf)  }
0xde: {  	s18 =	sor.u32 $0x3, s18;
	s20 =	sshll.u32 s20, $0x5;
	v9 =	vmul.f32 v11, v9  }
0xdf: {  	s20 =	sand.u32 $0x3FFFFF40, s20;
	s24 =	smul.u32 $0x320, s18;
	v10 =	vmul.f32 v11, v10  }
0xe0: {  	[tilespmem:s20+$0x12C00] =	vst v9  }
0xe1: {  	s22 =	sshra.s32 s24, $0x2;
	[tilespmem:s20+$0x12C10] =	vst v10  }
0xe2: {  	v9 =	vld [tilespmem:s22+$0x0]  }
0xe3: {  	v10 =	vld [tilespmem:s22+$0x10];
	_ =	sdelay $0x1  }
0xe4: {  	v11 =	vld [tilespmem:s22+$0x20];
	_ =	sdelay $0x1  }
0xe5: {  	v12 =	vld [tilespmem:s22+$0x30]  }
0xe6: {  	vm15 =	veq.s32 v9, $0x0;
	vm4 =	veq.s32 v10, $0x0  }
0xe7: {  	v13 =	vld [tilespmem:s22+$0x40];
	v9 =	vsel vm15, $0x0, v0;
	v10 =	vsel vm4, $0x0, v0  }
0xe8: {  	vm5 =	veq.s32 v11, $0x0;
	v9 =	vadd.f32 v10, v9  }
0xe9: {  	v11 =	vld [tilespmem:s22+$0x50];
	v10 =	vsel vm5, $0x0, v0  }
0xea: {  	vm6 =	veq.s32 v12, $0x0;
	v9 =	vadd.f32 v10, v9  }
0xeb: {  	v12 =	vld [tilespmem:s22+$0x60];
	v10 =	vsel vm6, $0x0, v0  }
0xec: {  	vm7 =	veq.s32 v13, $0x0;
	v9 =	vadd.f32 v10, v9  }
0xed: {  	v13 =	vld [tilespmem:s22+$0x70];
	v10 =	vsel vm7, $0x0, v0  }
0xee: {  	vm8 =	veq.s32 v11, $0x0;
	v9 =	vadd.f32 v10, v9  }
0xef: {  	v11 =	vld [tilespmem:s22+$0x80];
	v10 =	vsel vm8, $0x0, v0  }
0xf0: {  	vm9 =	veq.s32 v12, $0x0;
	v9 =	vadd.f32 v10, v9  }
0xf1: {  	v12 =	vld [tilespmem:s22+$0x90];
	v10 =	vsel vm9, $0x0, v0  }
0xf2: {  	vm10 =	veq.s32 v13, $0x0;
	v9 =	vadd.f32 v10, v9  }
0xf3: {  	v13 =	vld [tilespmem:s22+$0xA0];
	v10 =	vsel vm10, $0x0, v0  }
0xf4: {  	vm11 =	veq.s32 v11, $0x0;
	v9 =	vadd.f32 v10, v9  }
0xf5: {  	v11 =	vld [tilespmem:s22+$0xB0];
	v10 =	vsel vm11, $0x0, v0  }
0xf6: {  	vm12 =	veq.s32 v12, $0x0;
	v9 =	vadd.f32 v10, v9  }
0xf7: {  	v12 =	vld [tilespmem:s22+$0xB8];
	v10 =	vsel vm12, $0x0, v0  }
0xf8: {  	vm13 =	veq.s32 v13, $0x0;
	v9 =	vadd.f32 v10, v9  }
0xf9: {  	v10 =	vsel vm13, $0x0, v0  }
0xfa: {  	vm14 =	veq.s32 v11, $0x0;
	v9 =	vadd.f32 v10, v9  }
0xfb: {  	v10 =	vsel vm14, $0x0, v0  }
0xfc: {  	vm15 =	veq.s32 v12, $0x0;
	v9 =	vadd.f32 v10, v9  }
0xfd: {  	v10 =	vsel vm15, $0x0, v1  }
0xfe: {  	v9 =	vadd.f32 v10, v9;
	_ =	sdelay $0x1  }
0xff: {  	(xrf2) =	vadd.scan.msk.f32 $0xffff, v9;
	_ =	sdelay $0x9  }
0x100: {  	v9, _, _ =	vpop (xrf2)  }
0x101: {  	v9 =	vmax.f32 v9, $1.000000000e+00  }
0x102: {  	v9 =	vbroadcast v9, $0xF;
	_ =	sdelay $0x1  }
0x103: {  	(erf) = vrcp.f32 v9;
	_ =	sdelay $0x2  }
0x104: {  	v3 =	vadd.f32 v7, v3  }
0x105: {  	v4 =	vadd.f32 v6, v4;
	v5 =	vadd.f32 v8, v5  }
0x106: {  	v3 =	vadd.f32 v17, v3  }
0x107: {  	v4 =	vadd.f32 v16, v4;
	v5 =	vadd.f32 v22, v5  }
0x108: {  	v2 =	vadd.f32 v15, v2  }
0x109: {  	v4 =	vadd.f32 v5, v4  }
0x10a: {  	v2 =	vadd.f32 v2, v3;
	v3 =	vpop (erf)  }
0x10b: {  	s18 =	sshll.u32 s18, $0x5;
	v4 =	vmul.f32 v3, v4  }
0x10c: {  	s18 =	sand.u32 $0x3FFFFF60, s18;
	v2 =	vmul.f32 v3, v2  }
0x10d: {  	p0 =	seq.s32 s16, $0xF;
	[tilespmem:s18+$0x12C00] =	vst v4  }
0x10e: {  	s21 =	simm.s32 @!p0 $0x6400;
	s20 =	simm.s32 @!p0 $0x80;
	[tilespmem:s18+$0x12C10] =	vst v2;
	s18 =	sadd.s32 @!p0 $0x640, s17  }
0x10f: {  	[tilespmem:s21], [sflag:$0x1] =	stream.indirect.gather @!p0 [hbm4b:s3+s20], $0x20, s18, s20, $0xb8;
	[tilespmem:$0x13C00] =	vst v63  }
0x110: {  	s18 =	sadd.s32 @!p0 $0x6C0, s17;
	s21 =	simm.s32 @!p0 $0x7400  }
0x111: {  	[tilespmem:s21], [sflag:$0x1] =	stream.indirect.gather @!p0 [hbm4b:s3+s20], $0x20, s18, s20, $0xb8;
	[tilespmem:$0x13C00] =	vst v63  }
0x112: {  	s18 =	sadd.s32 @!p0 $0x740, s17;
	s21 =	simm.s32 @!p0 $0x8400  }
0x113: {  	[tilespmem:s21], [sflag:$0x1] =	stream.indirect.gather @!p0 [hbm4b:s3+s20], $0x20, s18, s20, $0xb8;
	[tilespmem:$0x13C00] =	vst v63  }
0x114: {  	s18 =	sadd.s32 @!p0 $0x7C0, s17;
	s21 =	simm.s32 @!p0 $0x9400  }
0x115: {  	[tilespmem:s21], [sflag:$0x1] =	stream.indirect.gather @!p0 [hbm4b:s3+s20], $0x20, s18, s20, $0xb8;
	[tilespmem:$0x13C00] =	vst v63  }
0x116: {  	s18 =	sadd.s32 @!p0 $0x840, s17;
	s21 =	simm.s32 @!p0 $0xA400  }
0x117: {  	[tilespmem:s21], [sflag:$0x1] =	stream.indirect.gather @!p0 [hbm4b:s3+s20], $0x20, s18, s20, $0xb8;
	[tilespmem:$0x13C00] =	vst v63  }
0x118: {  	s18 =	sadd.s32 @!p0 $0x8C0, s17;
	s21 =	simm.s32 @!p0 $0xB400  }
0x119: {  	[tilespmem:s21], [sflag:$0x1] =	stream.indirect.gather @!p0 [hbm4b:s3+s20], $0x20, s18, s20, $0xb8;
	[tilespmem:$0x13C00] =	vst v63  }
0x11a: {  	s18 =	sadd.s32 @!p0 $0x940, s17;
	s20 =	simm.s32 @!p0 $0x20;
	s21 =	simm.s32 @!p0 $0xC400  }
0x11b: {  	[tilespmem:s21], [sflag:$0x1] =	stream.indirect.gather @!p0 [hbm4b:s3+s20], $0x20, s18, s20, $0xb8;
	[tilespmem:$0x13C00] =	vst v63  }
0x11c: {  	_ =	swait.ge [sflag:s13], $0x6400  }
0x11d: {  	[sflag:s13] =	ssyncset.done $0x0  }
0x11e: {  	s24 =	simm.s32 $0x0;
	[sflag:s13] =	ssyncadd.s32 $0xFFFF9C00  }
0x11f: {  	v2 =	vld [tilespmem:s24+$0x11330]  }
0x120: {  	v3 =	vld [tilespmem:s24+$0xC800]  }
0x121: {  	v4 =	vld [tilespmem:s24+$0xC810]  }
0x122: {  	v5 =	vld [tilespmem:s24+$0xC820]  }
0x123: {  	v6 =	vld [tilespmem:s24+$0xC830]  }
0x124: {  	v7 =	vld [tilespmem:s24+$0xE100]  }
0x125: {  	v8 =	vld [tilespmem:s24+$0xE110]  }
0x126: {  	v10 =	vld [tilespmem:s24+$0xE120]  }
0x127: {  	v11 =	vld [tilespmem:s24+$0xE130]  }
0x128: {  	v9 =	vimm.f32 $0.0e+00;
	v12 =	vld [tilespmem:s24+$0xFA00]  }
0x129: {  	v15 =	vld [tilespmem:s24+$0xFA10];
	v2 =	vadd.f32 v2, v9  }
0x12a: {  	v22 =	vadd.f32 v3, v9;
	v17 =	vadd.f32 v4, v9  }
0x12b: {  	v13 =	vld [tilespmem:s24+$0xFA20];
	v24 =	vadd.f32 v5, v9;
	v19 =	vadd.f32 v6, v9  }
0x12c: {  	v14 =	vld [tilespmem:s24+$0xFA30];
	v18 =	vadd.f32 v7, v9;
	v16 =	vadd.f32 v8, v9  }
0x12d: {  	v21 =	vadd.f32 v10, v9;
	v20 =	vadd.f32 v11, v9;
	v6 =	vld [tilespmem:s24+$0x11300]  }
0x12e: {  	v10 =	vadd.f32 v12, v9;
	v7 =	vld [tilespmem:s24+$0x11310];
	v11 =	vadd.f32 v15, v9;
	v12 =	vimm.f32 $0.0e+00  }
0x12f: {  	s18 =	sshll.u32 s16, $0x1;
	s20 =	simm.s32 $0x40;
	s21 =	simm.s32 $0x200;
	v8 =	vld [tilespmem:s24+$0x11320];
	v4 =	vimm.f32 $0.0e+00;
	v3 =	vimm.f32 $0.0e+00;
	v5 =	vimm.f32 $0.0e+00  }
.LBB2_5:
0x130: {  	p1 =	sne.s32 s21, $0x6300;
	v15 =	vld [tilespmem:s20+$0x11330];
	v9 =	vadd.f32 v13, v9  }
0x131: {  	v13 =	vld [tilespmem:s20+$0xC800];
	v12 =	vadd.f32 v14, v12  }
0x132: {  	v14 =	vld [tilespmem:s20+$0xC810];
	v4 =	vadd.f32 v6, v4  }
0x133: {  	v6 =	vld [tilespmem:s20+$0xC820];
	v3 =	vadd.f32 v7, v3  }
0x134: {  	v7 =	vld [tilespmem:s20+$0xC830];
	v5 =	vadd.f32 v8, v5  }
0x135: {  	v8 =	vld [tilespmem:s20+$0xE100];
	v2 =	vadd.f32 v15, v2  }
0x136: {  	v22 =	vadd.f32 v13, v22;
	v13 =	vld [tilespmem:s20+$0xE110]  }
0x137: {  	v17 =	vadd.f32 v14, v17;
	v14 =	vld [tilespmem:s20+$0xE120]  }
0x138: {  	v24 =	vadd.f32 v6, v24;
	v6 =	vld [tilespmem:s20+$0xE130]  }
0x139: {  	v19 =	vadd.f32 v7, v19;
	v7 =	vld [tilespmem:s20+$0xFA00]  }
0x13a: {  	v18 =	vadd.f32 v8, v18;
	v8 =	vld [tilespmem:s20+$0xFA10]  }
.Ltmp3:
0x13b: {  	v16 =	vadd.f32 v13, v16;
	v13 =	vld [tilespmem:s20+$0xFA20];
	(pc) =	sbr.rel @p1 .LBB2_5-.Ltmp3, $4  }
0x13c: {  	v21 =	vadd.f32 v14, v21;
	v14 =	vld [tilespmem:s20+$0xFA30]  }
0x13d: {  	v20 =	vadd.f32 v6, v20;
	v6 =	vld [tilespmem:s20+$0x11300]  }
0x13e: {  	v10 =	vadd.f32 v7, v10;
	v7 =	vld [tilespmem:s20+$0x11310]  }
0x13f: {  	v11 =	vadd.f32 v8, v11;
	v8 =	vld [tilespmem:s20+$0x11320];
	s20 =	sshra.s32 s21, $0x2;
	s21 =	sadd.s32 $0x100, s21  }
0x140: {  	s18 =	sor.u32 $0x1, s18  }
0x141: {  	s21 =	smul.u32 $0xC80, s18;
	_ =	sdelay $0x1  }
0x142: {  	s21 =	sshra.s32 s21, $0x2  }
0x143: {  	v15 =	vld [tilespmem:s21+$0x0]  }
0x144: {  	v23 =	vld [tilespmem:s21+$0x10];
	_ =	sdelay $0x1  }
0x145: {  	v25 =	vld [tilespmem:s21+$0x20];
	_ =	sdelay $0x1  }
0x146: {  	v26 =	vld [tilespmem:s21+$0x30]  }
0x147: {  	vm0 =	veq.s32 v15, $0x0;
	vm1 =	veq.s32 v23, $0x0  }
0x148: {  	v27 =	vld [tilespmem:s21+$0x40];
	v15 =	vsel vm0, $0x0, v0;
	v23 =	vsel vm1, $0x0, v0  }
0x149: {  	vm14 =	veq.s32 v25, $0x0;
	v15 =	vadd.f32 v23, v15  }
0x14a: {  	v35 =	vld [tilespmem:s21+$0x50];
	v34 =	vsel vm14, $0x0, v0  }
0x14b: {  	vm15 =	veq.s32 v26, $0x0;
	v15 =	vadd.f32 v34, v15  }
0x14c: {  	v37 =	vld [tilespmem:s21+$0x60];
	v36 =	vsel vm15, $0x0, v0  }
0x14d: {  	vm4 =	veq.s32 v27, $0x0;
	v15 =	vadd.f32 v36, v15  }
0x14e: {  	v39 =	vld [tilespmem:s21+$0x70];
	v38 =	vsel vm4, $0x0, v0  }
0x14f: {  	vm5 =	veq.s32 v35, $0x0;
	v15 =	vadd.f32 v38, v15  }
0x150: {  	v41 =	vld [tilespmem:s21+$0x80];
	v40 =	vsel vm5, $0x0, v0  }
0x151: {  	vm6 =	veq.s32 v37, $0x0;
	v15 =	vadd.f32 v40, v15  }
0x152: {  	v43 =	vld [tilespmem:s21+$0x90];
	v42 =	vsel vm6, $0x0, v0  }
0x153: {  	vm7 =	veq.s32 v39, $0x0;
	v15 =	vadd.f32 v42, v15  }
0x154: {  	v45 =	vld [tilespmem:s21+$0xA0];
	v44 =	vsel vm7, $0x0, v0  }
0x155: {  	vm8 =	veq.s32 v41, $0x0;
	v15 =	vadd.f32 v44, v15  }
0x156: {  	v47 =	vld [tilespmem:s21+$0xB0];
	v46 =	vsel vm8, $0x0, v0  }
0x157: {  	vm9 =	veq.s32 v43, $0x0;
	v15 =	vadd.f32 v46, v15  }
0x158: {  	v49 =	vld [tilespmem:s21+$0xB8];
	v48 =	vsel vm9, $0x0, v0  }
0x159: {  	vm10 =	veq.s32 v45, $0x0;
	v15 =	vadd.f32 v48, v15  }
0x15a: {  	v50 =	vsel vm10, $0x0, v0  }
0x15b: {  	vm11 =	veq.s32 v47, $0x0;
	v15 =	vadd.f32 v50, v15  }
0x15c: {  	v51 =	vsel vm11, $0x0, v0  }
0x15d: {  	vm12 =	veq.s32 v49, $0x0;
	v15 =	vadd.f32 v51, v15  }
0x15e: {  	v52 =	vsel vm12, $0x0, v1  }
0x15f: {  	v15 =	vadd.f32 v52, v15;
	_ =	sdelay $0x1  }
0x160: {  	(xrf2) =	vadd.scan.msk.f32 $0xffff, v15;
	_ =	sdelay $0x9  }
0x161: {  	v54 =	vld [tilespmem:s20+$0xC800];
	v53, _, _ =	vpop (xrf2)  }
0x162: {  	v55 =	vld [tilespmem:s20+$0xC810];
	v23 =	vmax.f32 v53, $1.000000000e+00  }
0x163: {  	v28 =	vld [tilespmem:s20+$0xC830];
	v23 =	vbroadcast v23, $0xF  }
0x164: {  	v56 =	vld [tilespmem:s20+$0xC820]  }
0x165: {  	v29 =	vld [tilespmem:s20+$0xE100];
	(erf) = vrcp.f32 v23  }
0x166: {  	v30 =	vld [tilespmem:s20+$0xE110]  }
0x167: {  	v31 =	vld [tilespmem:s20+$0xE120]  }
0x168: {  	v32 =	vld [tilespmem:s20+$0xE130];
	v33 =	vadd.f32 v55, v17;
	v19 =	vadd.f32 v28, v19  }
0x169: {  	v17 =	vld [tilespmem:s20+$0x11300]  }
0x16a: {  	v57 =	vadd.f32 v19, v33;
	v19 =	vld [tilespmem:s20+$0x11310]  }
0x16b: {  	v22 =	vadd.f32 v54, v22;
	v27 =	vadd.f32 v56, v24;
	v24 =	vld [tilespmem:s20+$0xFA10]  }
0x16c: {  	v26 =	vld [tilespmem:s20+$0xFA20]  }
0x16d: {  	v25 =	vld [tilespmem:s20+$0xFA30];
	v22 =	vadd.f32 v27, v22  }
0x16e: {  	s21 =	sshll.u32 s18, $0x2;
	v15 =	vld [tilespmem:s20+$0x11330];
	v58 =	vpop (erf)  }
0x16f: {  	s24 =	sshll.u32 s18, $0x7;
	s22 =	sor.u32 $0x1, s21;
	v23 =	vld [tilespmem:s20+$0xFA00];
	v59 =	vmul.f32 v58, v22  }
0x170: {  	v22 =	vld [tilespmem:s20+$0x11320];
	s20 =	sand.u32 $0x3FFFFF80, s24;
	v27 =	vmul.f32 v58, v57;
	s24 =	smul.u32 $0x320, s22  }
0x171: {  	[tilespmem:s20+$0x12C00] =	vst v59  }
0x172: {  	[tilespmem:s20+$0x12C10] =	vst v27;
	s24 =	sshra.s32 s24, $0x2  }
0x173: {  	v27 =	vld [tilespmem:s24+$0x0]  }
0x174: {  	v60 =	vld [tilespmem:s24+$0x10];
	_ =	sdelay $0x1  }
0x175: {  	v33 =	vld [tilespmem:s24+$0x20];
	_ =	sdelay $0x1  }
0x176: {  	v34 =	vld [tilespmem:s24+$0x30]  }
0x177: {  	vm13 =	veq.s32 v27, $0x0;
	vm14 =	veq.s32 v60, $0x0  }
0x178: {  	v35 =	vld [tilespmem:s24+$0x40];
	v27 =	vsel vm13, $0x0, v0;
	v28 =	vsel vm14, $0x0, v0  }
0x179: {  	vm15 =	veq.s32 v33, $0x0;
	v27 =	vadd.f32 v28, v27  }
0x17a: {  	v62 =	vld [tilespmem:s24+$0x50];
	v61 =	vsel vm15, $0x0, v0  }
0x17b: {  	vm4 =	veq.s32 v34, $0x0;
	v27 =	vadd.f32 v61, v27  }
0x17c: {  	v36 =	vld [tilespmem:s24+$0x60];
	v63 =	vsel vm4, $0x0, v0  }
0x17d: {  	vm5 =	veq.s32 v35, $0x0;
	v27 =	vadd.f32 v63, v27  }
0x17e: {  	v38 =	vld [tilespmem:s24+$0x70];
	v37 =	vsel vm5, $0x0, v0  }
0x17f: {  	vm6 =	veq.s32 v62, $0x0;
	v27 =	vadd.f32 v37, v27  }
0x180: {  	v40 =	vld [tilespmem:s24+$0x80];
	v39 =	vsel vm6, $0x0, v0  }
0x181: {  	vm7 =	veq.s32 v36, $0x0;
	v27 =	vadd.f32 v39, v27  }
0x182: {  	v42 =	vld [tilespmem:s24+$0x90];
	v41 =	vsel vm7, $0x0, v0  }
0x183: {  	vm8 =	veq.s32 v38, $0x0;
	v27 =	vadd.f32 v41, v27  }
0x184: {  	v44 =	vld [tilespmem:s24+$0xA0];
	v43 =	vsel vm8, $0x0, v0  }
0x185: {  	vm9 =	veq.s32 v40, $0x0;
	v27 =	vadd.f32 v43, v27  }
0x186: {  	v46 =	vld [tilespmem:s24+$0xB0];
	v45 =	vsel vm9, $0x0, v0  }
0x187: {  	vm10 =	veq.s32 v42, $0x0;
	v27 =	vadd.f32 v45, v27  }
0x188: {  	v48 =	vld [tilespmem:s24+$0xB8];
	v47 =	vsel vm10, $0x0, v0  }
0x189: {  	vm11 =	veq.s32 v44, $0x0;
	v27 =	vadd.f32 v47, v27  }
0x18a: {  	v49 =	vsel vm11, $0x0, v0  }
0x18b: {  	vm12 =	veq.s32 v46, $0x0;
	v27 =	vadd.f32 v49, v27  }
0x18c: {  	v50 =	vsel vm12, $0x0, v0  }
0x18d: {  	vm13 =	veq.s32 v48, $0x0;
	v27 =	vadd.f32 v50, v27  }
0x18e: {  	v51 =	vsel vm13, $0x0, v1  }
0x18f: {  	v27 =	vadd.f32 v51, v27;
	_ =	sdelay $0x1  }
0x190: {  	(xrf2) =	vadd.scan.msk.f32 $0xffff, v27;
	_ =	sdelay $0x9  }
0x191: {  	v27, _, _ =	vpop (xrf2)  }
0x192: {  	v27 =	vmax.f32 v27, $1.000000000e+00  }
0x193: {  	v27 =	vbroadcast v27, $0xF;
	_ =	sdelay $0x1  }
0x194: {  	(erf) = vrcp.f32 v27;
	_ =	sdelay $0x5  }
0x195: {  	v18 =	vadd.f32 v29, v18;
	v21 =	vadd.f32 v31, v21  }
0x196: {  	v16 =	vadd.f32 v30, v16;
	v20 =	vadd.f32 v32, v20  }
0x197: {  	v18 =	vadd.f32 v21, v18  }
0x198: {  	v16 =	vadd.f32 v20, v16;
	v52 =	vpop (erf)  }
0x199: {  	s22 =	sshll.u32 s22, $0x5;
	s20 =	sor.u32 $0x2, s21;
	v18 =	vmul.f32 v52, v18  }
0x19a: {  	s22 =	sand.u32 $0x3FFFFFA0, s22;
	s24 =	smul.u32 $0x320, s20;
	v16 =	vmul.f32 v52, v16  }
0x19b: {  	[tilespmem:s22+$0x12C00] =	vst v18  }
0x19c: {  	s24 =	sshra.s32 s24, $0x2;
	[tilespmem:s22+$0x12C10] =	vst v16  }
0x19d: {  	v16 =	vld [tilespmem:s24+$0x0]  }
0x19e: {  	v18 =	vld [tilespmem:s24+$0x10];
	_ =	sdelay $0x1  }
0x19f: {  	v53 =	vld [tilespmem:s24+$0x20];
	_ =	sdelay $0x1  }
0x1a0: {  	v54 =	vld [tilespmem:s24+$0x30]  }
0x1a1: {  	vm14 =	veq.s32 v16, $0x0;
	vm15 =	veq.s32 v18, $0x0  }
0x1a2: {  	v55 =	vld [tilespmem:s24+$0x40];
	v16 =	vsel vm14, $0x0, v0;
	v18 =	vsel vm15, $0x0, v0  }
0x1a3: {  	vm4 =	veq.s32 v53, $0x0;
	v16 =	vadd.f32 v18, v16  }
0x1a4: {  	v57 =	vld [tilespmem:s24+$0x50];
	v56 =	vsel vm4, $0x0, v0  }
0x1a5: {  	vm5 =	veq.s32 v54, $0x0;
	v16 =	vadd.f32 v56, v16  }
0x1a6: {  	v59 =	vld [tilespmem:s24+$0x60];
	v58 =	vsel vm5, $0x0, v0  }
0x1a7: {  	vm6 =	veq.s32 v55, $0x0;
	v16 =	vadd.f32 v58, v16  }
0x1a8: {  	v61 =	vld [tilespmem:s24+$0x70];
	v60 =	vsel vm6, $0x0, v0  }
0x1a9: {  	vm7 =	veq.s32 v57, $0x0;
	v16 =	vadd.f32 v60, v16  }
0x1aa: {  	v63 =	vld [tilespmem:s24+$0x80];
	v62 =	vsel vm7, $0x0, v0  }
0x1ab: {  	vm8 =	veq.s32 v59, $0x0;
	v16 =	vadd.f32 v62, v16  }
0x1ac: {  	v30 =	vld [tilespmem:s24+$0x90];
	v29 =	vsel vm8, $0x0, v0  }
0x1ad: {  	vm9 =	veq.s32 v61, $0x0;
	v16 =	vadd.f32 v29, v16  }
0x1ae: {  	v32 =	vld [tilespmem:s24+$0xA0];
	v31 =	vsel vm9, $0x0, v0  }
0x1af: {  	vm10 =	veq.s32 v63, $0x0;
	v16 =	vadd.f32 v31, v16  }
0x1b0: {  	v34 =	vld [tilespmem:s24+$0xB0];
	v33 =	vsel vm10, $0x0, v0  }
0x1b1: {  	vm11 =	veq.s32 v30, $0x0;
	v16 =	vadd.f32 v33, v16  }
0x1b2: {  	v36 =	vld [tilespmem:s24+$0xB8];
	v35 =	vsel vm11, $0x0, v0  }
0x1b3: {  	vm12 =	veq.s32 v32, $0x0;
	v16 =	vadd.f32 v35, v16  }
0x1b4: {  	v37 =	vsel vm12, $0x0, v0  }
0x1b5: {  	vm13 =	veq.s32 v34, $0x0;
	v16 =	vadd.f32 v37, v16  }
0x1b6: {  	v38 =	vsel vm13, $0x0, v0  }
0x1b7: {  	vm14 =	veq.s32 v36, $0x0;
	v16 =	vadd.f32 v38, v16  }
0x1b8: {  	v39 =	vsel vm14, $0x0, v1  }
0x1b9: {  	v16 =	vadd.f32 v39, v16;
	_ =	sdelay $0x1  }
0x1ba: {  	(xrf2) =	vadd.scan.msk.f32 $0xffff, v16;
	_ =	sdelay $0x9  }
0x1bb: {  	v16, _, _ =	vpop (xrf2)  }
0x1bc: {  	v16 =	vmax.f32 v16, $1.000000000e+00  }
0x1bd: {  	v16 =	vbroadcast v16, $0xF;
	_ =	sdelay $0x1  }
0x1be: {  	(erf) = vrcp.f32 v16;
	_ =	sdelay $0x3  }
0x1bf: {  	v9 =	vadd.f32 v13, v9  }
0x1c0: {  	v12 =	vadd.f32 v14, v12  }
0x1c1: {  	v9 =	vadd.f32 v26, v9;
	v10 =	vadd.f32 v23, v10  }
0x1c2: {  	v11 =	vadd.f32 v24, v11;
	v12 =	vadd.f32 v25, v12  }
0x1c3: {  	v9 =	vadd.f32 v9, v10  }
0x1c4: {  	v40 =	vadd.f32 v12, v11;
	v41 =	vpop (erf)  }
0x1c5: {  	s18 =	sshllo.u32 s18, $0x2;
	s20 =	sshll.u32 s20, $0x5;
	v9 =	vmul.f32 v41, v9  }
0x1c6: {  	s20 =	sand.u32 $0x3FFFFFC0, s20;
	s22 =	smul.u32 $0x320, s18;
	v10 =	vmul.f32 v41, v40  }
0x1c7: {  	[tilespmem:s20+$0x12C00] =	vst v9  }
0x1c8: {  	s24 =	sshra.s32 s22, $0x2;
	[tilespmem:s20+$0x12C10] =	vst v10  }
0x1c9: {  	v9 =	vld [tilespmem:s24+$0x0]  }
0x1ca: {  	v10 =	vld [tilespmem:s24+$0x10];
	_ =	sdelay $0x1  }
0x1cb: {  	v42 =	vld [tilespmem:s24+$0x20];
	_ =	sdelay $0x1  }
0x1cc: {  	v43 =	vld [tilespmem:s24+$0x30]  }
0x1cd: {  	vm15 =	veq.s32 v9, $0x0;
	vm4 =	veq.s32 v10, $0x0  }
0x1ce: {  	v44 =	vld [tilespmem:s24+$0x40];
	v9 =	vsel vm15, $0x0, v0;
	v10 =	vsel vm4, $0x0, v0  }
0x1cf: {  	vm5 =	veq.s32 v42, $0x0;
	v9 =	vadd.f32 v10, v9  }
0x1d0: {  	v46 =	vld [tilespmem:s24+$0x50];
	v45 =	vsel vm5, $0x0, v0  }
0x1d1: {  	vm6 =	veq.s32 v43, $0x0;
	v9 =	vadd.f32 v45, v9  }
0x1d2: {  	v48 =	vld [tilespmem:s24+$0x60];
	v47 =	vsel vm6, $0x0, v0  }
0x1d3: {  	vm7 =	veq.s32 v44, $0x0;
	v9 =	vadd.f32 v47, v9  }
0x1d4: {  	v50 =	vld [tilespmem:s24+$0x70];
	v49 =	vsel vm7, $0x0, v0  }
0x1d5: {  	vm8 =	veq.s32 v46, $0x0;
	v9 =	vadd.f32 v49, v9  }
0x1d6: {  	v52 =	vld [tilespmem:s24+$0x80];
	v51 =	vsel vm8, $0x0, v0  }
0x1d7: {  	vm9 =	veq.s32 v48, $0x0;
	v9 =	vadd.f32 v51, v9  }
0x1d8: {  	v54 =	vld [tilespmem:s24+$0x90];
	v53 =	vsel vm9, $0x0, v0  }
0x1d9: {  	vm10 =	veq.s32 v50, $0x0;
	v9 =	vadd.f32 v53, v9  }
0x1da: {  	v56 =	vld [tilespmem:s24+$0xA0];
	v55 =	vsel vm10, $0x0, v0  }
0x1db: {  	vm11 =	veq.s32 v52, $0x0;
	v9 =	vadd.f32 v55, v9  }
0x1dc: {  	v58 =	vld [tilespmem:s24+$0xB0];
	v57 =	vsel vm11, $0x0, v0  }
0x1dd: {  	vm12 =	veq.s32 v54, $0x0;
	v9 =	vadd.f32 v57, v9  }
0x1de: {  	v60 =	vld [tilespmem:s24+$0xB8];
	v59 =	vsel vm12, $0x0, v0  }
0x1df: {  	vm13 =	veq.s32 v56, $0x0;
	v9 =	vadd.f32 v59, v9  }
0x1e0: {  	v61 =	vsel vm13, $0x0, v0  }
0x1e1: {  	vm14 =	veq.s32 v58, $0x0;
	v9 =	vadd.f32 v61, v9  }
0x1e2: {  	v62 =	vsel vm14, $0x0, v0  }
0x1e3: {  	vm15 =	veq.s32 v60, $0x0;
	v9 =	vadd.f32 v62, v9  }
0x1e4: {  	v63 =	vsel vm15, $0x0, v1  }
0x1e5: {  	v9 =	vadd.f32 v63, v9;
	_ =	sdelay $0x1  }
0x1e6: {  	(xrf2) =	vadd.scan.msk.f32 $0xffff, v9;
	_ =	sdelay $0x9  }
0x1e7: {  	v9, _, _ =	vpop (xrf2)  }
0x1e8: {  	v9 =	vmax.f32 v9, $1.000000000e+00  }
0x1e9: {  	v9 =	vbroadcast v9, $0xF;
	_ =	sdelay $0x1  }
0x1ea: {  	(erf) = vrcp.f32 v9;
	_ =	sdelay $0x2  }
0x1eb: {  	v3 =	vadd.f32 v7, v3  }
0x1ec: {  	v4 =	vadd.f32 v6, v4;
	v5 =	vadd.f32 v8, v5  }
0x1ed: {  	v3 =	vadd.f32 v19, v3  }
0x1ee: {  	v4 =	vadd.f32 v17, v4;
	v5 =	vadd.f32 v22, v5  }
0x1ef: {  	v2 =	vadd.f32 v15, v2  }
0x1f0: {  	v4 =	vadd.f32 v5, v4  }
.Ltmp4:
0x1f1: {  	v2 =	vadd.f32 v2, v3;
	v3 =	vpop (erf);
	(pc) =	sbr.rel @p0 .LBB2_8-.Ltmp4, $4  }
0x1f2: {  	s18 =	sshll.u32 s18, $0x5;
	v4 =	vmul.f32 v3, v4  }
0x1f3: {  	s18 =	sand.u32 $0x3FFFFFE0, s18;
	v2 =	vmul.f32 v3, v2  }
0x1f4: {  	[tilespmem:s18+$0x12C00] =	vst v4  }
0x1f5: {  	[tilespmem:s18+$0x12C10] =	vst v2  }
0x1f6: {  	s18 =	sadd.s32 $0x960, s17  }
0x1f7: {  	[tilespmem:s23], [sflag:$0x2] =	stream.indirect.gather [hbm4b:s3+s8], $0x20, s18, s8, $0xb8;
	[tilespmem:$0x13C00] =	vst v63  }
0x1f8: {  	s22 =	sadd.s32 $0x9E0, s17  }
0x1f9: {  	[tilespmem:s25], [sflag:$0x2] =	stream.indirect.gather [hbm4b:s3+s8], $0x20, s22, s8, $0xb8;
	[tilespmem:$0x13C00] =	vst v63  }
0x1fa: {  	s24 =	sadd.s32 $0xA60, s17  }
0x1fb: {  	[tilespmem:s28], [sflag:$0x2] =	stream.indirect.gather [hbm4b:s3+s8], $0x20, s24, s8, $0xb8;
	[tilespmem:$0x13C00] =	vst v63  }
0x1fc: {  	s20 =	sadd.s32 $0xAE0, s17  }
0x1fd: {  	[tilespmem:s30], [sflag:$0x2] =	stream.indirect.gather [hbm4b:s3+s8], $0x20, s20, s8, $0xb8;
	[tilespmem:$0x13C00] =	vst v63  }
0x1fe: {  	s21 =	sadd.s32 $0xB60, s17  }
0x1ff: {  	[tilespmem:s1], [sflag:$0x2] =	stream.indirect.gather [hbm4b:s3+s8], $0x20, s21, s8, $0xb8;
	[tilespmem:$0x13C00] =	vst v63  }
.Ltmp5:
0x200: {  	_ = 	snop;
	(pc) =	sbr.rel .LBB2_2-.Ltmp5, $4  }
0x201: {  	s22 =	sadd.s32 $0xBE0, s17  }
0x202: {  	[tilespmem:s9], [sflag:$0x2] =	stream.indirect.gather [hbm4b:s3+s8], $0x20, s22, s8, $0xb8;
	[tilespmem:$0x13C00] =	vst v63  }
0x203: {  	s16 =	sadd.s32 $0x1, s16;
	s24 =	sadd.s32 $0xC60, s17  }
0x204: {  	[tilespmem:s11], [sflag:$0x2] =	stream.indirect.gather [hbm4b:s3+s19], $0x20, s24, s19, $0xb8;
	[tilespmem:$0x13C00] =	vst v63  }
.LBB2_9:
0x205: {  	_ =	sfence.sel $0x180000  }
0x206: {  	[bflag:$0x0] =	sbarrier.arrive $0xFFFF  }
0x207: {  	_ =	strace $0x90000047  }
0x208: {  	s0 =	stileid.u32;
	[bflag:$0x2] =	sbarrier.arrive $0xFFFF  }
0x209: {  	p0 =	sne.s32 s0, $0x0;
	s0 =	rddreg [dreg:$0x2]  }
0x20a: {  	s0 =	sadd.s32 @!p0 $0x100000, s0  }
0x20b: {  	[sflag:s0] =	ssyncadd.tile.s32 @!p0 $0x1;
	_ =	shalt  }
.Lfunc_end2:
_tile_overlayer_lowered:
.L_overlay_start_2:
0x20c: {  	(tag) =	ssettag $0x2  }
0x20d: {  	s0 =	rddreg [dreg:$0x0];
	s2 =	stileid.u32  }
0x20e: {  	s1 =	rddreg [dreg:$0x1];
	p0 =	sne.s32 s2, $0x0  }
0x20f: {  	s3 =	rddreg [dreg:$0x2];
	[bflag:$0x3] =	sbarrier.arrive $0xFFFF;
	s2 =	simm.s32 @!p0 $0x1C03  }
0x210: {  	[timem:s3], [sflag:s2] =	dma.local @!p0 [hbm:s0], s1  }
0x211: {  	s0 =	simm.s32 @!p0 $0x3  }
0x212: {  	_ =	swait.ge @!p0 [sflag:s0], s1  }
0x213: {  	s1 =	ssub.s32 @!p0 $0x0, s1;
	[sflag:s0] =	ssyncset.done @!p0 $0x0  }
0x214: {  	[sflag:s0] =	ssyncadd.s32 @!p0 s1  }
0x215: {  	[bflag:$0x3] =	sbarrier.arrive $0xFFFF  }
0x216: {  	_ =	shalt  }

</sc_bundles>
